<compile_context>
chip_gen: v7x
topology: tpu7x:2x2x1
jax: 0.10.2.dev20260603
libtpu: 0.0.44.dev20260713+nightly
codegen_flags: <defaults>
</compile_context>

<pallas_src>
import functools
import jax
import jax.numpy as jnp
from jax import lax
from jax.experimental import pallas as pl
from jax.experimental.pallas import tpu as pltpu
from jax.experimental.pallas import tpu_sc as plsc

NP_ = 1024
K_ = 16


def _leaky(v):
    return jnp.where(v >= 0, v, 0.01 * v)


def _prep_body(xin_ref, w1a_ref, w1b_ref, b1_ref, idx_ref, a_ref, bm_ref):
    b = pl.program_id(0)
    x = xin_ref[0]
    F = w1a_ref.shape[1]
    pad = jnp.zeros((NP_, 128 - F), jnp.float32) if F < 128 else None
    a = jnp.dot(x, w1a_ref[...], preferred_element_type=jnp.float32) + b1_ref[0]
    bm = jnp.dot(x, w1b_ref[...], preferred_element_type=jnp.float32)
    if pad is not None:
        a = jnp.concatenate([a, pad], axis=1)
        bm = jnp.concatenate([bm, pad], axis=1)
    a_ref[0] = a
    bm_ref[0] = bm
    sq = jnp.sum(x * x, axis=1)
    xxt = lax.dot_general(x, x, (((1,), (1,)), ((), ())),
                          preferred_element_type=jnp.float32)
    d2 = sq[:, None] + sq[None, :] - 2.0 * xxt
    iota = lax.broadcasted_iota(jnp.int32, (1, NP_), 1).astype(jnp.float32)
    base = b * NP_
    cols = []
    for _ in range(K_):
        m = jnp.min(d2, axis=1)
        cmp = d2 <= m[:, None]
        idxsel = jnp.min(jnp.where(cmp, iota, jnp.float32(2048.0)), axis=1)
        cols.append(idxsel)
        d2 = jnp.where(cmp, jnp.float32(jnp.inf), d2)
    idx_ref[0] = jnp.stack(cols, axis=0).astype(jnp.int32) + base


def _prep(xin, w1a, w1b, b1):
    B = xin.shape[0]
    d = xin.shape[2]
    F = w1a.shape[1]
    return pl.pallas_call(
        _prep_body,
        grid=(B,),
        in_specs=[
            pl.BlockSpec((1, NP_, d), lambda b: (b, 0, 0)),
            pl.BlockSpec((d, F), lambda b: (0, 0)),
            pl.BlockSpec((d, F), lambda b: (0, 0)),
            pl.BlockSpec((1, F), lambda b: (0, 0)),
        ],
        out_specs=[
            pl.BlockSpec((1, K_, NP_), lambda b: (b, 0, 0)),
            pl.BlockSpec((1, NP_, 128), lambda b: (b, 0, 0)),
            pl.BlockSpec((1, NP_, 128), lambda b: (b, 0, 0)),
        ],
        out_shape=[
            jax.ShapeDtypeStruct((B, K_, NP_), jnp.int32),
            jax.ShapeDtypeStruct((B, NP_, 128), jnp.float32),
            jax.ShapeDtypeStruct((B, NP_, 128), jnp.float32),
        ],
    )(xin, w1a, w1b, b1)


_CH = 128
_NBUF = 4


def _gather_rows(table, idx):
    R, F = table.shape
    E = idx.shape[0]
    C = E // _CH
    NW = 32
    cpw = C // NW
    idx2d = idx.reshape(C, _CH)
    mesh = plsc.VectorSubcoreMesh(core_axis_name="c", subcore_axis_name="s")

    @functools.partial(
        pl.kernel,
        out_type=jax.ShapeDtypeStruct((C, _CH, F), jnp.float32),
        mesh=mesh,
        scratch_types=[
            pltpu.VMEM((cpw, _CH), jnp.int32),
            *[pltpu.VMEM((_CH, F), jnp.float32) for _ in range(_NBUF)],
            pltpu.SemaphoreType.DMA,
            pltpu.SemaphoreType.DMA,
        ],
    )
    def k(table_hbm, idx_hbm, out_hbm, idx_v, b0, b1, b2, b3, gsem, osem):
        bufs = (b0, b1, b2, b3)
        wid = lax.axis_index("s") * 2 + lax.axis_index("c")
        base = wid * cpw
        pltpu.sync_copy(idx_hbm.at[pl.ds(base, cpw)], idx_v)

        def round_(i, _):
            j0 = i * _NBUF
            for b in range(_NBUF):
                pltpu.async_copy(table_hbm.at[idx_v.at[j0 + b]], bufs[b], gsem)
            for b in range(_NBUF):
                pltpu.make_async_copy(table_hbm.at[idx_v.at[j0 + b]],
                                      bufs[b], gsem).wait()
            for b in range(_NBUF):
                pltpu.async_copy(bufs[b], out_hbm.at[base + j0 + b], osem)
            for b in range(_NBUF):
                pltpu.make_async_copy(bufs[b], out_hbm.at[base + j0 + b],
                                      osem).wait()
            return 0

        lax.fori_loop(0, cpw // _NBUF, round_, 0)

    out = k(table, idx2d)
    return out.reshape(E, F)


def _edge_body(a_ref, g_ref, w2_ref, b2_ref, out_ref):
    A = a_ref[0]
    w2 = w2_ref[...]
    b2 = b2_ref[0]
    acc = None
    for k in range(K_):
        h = _leaky(A + g_ref[0, k])
        e = _leaky(jnp.dot(h, w2, preferred_element_type=jnp.float32) + b2)
        acc = e if acc is None else jnp.maximum(acc, e)
    out_ref[0] = acc


def _edge(a, g, w2, b2):
    B = a.shape[0]
    F = a.shape[2]
    Fo = w2.shape[1]
    return pl.pallas_call(
        _edge_body,
        grid=(B,),
        in_specs=[
            pl.BlockSpec((1, NP_, F), lambda b: (b, 0, 0)),
            pl.BlockSpec((1, K_, NP_, F), lambda b: (b, 0, 0, 0)),
            pl.BlockSpec((F, Fo), lambda b: (0, 0)),
            pl.BlockSpec((1, Fo), lambda b: (0, 0)),
        ],
        out_specs=pl.BlockSpec((1, NP_, Fo), lambda b: (b, 0, 0)),
        out_shape=jax.ShapeDtypeStruct((B, NP_, Fo), jnp.float32),
    )(a, g, w2, b2)


def _head_body(xx_ref, x1_ref, x2_ref, lw1a_ref, lw1b_ref, lw1c_ref, lb1_ref,
               lw2_ref, lb2_ref, mw1_ref, mb1_ref, mw2_ref, mb2_ref, out_ref):
    h = (jnp.dot(xx_ref[0], lw1a_ref[...], preferred_element_type=jnp.float32)
         + jnp.dot(x1_ref[0], lw1b_ref[...], preferred_element_type=jnp.float32)
         + jnp.dot(x2_ref[0], lw1c_ref[...], preferred_element_type=jnp.float32)
         + lb1_ref[0])
    h = _leaky(h)
    h = jnp.dot(h, lw2_ref[...], preferred_element_type=jnp.float32) + lb2_ref[0]
    p = _leaky(jnp.max(h, axis=0, keepdims=True))
    o = _leaky(jnp.dot(p, mw1_ref[...], preferred_element_type=jnp.float32)
               + mb1_ref[0])
    out_ref[0] = jnp.dot(o, mw2_ref[...], preferred_element_type=jnp.float32) \
        + mb2_ref[0]


def _head(xx, x1, x2, lw1, lb1, lw2, lb2, mw1, mb1, mw2, mb2):
    B, _, d0 = xx.shape
    F1 = x1.shape[2]
    H1 = lw1.shape[1]
    H2 = lw2.shape[1]
    H3 = mw1.shape[1]
    CLA = mw2.shape[1]
    lw1a = lw1[:d0]
    lw1b = lw1[d0:d0 + F1]
    lw1c = lw1[d0 + F1:]
    F2 = lw1c.shape[0]
    return pl.pallas_call(
        _head_body,
        grid=(B,),
        in_specs=[
            pl.BlockSpec((1, NP_, d0), lambda b: (b, 0, 0)),
            pl.BlockSpec((1, NP_, F1), lambda b: (b, 0, 0)),
            pl.BlockSpec((1, NP_, F2), lambda b: (b, 0, 0)),
            pl.BlockSpec((d0, H1), lambda b: (0, 0)),
            pl.BlockSpec((F1, H1), lambda b: (0, 0)),
            pl.BlockSpec((F2, H1), lambda b: (0, 0)),
            pl.BlockSpec((1, H1), lambda b: (0, 0)),
            pl.BlockSpec((H1, H2), lambda b: (0, 0)),
            pl.BlockSpec((1, H2), lambda b: (0, 0)),
            pl.BlockSpec((H2, H3), lambda b: (0, 0)),
            pl.BlockSpec((1, H3), lambda b: (0, 0)),
            pl.BlockSpec((H3, CLA), lambda b: (0, 0)),
            pl.BlockSpec((1, CLA), lambda b: (0, 0)),
        ],
        out_specs=pl.BlockSpec((1, 1, CLA), lambda b: (b, 0, 0)),
        out_shape=jax.ShapeDtypeStruct((B, 1, CLA), jnp.float32),
    )(xx, x1, x2, lw1a, lw1b, lw1c, lb1, lw2, lb2, mw1, mb1, mw2, mb2)[:, 0, :]


def _split_w(W1, d, b1):
    return W1[:d] - W1[d:], W1[d:], b1.reshape(1, -1)


def _conv_prep(xin, w1a, w1b, b1r):
    idx, a, bm = _prep(xin, w1a, w1b, b1r)
    B = xin.shape[0]
    g = _gather_rows(bm.reshape(B * NP_, 128), idx.reshape(B * K_ * NP_))
    return a, g.reshape(B, K_, NP_, 128)


def kernel(x, pos, batch, tq, c1_W1, c1_b1, c1_W2, c1_b2,
           c2_W1, c2_b1, c2_W2, c2_b2,
           l1_W1, l1_b1, l1_W2, l1_b2,
           m_W1, m_b1, m_W2, m_b2):
    N = x.shape[0]
    B = N // NP_
    xx = jnp.concatenate([x, pos], axis=1).reshape(B, NP_, 4)
    w1a1, w1b1, b1r1 = _split_w(c1_W1, 4, c1_b1)
    w2p1 = jnp.pad(c1_W2, ((0, 64), (0, 0)))
    w1a2, w1b2, b1r2 = _split_w(c2_W1, 64, c2_b1)
    b2r1 = c1_b2.reshape(1, -1)
    b2r2 = c2_b2.reshape(1, -1)

    H = B // 2
    halves = [xx[:H], xx[H:]]
    ag1 = [None, None]
    x1 = [None, None]
    ag2 = [None, None]
    x2 = [None, None]
    for h in range(2):
        ag1[h] = _conv_prep(halves[h], w1a1, w1b1, b1r1)
    for h in range(2):
        x1[h] = _edge(ag1[h][0], ag1[h][1], w2p1, b2r1)
        ag2[h] = _conv_prep(x1[h], w1a2, w1b2, b1r2)
    for h in range(2):
        x2[h] = _edge(ag2[h][0], ag2[h][1], c2_W2, b2r2)

    x1f = jnp.concatenate(x1, axis=0)
    x2f = jnp.concatenate(x2, axis=0)
    return _head(xx, x1f, x2f, l1_W1, l1_b1.reshape(1, -1),
                 l1_W2, l1_b2.reshape(1, -1),
                 m_W1, m_b1.reshape(1, -1), m_W2, m_b2.reshape(1, -1))

# --- scband reference (transcript-rebuilt; emitter-appended) ---
"""Pipeline reference for scband-dgcnn-type1-7438883356710 (READ-ONLY COPY).

The authoritative reference and input builder live on the scoring server;
editing this copy changes nothing except your own understanding.
"""

import jax, jax.numpy as jnp
import numpy as np

B = 32
NP = 1024
N = B * NP
K = 16
FEA = 1
CLA = 10


def _leaky(x):
    return jax.nn.leaky_relu(x, 0.01)


def _lin_init(key, fi, fo):
    k1, k2 = jax.random.split(key)
    lim = 1.0 / np.sqrt(fi)
    W = jax.random.uniform(k1, (fi, fo), minval=-lim, maxval=lim, dtype=jnp.float32)
    b = jax.random.uniform(k2, (fo,), minval=-lim, maxval=lim, dtype=jnp.float32)
    return W, b


def setup_inputs(seed: int = 0):
    key = jax.random.key(seed)
    ks = jax.random.split(key, 12)
    x = jax.random.normal(ks[0], (N, FEA), dtype=jnp.float32)
    pos = jax.random.normal(ks[1], (N, 3), dtype=jnp.float32)
    tq = jax.random.normal(ks[2], (N, FEA), dtype=jnp.float32)
    batch = jnp.repeat(jnp.arange(B, dtype=jnp.int32), NP)
    c1_W1, c1_b1 = _lin_init(ks[3], (FEA + 3) * 2, 64)
    c1_W2, c1_b2 = _lin_init(ks[4], 64, 64)
    c2_W1, c2_b1 = _lin_init(ks[5], 128, 128)
    c2_W2, c2_b2 = _lin_init(ks[6], 128, 64)
    l1_W1, l1_b1 = _lin_init(ks[7], 64 * 2 + FEA + 3, 512)
    l1_W2, l1_b2 = _lin_init(ks[8], 512, 256)
    m_W1, m_b1 = _lin_init(ks[9], 256, 128)
    m_W2, m_b2 = _lin_init(ks[10], 128, CLA)
    return {"x": x, "pos": pos, "batch": batch, "tq": tq,
            "c1_W1": c1_W1, "c1_b1": c1_b1, "c1_W2": c1_W2, "c1_b2": c1_b2,
            "c2_W1": c2_W1, "c2_b1": c2_b1, "c2_W2": c2_W2, "c2_b2": c2_b2,
            "l1_W1": l1_W1, "l1_b1": l1_b1, "l1_W2": l1_W2, "l1_b2": l1_b2,
            "m_W1": m_W1, "m_b1": m_b1, "m_W2": m_W2, "m_b2": m_b2}


def _edge_conv(x, W1, b1, W2, b2):
    # x: [B, n, d]. Dynamic kNN graph in feature space (self-loop included, as in PyG knn(x, x, k)).
    sq = jnp.sum(x * x, axis=-1)
    d2 = sq[:, :, None] + sq[:, None, :] - 2.0 * jnp.einsum('bnd,bmd->bnm', x, x)
    _, idx = jax.lax.top_k(-d2, K)  # [B, n, K] nearest-neighbor indices
    x_j = jax.vmap(lambda xb, ib: xb[ib])(x, idx)  # gather neighbors [B, n, K, d]
    x_i = jnp.broadcast_to(x[:, :, None, :], x_j.shape)
    msg = jnp.concatenate([x_i, x_j - x_i], axis=-1)
    h = _leaky(msg @ W1 + b1)
    h = _leaky(h @ W2 + b2)
    return jnp.max(h, axis=2)  # aggr='max' over neighbors


def reference(x, pos, batch, tq,
              c1_W1, c1_b1, c1_W2, c1_b2,
              c2_W1, c2_b1, c2_W2, c2_b2,
              l1_W1, l1_b1, l1_W2, l1_b2,
              m_W1, m_b1, m_W2, m_b2):
    # fea == 1: xx = cat([x, pos])
    xx = jnp.concatenate([x, pos], axis=1).reshape(B, NP, FEA + 3)
    x1 = _edge_conv(xx, c1_W1, c1_b1, c1_W2, c1_b2)
    # depths == 2 -> one application of conv2
    x2 = _edge_conv(x1, c2_W1, c2_b1, c2_W2, c2_b2)
    comb = jnp.concatenate([xx, x1, x2], axis=-1)  # [B, n, 132]
    h = _leaky(comb @ l1_W1 + l1_b1) @ l1_W2 + l1_b2
    out = jnp.max(h, axis=1)  # global_max_pool (pool == 0)
    out = _leaky(out)
    out = _leaky(out @ m_W1 + m_b1)
    out = out @ m_W2 + m_b2
    return out

if __name__ == "__main__":
    import jax
    _d = setup_inputs()
    print(jax.jit(kernel)(*tuple(_d.values())))

</pallas_src>

<mosaic_0001>
#map = affine_map<(d0, d1) -> (0, 0)>
#map1 = affine_map<(d0, d1) -> (0, 0, 0)>
module attributes {stable_mosaic.version = 14 : i64} {
  func.func @k(%arg0: i32, %arg1: i32, %arg2: memref<16384x128xf32, #tpu.memory_space<hbm>>, %arg3: memref<2048x128xi32, #tpu.memory_space<hbm>>, %arg4: memref<2048x128x128xf32, #tpu.memory_space<hbm>>, %arg5: memref<64x128xi32, #tpu.memory_space<vmem>>, %arg6: memref<128x128xf32, #tpu.memory_space<vmem>>, %arg7: memref<128x128xf32, #tpu.memory_space<vmem>>, %arg8: memref<128x128xf32, #tpu.memory_space<vmem>>, %arg9: memref<128x128xf32, #tpu.memory_space<vmem>>, %arg10: memref<!tpu.dma_semaphore, #tpu.memory_space<semaphore_mem>>, %arg11: memref<!tpu.dma_semaphore, #tpu.memory_space<semaphore_mem>>) attributes {dimension_semantics = [#tpu.dimension_semantics<core_parallel>, #tpu.dimension_semantics<subcore_parallel>], iteration_bounds = array<i64: 2, 16>, scalar_prefetch = 0 : i64, scratch_operands = 7 : i64, tpu.core_type = #tpu.core_type<sc_vector_subcore>, window_params = [{transform_indices = #map}, {transform_indices = #map}, {transform_indices = #map1}]} {
    %mul3A = arith.constant 2 : i32
    %mul3A_0 = arith.muli %arg1, %mul3A : i32
    %add3A = arith.addi %mul3A_0, %arg0 : i32
    %mul3A_1 = arith.constant 64 : i32
    %mul3A_2 = arith.muli %add3A, %mul3A_1 : i32
    "tpu.region"() ({
      %run_scoped3A = tpu.sem_alloc : memref<!tpu.dma_semaphore, #tpu.memory_space<semaphore_mem>>
      %dma_start3A = arith.constant 0 : i32
      %dma_start3A_9 = tpu.memref_slice %arg3[%mul3A_2, %dma_start3A] : memref<2048x128xi32, #tpu.memory_space<hbm>> -> memref<64x128xi32, #tpu.memory_space<hbm>>
      %dma_start3A_10 = arith.constant 0 : i32
      %dma_start3A_11 = tpu.memref_slice %arg3[%mul3A_2, %dma_start3A_10] : memref<2048x128xi32, #tpu.memory_space<hbm>> -> memref<64x128xi32, #tpu.memory_space<hbm>>
      tpu.enqueue_dma source(%dma_start3A_11 : memref<64x128xi32, #tpu.memory_space<hbm>>) target(%arg5 : memref<64x128xi32, #tpu.memory_space<vmem>>) target_semaphore(%run_scoped3A : memref<!tpu.dma_semaphore, #tpu.memory_space<semaphore_mem>>)
      %dma_wait3A = arith.constant 0 : i32
      %dma_wait3A_12 = tpu.memref_slice %arg3[%mul3A_2, %dma_wait3A] : memref<2048x128xi32, #tpu.memory_space<hbm>> -> memref<64x128xi32, #tpu.memory_space<hbm>>
      %dma_wait3A_13 = arith.constant 0 : i32
      %dma_wait3A_14 = tpu.memref_slice %arg3[%mul3A_2, %dma_wait3A_13] : memref<2048x128xi32, #tpu.memory_space<hbm>> -> memref<64x128xi32, #tpu.memory_space<hbm>>
      tpu.wait_dma2 semaphore(%run_scoped3A : memref<!tpu.dma_semaphore, #tpu.memory_space<semaphore_mem>>) src(%dma_wait3A_14 : memref<64x128xi32, #tpu.memory_space<hbm>>) dst(%arg5 : memref<64x128xi32, #tpu.memory_space<vmem>>)
      tpu.yield
    }) : () -> ()
    %scan3A = arith.constant 0 : i32
    %scan3A_3 = arith.constant 0 : i32
    %scan3A_4 = arith.constant 16 : i32
    %scan3A_5 = arith.addi %scan3A_3, %scan3A_4 : i32
    %scan3A_6 = arith.constant 1 : i32
    %scan3A_7 = scf.for %scan3A_9 = %scan3A_3 to %scan3A_5 step %scan3A_6 iter_args(%scan3A_10 = %scan3A) -> (i32)  : i32 {
      %mul3A_11 = arith.constant 4 : i32
      %mul3A_12 = arith.muli %scan3A_9, %mul3A_11 : i32
      %add3A_13 = arith.constant 0 : i32
      %add3A_14 = arith.addi %mul3A_12, %add3A_13 : i32
      %dma_start3A = arith.constant 0 : i32
      %dma_start3A_15 = tpu.memref_slice %arg5[%add3A_14, %dma_start3A] : memref<64x128xi32, #tpu.memory_space<vmem>> -> memref<1x128xi32, #tpu.memory_space<vmem>>
      %dma_start3A_16 = tpu.memref_squeeze %dma_start3A_15 : memref<1x128xi32, #tpu.memory_space<vmem>> -> memref<128xi32, #tpu.memory_space<vmem>>
      %dma_start3A_17 = arith.constant 0 : i32
      %dma_start3A_18 = arith.constant 0 : i32
      %dma_start3A_19 = tpu.memref_slice %arg2[%dma_start3A_17, %dma_start3A_18] : memref<16384x128xf32, #tpu.memory_space<hbm>> -> memref<16384x128xf32, #tpu.memory_space<hbm>>
      tpu.enqueue_indirect_dma source(%dma_start3A_19 : memref<16384x128xf32, #tpu.memory_space<hbm>>) target(%arg6 : memref<128x128xf32, #tpu.memory_space<vmem>>) offsets(%dma_start3A_16 : memref<128xi32, #tpu.memory_space<vmem>>) semaphore(%arg10 : memref<!tpu.dma_semaphore, #tpu.memory_space<semaphore_mem>>)
      %add3A_20 = arith.constant 1 : i32
      %add3A_21 = arith.addi %mul3A_12, %add3A_20 : i32
      %dma_start3A_22 = arith.constant 0 : i32
      %dma_start3A_23 = tpu.memref_slice %arg5[%add3A_21, %dma_start3A_22] : memref<64x128xi32, #tpu.memory_space<vmem>> -> memref<1x128xi32, #tpu.memory_space<vmem>>
      %dma_start3A_24 = tpu.memref_squeeze %dma_start3A_23 : memref<1x128xi32, #tpu.memory_space<vmem>> -> memref<128xi32, #tpu.memory_space<vmem>>
      %dma_start3A_25 = arith.constant 0 : i32
      %dma_start3A_26 = arith.constant 0 : i32
      %dma_start3A_27 = tpu.memref_slice %arg2[%dma_start3A_25, %dma_start3A_26] : memref<16384x128xf32, #tpu.memory_space<hbm>> -> memref<16384x128xf32, #tpu.memory_space<hbm>>
      tpu.enqueue_indirect_dma source(%dma_start3A_27 : memref<16384x128xf32, #tpu.memory_space<hbm>>) target(%arg7 : memref<128x128xf32, #tpu.memory_space<vmem>>) offsets(%dma_start3A_24 : memref<128xi32, #tpu.memory_space<vmem>>) semaphore(%arg10 : memref<!tpu.dma_semaphore, #tpu.memory_space<semaphore_mem>>)
      %add3A_28 = arith.constant 2 : i32
      %add3A_29 = arith.addi %mul3A_12, %add3A_28 : i32
      %dma_start3A_30 = arith.constant 0 : i32
      %dma_start3A_31 = tpu.memref_slice %arg5[%add3A_29, %dma_start3A_30] : memref<64x128xi32, #tpu.memory_space<vmem>> -> memref<1x128xi32, #tpu.memory_space<vmem>>
      %dma_start3A_32 = tpu.memref_squeeze %dma_start3A_31 : memref<1x128xi32, #tpu.memory_space<vmem>> -> memref<128xi32, #tpu.memory_space<vmem>>
      %dma_start3A_33 = arith.constant 0 : i32
      %dma_start3A_34 = arith.constant 0 : i32
      %dma_start3A_35 = tpu.memref_slice %arg2[%dma_start3A_33, %dma_start3A_34] : memref<16384x128xf32, #tpu.memory_space<hbm>> -> memref<16384x128xf32, #tpu.memory_space<hbm>>
      tpu.enqueue_indirect_dma source(%dma_start3A_35 : memref<16384x128xf32, #tpu.memory_space<hbm>>) target(%arg8 : memref<128x128xf32, #tpu.memory_space<vmem>>) offsets(%dma_start3A_32 : memref<128xi32, #tpu.memory_space<vmem>>) semaphore(%arg10 : memref<!tpu.dma_semaphore, #tpu.memory_space<semaphore_mem>>)
      %add3A_36 = arith.constant 3 : i32
      %add3A_37 = arith.addi %mul3A_12, %add3A_36 : i32
      %dma_start3A_38 = arith.constant 0 : i32
      %dma_start3A_39 = tpu.memref_slice %arg5[%add3A_37, %dma_start3A_38] : memref<64x128xi32, #tpu.memory_space<vmem>> -> memref<1x128xi32, #tpu.memory_space<vmem>>
      %dma_start3A_40 = tpu.memref_squeeze %dma_start3A_39 : memref<1x128xi32, #tpu.memory_space<vmem>> -> memref<128xi32, #tpu.memory_space<vmem>>
      %dma_start3A_41 = arith.constant 0 : i32
      %dma_start3A_42 = arith.constant 0 : i32
      %dma_start3A_43 = tpu.memref_slice %arg2[%dma_start3A_41, %dma_start3A_42] : memref<16384x128xf32, #tpu.memory_space<hbm>> -> memref<16384x128xf32, #tpu.memory_space<hbm>>
      tpu.enqueue_indirect_dma source(%dma_start3A_43 : memref<16384x128xf32, #tpu.memory_space<hbm>>) target(%arg9 : memref<128x128xf32, #tpu.memory_space<vmem>>) offsets(%dma_start3A_40 : memref<128xi32, #tpu.memory_space<vmem>>) semaphore(%arg10 : memref<!tpu.dma_semaphore, #tpu.memory_space<semaphore_mem>>)
      %add3A_44 = arith.constant 0 : i32
      %add3A_45 = arith.addi %mul3A_12, %add3A_44 : i32
      %dma_wait3A = arith.constant 0 : i32
      %dma_wait3A_46 = tpu.memref_slice %arg5[%add3A_45, %dma_wait3A] : memref<64x128xi32, #tpu.memory_space<vmem>> -> memref<1x128xi32, #tpu.memory_space<vmem>>
      %dma_wait3A_47 = tpu.memref_squeeze %dma_wait3A_46 : memref<1x128xi32, #tpu.memory_space<vmem>> -> memref<128xi32, #tpu.memory_space<vmem>>
      %dma_wait3A_48 = arith.constant 0 : i32
      %dma_wait3A_49 = arith.constant 0 : i32
      %dma_wait3A_50 = tpu.memref_slice %arg2[%dma_wait3A_48, %dma_wait3A_49] : memref<16384x128xf32, #tpu.memory_space<hbm>> -> memref<16384x128xf32, #tpu.memory_space<hbm>>
      tpu.wait_indirect_dma semaphore(%arg10 : memref<!tpu.dma_semaphore, #tpu.memory_space<semaphore_mem>>) src(%dma_wait3A_50 : memref<16384x128xf32, #tpu.memory_space<hbm>>) dst(%arg6 : memref<128x128xf32, #tpu.memory_space<vmem>>)
      %add3A_51 = arith.constant 1 : i32
      %add3A_52 = arith.addi %mul3A_12, %add3A_51 : i32
      %dma_wait3A_53 = arith.constant 0 : i32
      %dma_wait3A_54 = tpu.memref_slice %arg5[%add3A_52, %dma_wait3A_53] : memref<64x128xi32, #tpu.memory_space<vmem>> -> memref<1x128xi32, #tpu.memory_space<vmem>>
      %dma_wait3A_55 = tpu.memref_squeeze %dma_wait3A_54 : memref<1x128xi32, #tpu.memory_space<vmem>> -> memref<128xi32, #tpu.memory_space<vmem>>
      %dma_wait3A_56 = arith.constant 0 : i32
      %dma_wait3A_57 = arith.constant 0 : i32
      %dma_wait3A_58 = tpu.memref_slice %arg2[%dma_wait3A_56, %dma_wait3A_57] : memref<16384x128xf32, #tpu.memory_space<hbm>> -> memref<16384x128xf32, #tpu.memory_space<hbm>>
      tpu.wait_indirect_dma semaphore(%arg10 : memref<!tpu.dma_semaphore, #tpu.memory_space<semaphore_mem>>) src(%dma_wait3A_58 : memref<16384x128xf32, #tpu.memory_space<hbm>>) dst(%arg7 : memref<128x128xf32, #tpu.memory_space<vmem>>)
      %add3A_59 = arith.constant 2 : i32
      %add3A_60 = arith.addi %mul3A_12, %add3A_59 : i32
      %dma_wait3A_61 = arith.constant 0 : i32
      %dma_wait3A_62 = tpu.memref_slice %arg5[%add3A_60, %dma_wait3A_61] : memref<64x128xi32, #tpu.memory_space<vmem>> -> memref<1x128xi32, #tpu.memory_space<vmem>>
      %dma_wait3A_63 = tpu.memref_squeeze %dma_wait3A_62 : memref<1x128xi32, #tpu.memory_space<vmem>> -> memref<128xi32, #tpu.memory_space<vmem>>
      %dma_wait3A_64 = arith.constant 0 : i32
      %dma_wait3A_65 = arith.constant 0 : i32
      %dma_wait3A_66 = tpu.memref_slice %arg2[%dma_wait3A_64, %dma_wait3A_65] : memref<16384x128xf32, #tpu.memory_space<hbm>> -> memref<16384x128xf32, #tpu.memory_space<hbm>>
      tpu.wait_indirect_dma semaphore(%arg10 : memref<!tpu.dma_semaphore, #tpu.memory_space<semaphore_mem>>) src(%dma_wait3A_66 : memref<16384x128xf32, #tpu.memory_space<hbm>>) dst(%arg8 : memref<128x128xf32, #tpu.memory_space<vmem>>)
      %add3A_67 = arith.constant 3 : i32
      %add3A_68 = arith.addi %mul3A_12, %add3A_67 : i32
      %dma_wait3A_69 = arith.constant 0 : i32
      %dma_wait3A_70 = tpu.memref_slice %arg5[%add3A_68, %dma_wait3A_69] : memref<64x128xi32, #tpu.memory_space<vmem>> -> memref<1x128xi32, #tpu.memory_space<vmem>>
      %dma_wait3A_71 = tpu.memref_squeeze %dma_wait3A_70 : memref<1x128xi32, #tpu.memory_space<vmem>> -> memref<128xi32, #tpu.memory_space<vmem>>
      %dma_wait3A_72 = arith.constant 0 : i32
      %dma_wait3A_73 = arith.constant 0 : i32
      %dma_wait3A_74 = tpu.memref_slice %arg2[%dma_wait3A_72, %dma_wait3A_73] : memref<16384x128xf32, #tpu.memory_space<hbm>> -> memref<16384x128xf32, #tpu.memory_space<hbm>>
      tpu.wait_indirect_dma semaphore(%arg10 : memref<!tpu.dma_semaphore, #tpu.memory_space<semaphore_mem>>) src(%dma_wait3A_74 : memref<16384x128xf32, #tpu.memory_space<hbm>>) dst(%arg9 : memref<128x128xf32, #tpu.memory_space<vmem>>)
      %add3A_75 = arith.addi %mul3A_2, %mul3A_12 : i32
      %add3A_76 = arith.constant 0 : i32
      %add3A_77 = arith.addi %add3A_75, %add3A_76 : i32
      %dma_start3A_78 = arith.constant 0 : i32
      %dma_start3A_79 = arith.constant 0 : i32
      %dma_start3A_80 = tpu.memref_slice %arg4[%add3A_77, %dma_start3A_78, %dma_start3A_79] : memref<2048x128x128xf32, #tpu.memory_space<hbm>> -> memref<1x128x128xf32, #tpu.memory_space<hbm>>
      %dma_start3A_81 = tpu.memref_squeeze %dma_start3A_80 : memref<1x128x128xf32, #tpu.memory_space<hbm>> -> memref<128x128xf32, #tpu.memory_space<hbm>>
      %dma_start3A_82 = arith.constant 0 : i32
      %dma_start3A_83 = arith.constant 0 : i32
      %dma_start3A_84 = tpu.memref_slice %arg4[%add3A_77, %dma_start3A_82, %dma_start3A_83] : memref<2048x128x128xf32, #tpu.memory_space<hbm>> -> memref<1x128x128xf32, #tpu.memory_space<hbm>>
      %dma_start3A_85 = tpu.memref_squeeze %dma_start3A_84 : memref<1x128x128xf32, #tpu.memory_space<hbm>> -> memref<128x128xf32, #tpu.memory_space<hbm>>
      tpu.enqueue_dma source(%arg6 : memref<128x128xf32, #tpu.memory_space<vmem>>) target(%dma_start3A_85 : memref<128x128xf32, #tpu.memory_space<hbm>>) target_semaphore(%arg11 : memref<!tpu.dma_semaphore, #tpu.memory_space<semaphore_mem>>)
      %add3A_86 = arith.addi %mul3A_2, %mul3A_12 : i32
      %add3A_87 = arith.constant 1 : i32
      %add3A_88 = arith.addi %add3A_86, %add3A_87 : i32
      %dma_start3A_89 = arith.constant 0 : i32
      %dma_start3A_90 = arith.constant 0 : i32
      %dma_start3A_91 = tpu.memref_slice %arg4[%add3A_88, %dma_start3A_89, %dma_start3A_90] : memref<2048x128x128xf32, #tpu.memory_space<hbm>> -> memref<1x128x128xf32, #tpu.memory_space<hbm>>
      %dma_start3A_92 = tpu.memref_squeeze %dma_start3A_91 : memref<1x128x128xf32, #tpu.memory_space<hbm>> -> memref<128x128xf32, #tpu.memory_space<hbm>>
      %dma_start3A_93 = arith.constant 0 : i32
      %dma_start3A_94 = arith.constant 0 : i32
      %dma_start3A_95 = tpu.memref_slice %arg4[%add3A_88, %dma_start3A_93, %dma_start3A_94] : memref<2048x128x128xf32, #tpu.memory_space<hbm>> -> memref<1x128x128xf32, #tpu.memory_space<hbm>>
      %dma_start3A_96 = tpu.memref_squeeze %dma_start3A_95 : memref<1x128x128xf32, #tpu.memory_space<hbm>> -> memref<128x128xf32, #tpu.memory_space<hbm>>
      tpu.enqueue_dma source(%arg7 : memref<128x128xf32, #tpu.memory_space<vmem>>) target(%dma_start3A_96 : memref<128x128xf32, #tpu.memory_space<hbm>>) target_semaphore(%arg11 : memref<!tpu.dma_semaphore, #tpu.memory_space<semaphore_mem>>)
      %add3A_97 = arith.addi %mul3A_2, %mul3A_12 : i32
      %add3A_98 = arith.constant 2 : i32
      %add3A_99 = arith.addi %add3A_97, %add3A_98 : i32
      %dma_start3A_100 = arith.constant 0 : i32
      %dma_start3A_101 = arith.constant 0 : i32
      %dma_start3A_102 = tpu.memref_slice %arg4[%add3A_99, %dma_start3A_100, %dma_start3A_101] : memref<2048x128x128xf32, #tpu.memory_space<hbm>> -> memref<1x128x128xf32, #tpu.memory_space<hbm>>
      %dma_start3A_103 = tpu.memref_squeeze %dma_start3A_102 : memref<1x128x128xf32, #tpu.memory_space<hbm>> -> memref<128x128xf32, #tpu.memory_space<hbm>>
      %dma_start3A_104 = arith.constant 0 : i32
      %dma_start3A_105 = arith.constant 0 : i32
      %dma_start3A_106 = tpu.memref_slice %arg4[%add3A_99, %dma_start3A_104, %dma_start3A_105] : memref<2048x128x128xf32, #tpu.memory_space<hbm>> -> memref<1x128x128xf32, #tpu.memory_space<hbm>>
      %dma_start3A_107 = tpu.memref_squeeze %dma_start3A_106 : memref<1x128x128xf32, #tpu.memory_space<hbm>> -> memref<128x128xf32, #tpu.memory_space<hbm>>
      tpu.enqueue_dma source(%arg8 : memref<128x128xf32, #tpu.memory_space<vmem>>) target(%dma_start3A_107 : memref<128x128xf32, #tpu.memory_space<hbm>>) target_semaphore(%arg11 : memref<!tpu.dma_semaphore, #tpu.memory_space<semaphore_mem>>)
      %add3A_108 = arith.addi %mul3A_2, %mul3A_12 : i32
      %add3A_109 = arith.constant 3 : i32
      %add3A_110 = arith.addi %add3A_108, %add3A_109 : i32
      %dma_start3A_111 = arith.constant 0 : i32
      %dma_start3A_112 = arith.constant 0 : i32
      %dma_start3A_113 = tpu.memref_slice %arg4[%add3A_110, %dma_start3A_111, %dma_start3A_112] : memref<2048x128x128xf32, #tpu.memory_space<hbm>> -> memref<1x128x128xf32, #tpu.memory_space<hbm>>
      %dma_start3A_114 = tpu.memref_squeeze %dma_start3A_113 : memref<1x128x128xf32, #tpu.memory_space<hbm>> -> memref<128x128xf32, #tpu.memory_space<hbm>>
      %dma_start3A_115 = arith.constant 0 : i32
      %dma_start3A_116 = arith.constant 0 : i32
      %dma_start3A_117 = tpu.memref_slice %arg4[%add3A_110, %dma_start3A_115, %dma_start3A_116] : memref<2048x128x128xf32, #tpu.memory_space<hbm>> -> memref<1x128x128xf32, #tpu.memory_space<hbm>>
      %dma_start3A_118 = tpu.memref_squeeze %dma_start3A_117 : memref<1x128x128xf32, #tpu.memory_space<hbm>> -> memref<128x128xf32, #tpu.memory_space<hbm>>
      tpu.enqueue_dma source(%arg9 : memref<128x128xf32, #tpu.memory_space<vmem>>) target(%dma_start3A_118 : memref<128x128xf32, #tpu.memory_space<hbm>>) target_semaphore(%arg11 : memref<!tpu.dma_semaphore, #tpu.memory_space<semaphore_mem>>)
      %add3A_119 = arith.addi %mul3A_2, %mul3A_12 : i32
      %add3A_120 = arith.constant 0 : i32
      %add3A_121 = arith.addi %add3A_119, %add3A_120 : i32
      %dma_wait3A_122 = arith.constant 0 : i32
      %dma_wait3A_123 = arith.constant 0 : i32
      %dma_wait3A_124 = tpu.memref_slice %arg4[%add3A_121, %dma_wait3A_122, %dma_wait3A_123] : memref<2048x128x128xf32, #tpu.memory_space<hbm>> -> memref<1x128x128xf32, #tpu.memory_space<hbm>>
      %dma_wait3A_125 = tpu.memref_squeeze %dma_wait3A_124 : memref<1x128x128xf32, #tpu.memory_space<hbm>> -> memref<128x128xf32, #tpu.memory_space<hbm>>
      %dma_wait3A_126 = arith.constant 0 : i32
      %dma_wait3A_127 = arith.constant 0 : i32
      %dma_wait3A_128 = tpu.memref_slice %arg4[%add3A_121, %dma_wait3A_126, %dma_wait3A_127] : memref<2048x128x128xf32, #tpu.memory_space<hbm>> -> memref<1x128x128xf32, #tpu.memory_space<hbm>>
      %dma_wait3A_129 = tpu.memref_squeeze %dma_wait3A_128 : memref<1x128x128xf32, #tpu.memory_space<hbm>> -> memref<128x128xf32, #tpu.memory_space<hbm>>
      tpu.wait_dma2 semaphore(%arg11 : memref<!tpu.dma_semaphore, #tpu.memory_space<semaphore_mem>>) src(%arg6 : memref<128x128xf32, #tpu.memory_space<vmem>>) dst(%dma_wait3A_129 : memref<128x128xf32, #tpu.memory_space<hbm>>)
      %add3A_130 = arith.addi %mul3A_2, %mul3A_12 : i32
      %add3A_131 = arith.constant 1 : i32
      %add3A_132 = arith.addi %add3A_130, %add3A_131 : i32
      %dma_wait3A_133 = arith.constant 0 : i32
      %dma_wait3A_134 = arith.constant 0 : i32
      %dma_wait3A_135 = tpu.memref_slice %arg4[%add3A_132, %dma_wait3A_133, %dma_wait3A_134] : memref<2048x128x128xf32, #tpu.memory_space<hbm>> -> memref<1x128x128xf32, #tpu.memory_space<hbm>>
      %dma_wait3A_136 = tpu.memref_squeeze %dma_wait3A_135 : memref<1x128x128xf32, #tpu.memory_space<hbm>> -> memref<128x128xf32, #tpu.memory_space<hbm>>
      %dma_wait3A_137 = arith.constant 0 : i32
      %dma_wait3A_138 = arith.constant 0 : i32
      %dma_wait3A_139 = tpu.memref_slice %arg4[%add3A_132, %dma_wait3A_137, %dma_wait3A_138] : memref<2048x128x128xf32, #tpu.memory_space<hbm>> -> memref<1x128x128xf32, #tpu.memory_space<hbm>>
      %dma_wait3A_140 = tpu.memref_squeeze %dma_wait3A_139 : memref<1x128x128xf32, #tpu.memory_space<hbm>> -> memref<128x128xf32, #tpu.memory_space<hbm>>
      tpu.wait_dma2 semaphore(%arg11 : memref<!tpu.dma_semaphore, #tpu.memory_space<semaphore_mem>>) src(%arg7 : memref<128x128xf32, #tpu.memory_space<vmem>>) dst(%dma_wait3A_140 : memref<128x128xf32, #tpu.memory_space<hbm>>)
      %add3A_141 = arith.addi %mul3A_2, %mul3A_12 : i32
      %add3A_142 = arith.constant 2 : i32
      %add3A_143 = arith.addi %add3A_141, %add3A_142 : i32
      %dma_wait3A_144 = arith.constant 0 : i32
      %dma_wait3A_145 = arith.constant 0 : i32
      %dma_wait3A_146 = tpu.memref_slice %arg4[%add3A_143, %dma_wait3A_144, %dma_wait3A_145] : memref<2048x128x128xf32, #tpu.memory_space<hbm>> -> memref<1x128x128xf32, #tpu.memory_space<hbm>>
      %dma_wait3A_147 = tpu.memref_squeeze %dma_wait3A_146 : memref<1x128x128xf32, #tpu.memory_space<hbm>> -> memref<128x128xf32, #tpu.memory_space<hbm>>
      %dma_wait3A_148 = arith.constant 0 : i32
      %dma_wait3A_149 = arith.constant 0 : i32
      %dma_wait3A_150 = tpu.memref_slice %arg4[%add3A_143, %dma_wait3A_148, %dma_wait3A_149] : memref<2048x128x128xf32, #tpu.memory_space<hbm>> -> memref<1x128x128xf32, #tpu.memory_space<hbm>>
      %dma_wait3A_151 = tpu.memref_squeeze %dma_wait3A_150 : memref<1x128x128xf32, #tpu.memory_space<hbm>> -> memref<128x128xf32, #tpu.memory_space<hbm>>
      tpu.wait_dma2 semaphore(%arg11 : memref<!tpu.dma_semaphore, #tpu.memory_space<semaphore_mem>>) src(%arg8 : memref<128x128xf32, #tpu.memory_space<vmem>>) dst(%dma_wait3A_151 : memref<128x128xf32, #tpu.memory_space<hbm>>)
      %add3A_152 = arith.addi %mul3A_2, %mul3A_12 : i32
      %add3A_153 = arith.constant 3 : i32
      %add3A_154 = arith.addi %add3A_152, %add3A_153 : i32
      %dma_wait3A_155 = arith.constant 0 : i32
      %dma_wait3A_156 = arith.constant 0 : i32
      %dma_wait3A_157 = tpu.memref_slice %arg4[%add3A_154, %dma_wait3A_155, %dma_wait3A_156] : memref<2048x128x128xf32, #tpu.memory_space<hbm>> -> memref<1x128x128xf32, #tpu.memory_space<hbm>>
      %dma_wait3A_158 = tpu.memref_squeeze %dma_wait3A_157 : memref<1x128x128xf32, #tpu.memory_space<hbm>> -> memref<128x128xf32, #tpu.memory_space<hbm>>
      %dma_wait3A_159 = arith.constant 0 : i32
      %dma_wait3A_160 = arith.constant 0 : i32
      %dma_wait3A_161 = tpu.memref_slice %arg4[%add3A_154, %dma_wait3A_159, %dma_wait3A_160] : memref<2048x128x128xf32, #tpu.memory_space<hbm>> -> memref<1x128x128xf32, #tpu.memory_space<hbm>>
      %dma_wait3A_162 = tpu.memref_squeeze %dma_wait3A_161 : memref<1x128x128xf32, #tpu.memory_space<hbm>> -> memref<128x128xf32, #tpu.memory_space<hbm>>
      tpu.wait_dma2 semaphore(%arg11 : memref<!tpu.dma_semaphore, #tpu.memory_space<semaphore_mem>>) src(%arg9 : memref<128x128xf32, #tpu.memory_space<vmem>>) dst(%dma_wait3A_162 : memref<128x128xf32, #tpu.memory_space<hbm>>)
      %scan3A_163 = arith.constant 0 : i32
      scf.yield %scan3A_163 : i32
    }
    %scan3A_8 = arith.constant 16 : i32
    return
  }
}

#map = affine_map<(d0, d1) -> (0, 0)>
#map1 = affine_map<(d0, d1) -> (0, 0, 0)>
module attributes {stable_mosaic.version = 14 : i64} {
  func.func @k(%arg0: i32, %arg1: i32, %arg2: memref<16384x128xf32, #tpu.memory_space<hbm>>, %arg3: memref<2048x128xi32, #tpu.memory_space<hbm>>, %arg4: memref<2048x128x128xf32, #tpu.memory_space<hbm>>, %arg5: memref<64x128xi32, #tpu.memory_space<vmem>>, %arg6: memref<128x128xf32, #tpu.memory_space<vmem>>, %arg7: memref<128x128xf32, #tpu.memory_space<vmem>>, %arg8: memref<128x128xf32, #tpu.memory_space<vmem>>, %arg9: memref<128x128xf32, #tpu.memory_space<vmem>>, %arg10: memref<!tpu.dma_semaphore, #tpu.memory_space<semaphore_mem>>, %arg11: memref<!tpu.dma_semaphore, #tpu.memory_space<semaphore_mem>>) attributes {dimension_semantics = [#tpu.dimension_semantics<core_parallel>, #tpu.dimension_semantics<subcore_parallel>], iteration_bounds = array<i64: 2, 16>, scalar_prefetch = 0 : i64, scratch_operands = 7 : i64, tpu.core_type = #tpu.core_type<sc_vector_subcore>, window_params = [{transform_indices = #map}, {transform_indices = #map}, {transform_indices = #map1}]} {
    %mul3A = arith.constant 2 : i32
    %mul3A_0 = arith.muli %arg1, %mul3A : i32
    %add3A = arith.addi %mul3A_0, %arg0 : i32
    %mul3A_1 = arith.constant 64 : i32
    %mul3A_2 = arith.muli %add3A, %mul3A_1 : i32
    "tpu.region"() ({
      %run_scoped3A = tpu.sem_alloc : memref<!tpu.dma_semaphore, #tpu.memory_space<semaphore_mem>>
      %dma_start3A = arith.constant 0 : i32
      %dma_start3A_9 = tpu.memref_slice %arg3[%mul3A_2, %dma_start3A] : memref<2048x128xi32, #tpu.memory_space<hbm>> -> memref<64x128xi32, #tpu.memory_space<hbm>>
      %dma_start3A_10 = arith.constant 0 : i32
      %dma_start3A_11 = tpu.memref_slice %arg3[%mul3A_2, %dma_start3A_10] : memref<2048x128xi32, #tpu.memory_space<hbm>> -> memref<64x128xi32, #tpu.memory_space<hbm>>
      tpu.enqueue_dma source(%dma_start3A_11 : memref<64x128xi32, #tpu.memory_space<hbm>>) target(%arg5 : memref<64x128xi32, #tpu.memory_space<vmem>>) target_semaphore(%run_scoped3A : memref<!tpu.dma_semaphore, #tpu.memory_space<semaphore_mem>>)
      %dma_wait3A = arith.constant 0 : i32
      %dma_wait3A_12 = tpu.memref_slice %arg3[%mul3A_2, %dma_wait3A] : memref<2048x128xi32, #tpu.memory_space<hbm>> -> memref<64x128xi32, #tpu.memory_space<hbm>>
      %dma_wait3A_13 = arith.constant 0 : i32
      %dma_wait3A_14 = tpu.memref_slice %arg3[%mul3A_2, %dma_wait3A_13] : memref<2048x128xi32, #tpu.memory_space<hbm>> -> memref<64x128xi32, #tpu.memory_space<hbm>>
      tpu.wait_dma2 semaphore(%run_scoped3A : memref<!tpu.dma_semaphore, #tpu.memory_space<semaphore_mem>>) src(%dma_wait3A_14 : memref<64x128xi32, #tpu.memory_space<hbm>>) dst(%arg5 : memref<64x128xi32, #tpu.memory_space<vmem>>)
      tpu.yield
    }) : () -> ()
    %scan3A = arith.constant 0 : i32
    %scan3A_3 = arith.constant 0 : i32
    %scan3A_4 = arith.constant 16 : i32
    %scan3A_5 = arith.addi %scan3A_3, %scan3A_4 : i32
    %scan3A_6 = arith.constant 1 : i32
    %scan3A_7 = scf.for %scan3A_9 = %scan3A_3 to %scan3A_5 step %scan3A_6 iter_args(%scan3A_10 = %scan3A) -> (i32)  : i32 {
      %mul3A_11 = arith.constant 4 : i32
      %mul3A_12 = arith.muli %scan3A_9, %mul3A_11 : i32
      %add3A_13 = arith.constant 0 : i32
      %add3A_14 = arith.addi %mul3A_12, %add3A_13 : i32
      %dma_start3A = arith.constant 0 : i32
      %dma_start3A_15 = tpu.memref_slice %arg5[%add3A_14, %dma_start3A] : memref<64x128xi32, #tpu.memory_space<vmem>> -> memref<1x128xi32, #tpu.memory_space<vmem>>
      %dma_start3A_16 = tpu.memref_squeeze %dma_start3A_15 : memref<1x128xi32, #tpu.memory_space<vmem>> -> memref<128xi32, #tpu.memory_space<vmem>>
      %dma_start3A_17 = arith.constant 0 : i32
      %dma_start3A_18 = arith.constant 0 : i32
      %dma_start3A_19 = tpu.memref_slice %arg2[%dma_start3A_17, %dma_start3A_18] : memref<16384x128xf32, #tpu.memory_space<hbm>> -> memref<16384x128xf32, #tpu.memory_space<hbm>>
      tpu.enqueue_indirect_dma source(%dma_start3A_19 : memref<16384x128xf32, #tpu.memory_space<hbm>>) target(%arg6 : memref<128x128xf32, #tpu.memory_space<vmem>>) offsets(%dma_start3A_16 : memref<128xi32, #tpu.memory_space<vmem>>) semaphore(%arg10 : memref<!tpu.dma_semaphore, #tpu.memory_space<semaphore_mem>>)
      %add3A_20 = arith.constant 1 : i32
      %add3A_21 = arith.addi %mul3A_12, %add3A_20 : i32
      %dma_start3A_22 = arith.constant 0 : i32
      %dma_start3A_23 = tpu.memref_slice %arg5[%add3A_21, %dma_start3A_22] : memref<64x128xi32, #tpu.memory_space<vmem>> -> memref<1x128xi32, #tpu.memory_space<vmem>>
      %dma_start3A_24 = tpu.memref_squeeze %dma_start3A_23 : memref<1x128xi32, #tpu.memory_space<vmem>> -> memref<128xi32, #tpu.memory_space<vmem>>
      %dma_start3A_25 = arith.constant 0 : i32
      %dma_start3A_26 = arith.constant 0 : i32
      %dma_start3A_27 = tpu.memref_slice %arg2[%dma_start3A_25, %dma_start3A_26] : memref<16384x128xf32, #tpu.memory_space<hbm>> -> memref<16384x128xf32, #tpu.memory_space<hbm>>
      tpu.enqueue_indirect_dma source(%dma_start3A_27 : memref<16384x128xf32, #tpu.memory_space<hbm>>) target(%arg7 : memref<128x128xf32, #tpu.memory_space<vmem>>) offsets(%dma_start3A_24 : memref<128xi32, #tpu.memory_space<vmem>>) semaphore(%arg10 : memref<!tpu.dma_semaphore, #tpu.memory_space<semaphore_mem>>)
      %add3A_28 = arith.constant 2 : i32
      %add3A_29 = arith.addi %mul3A_12, %add3A_28 : i32
      %dma_start3A_30 = arith.constant 0 : i32
      %dma_start3A_31 = tpu.memref_slice %arg5[%add3A_29, %dma_start3A_30] : memref<64x128xi32, #tpu.memory_space<vmem>> -> memref<1x128xi32, #tpu.memory_space<vmem>>
      %dma_start3A_32 = tpu.memref_squeeze %dma_start3A_31 : memref<1x128xi32, #tpu.memory_space<vmem>> -> memref<128xi32, #tpu.memory_space<vmem>>
      %dma_start3A_33 = arith.constant 0 : i32
      %dma_start3A_34 = arith.constant 0 : i32
      %dma_start3A_35 = tpu.memref_slice %arg2[%dma_start3A_33, %dma_start3A_34] : memref<16384x128xf32, #tpu.memory_space<hbm>> -> memref<16384x128xf32, #tpu.memory_space<hbm>>
      tpu.enqueue_indirect_dma source(%dma_start3A_35 : memref<16384x128xf32, #tpu.memory_space<hbm>>) target(%arg8 : memref<128x128xf32, #tpu.memory_space<vmem>>) offsets(%dma_start3A_32 : memref<128xi32, #tpu.memory_space<vmem>>) semaphore(%arg10 : memref<!tpu.dma_semaphore, #tpu.memory_space<semaphore_mem>>)
      %add3A_36 = arith.constant 3 : i32
      %add3A_37 = arith.addi %mul3A_12, %add3A_36 : i32
      %dma_start3A_38 = arith.constant 0 : i32
      %dma_start3A_39 = tpu.memref_slice %arg5[%add3A_37, %dma_start3A_38] : memref<64x128xi32, #tpu.memory_space<vmem>> -> memref<1x128xi32, #tpu.memory_space<vmem>>
      %dma_start3A_40 = tpu.memref_squeeze %dma_start3A_39 : memref<1x128xi32, #tpu.memory_space<vmem>> -> memref<128xi32, #tpu.memory_space<vmem>>
      %dma_start3A_41 = arith.constant 0 : i32
      %dma_start3A_42 = arith.constant 0 : i32
      %dma_start3A_43 = tpu.memref_slice %arg2[%dma_start3A_41, %dma_start3A_42] : memref<16384x128xf32, #tpu.memory_space<hbm>> -> memref<16384x128xf32, #tpu.memory_space<hbm>>
      tpu.enqueue_indirect_dma source(%dma_start3A_43 : memref<16384x128xf32, #tpu.memory_space<hbm>>) target(%arg9 : memref<128x128xf32, #tpu.memory_space<vmem>>) offsets(%dma_start3A_40 : memref<128xi32, #tpu.memory_space<vmem>>) semaphore(%arg10 : memref<!tpu.dma_semaphore, #tpu.memory_space<semaphore_mem>>)
      %add3A_44 = arith.constant 0 : i32
      %add3A_45 = arith.addi %mul3A_12, %add3A_44 : i32
      %dma_wait3A = arith.constant 0 : i32
      %dma_wait3A_46 = tpu.memref_slice %arg5[%add3A_45, %dma_wait3A] : memref<64x128xi32, #tpu.memory_space<vmem>> -> memref<1x128xi32, #tpu.memory_space<vmem>>
      %dma_wait3A_47 = tpu.memref_squeeze %dma_wait3A_46 : memref<1x128xi32, #tpu.memory_space<vmem>> -> memref<128xi32, #tpu.memory_space<vmem>>
      %dma_wait3A_48 = arith.constant 0 : i32
      %dma_wait3A_49 = arith.constant 0 : i32
      %dma_wait3A_50 = tpu.memref_slice %arg2[%dma_wait3A_48, %dma_wait3A_49] : memref<16384x128xf32, #tpu.memory_space<hbm>> -> memref<16384x128xf32, #tpu.memory_space<hbm>>
      tpu.wait_indirect_dma semaphore(%arg10 : memref<!tpu.dma_semaphore, #tpu.memory_space<semaphore_mem>>) src(%dma_wait3A_50 : memref<16384x128xf32, #tpu.memory_space<hbm>>) dst(%arg6 : memref<128x128xf32, #tpu.memory_space<vmem>>)
      %add3A_51 = arith.constant 1 : i32
      %add3A_52 = arith.addi %mul3A_12, %add3A_51 : i32
      %dma_wait3A_53 = arith.constant 0 : i32
      %dma_wait3A_54 = tpu.memref_slice %arg5[%add3A_52, %dma_wait3A_53] : memref<64x128xi32, #tpu.memory_space<vmem>> -> memref<1x128xi32, #tpu.memory_space<vmem>>
      %dma_wait3A_55 = tpu.memref_squeeze %dma_wait3A_54 : memref<1x128xi32, #tpu.memory_space<vmem>> -> memref<128xi32, #tpu.memory_space<vmem>>
      %dma_wait3A_56 = arith.constant 0 : i32
      %dma_wait3A_57 = arith.constant 0 : i32
      %dma_wait3A_58 = tpu.memref_slice %arg2[%dma_wait3A_56, %dma_wait3A_57] : memref<16384x128xf32, #tpu.memory_space<hbm>> -> memref<16384x128xf32, #tpu.memory_space<hbm>>
      tpu.wait_indirect_dma semaphore(%arg10 : memref<!tpu.dma_semaphore, #tpu.memory_space<semaphore_mem>>) src(%dma_wait3A_58 : memref<16384x128xf32, #tpu.memory_space<hbm>>) dst(%arg7 : memref<128x128xf32, #tpu.memory_space<vmem>>)
      %add3A_59 = arith.constant 2 : i32
      %add3A_60 = arith.addi %mul3A_12, %add3A_59 : i32
      %dma_wait3A_61 = arith.constant 0 : i32
      %dma_wait3A_62 = tpu.memref_slice %arg5[%add3A_60, %dma_wait3A_61] : memref<64x128xi32, #tpu.memory_space<vmem>> -> memref<1x128xi32, #tpu.memory_space<vmem>>
      %dma_wait3A_63 = tpu.memref_squeeze %dma_wait3A_62 : memref<1x128xi32, #tpu.memory_space<vmem>> -> memref<128xi32, #tpu.memory_space<vmem>>
      %dma_wait3A_64 = arith.constant 0 : i32
      %dma_wait3A_65 = arith.constant 0 : i32
      %dma_wait3A_66 = tpu.memref_slice %arg2[%dma_wait3A_64, %dma_wait3A_65] : memref<16384x128xf32, #tpu.memory_space<hbm>> -> memref<16384x128xf32, #tpu.memory_space<hbm>>
      tpu.wait_indirect_dma semaphore(%arg10 : memref<!tpu.dma_semaphore, #tpu.memory_space<semaphore_mem>>) src(%dma_wait3A_66 : memref<16384x128xf32, #tpu.memory_space<hbm>>) dst(%arg8 : memref<128x128xf32, #tpu.memory_space<vmem>>)
      %add3A_67 = arith.constant 3 : i32
      %add3A_68 = arith.addi %mul3A_12, %add3A_67 : i32
      %dma_wait3A_69 = arith.constant 0 : i32
      %dma_wait3A_70 = tpu.memref_slice %arg5[%add3A_68, %dma_wait3A_69] : memref<64x128xi32, #tpu.memory_space<vmem>> -> memref<1x128xi32, #tpu.memory_space<vmem>>
      %dma_wait3A_71 = tpu.memref_squeeze %dma_wait3A_70 : memref<1x128xi32, #tpu.memory_space<vmem>> -> memref<128xi32, #tpu.memory_space<vmem>>
      %dma_wait3A_72 = arith.constant 0 : i32
      %dma_wait3A_73 = arith.constant 0 : i32
      %dma_wait3A_74 = tpu.memref_slice %arg2[%dma_wait3A_72, %dma_wait3A_73] : memref<16384x128xf32, #tpu.memory_space<hbm>> -> memref<16384x128xf32, #tpu.memory_space<hbm>>
      tpu.wait_indirect_dma semaphore(%arg10 : memref<!tpu.dma_semaphore, #tpu.memory_space<semaphore_mem>>) src(%dma_wait3A_74 : memref<16384x128xf32, #tpu.memory_space<hbm>>) dst(%arg9 : memref<128x128xf32, #tpu.memory_space<vmem>>)
      %add3A_75 = arith.addi %mul3A_2, %mul3A_12 : i32
      %add3A_76 = arith.constant 0 : i32
      %add3A_77 = arith.addi %add3A_75, %add3A_76 : i32
      %dma_start3A_78 = arith.constant 0 : i32
      %dma_start3A_79 = arith.constant 0 : i32
      %dma_start3A_80 = tpu.memref_slice %arg4[%add3A_77, %dma_start3A_78, %dma_start3A_79] : memref<2048x128x128xf32, #tpu.memory_space<hbm>> -> memref<1x128x128xf32, #tpu.memory_space<hbm>>
      %dma_start3A_81 = tpu.memref_squeeze %dma_start3A_80 : memref<1x128x128xf32, #tpu.memory_space<hbm>> -> memref<128x128xf32, #tpu.memory_space<hbm>>
      %dma_start3A_82 = arith.constant 0 : i32
      %dma_start3A_83 = arith.constant 0 : i32
      %dma_start3A_84 = tpu.memref_slice %arg4[%add3A_77, %dma_start3A_82, %dma_start3A_83] : memref<2048x128x128xf32, #tpu.memory_space<hbm>> -> memref<1x128x128xf32, #tpu.memory_space<hbm>>
      %dma_start3A_85 = tpu.memref_squeeze %dma_start3A_84 : memref<1x128x128xf32, #tpu.memory_space<hbm>> -> memref<128x128xf32, #tpu.memory_space<hbm>>
      tpu.enqueue_dma source(%arg6 : memref<128x128xf32, #tpu.memory_space<vmem>>) target(%dma_start3A_85 : memref<128x128xf32, #tpu.memory_space<hbm>>) target_semaphore(%arg11 : memref<!tpu.dma_semaphore, #tpu.memory_space<semaphore_mem>>)
      %add3A_86 = arith.addi %mul3A_2, %mul3A_12 : i32
      %add3A_87 = arith.constant 1 : i32
      %add3A_88 = arith.addi %add3A_86, %add3A_87 : i32
      %dma_start3A_89 = arith.constant 0 : i32
      %dma_start3A_90 = arith.constant 0 : i32
      %dma_start3A_91 = tpu.memref_slice %arg4[%add3A_88, %dma_start3A_89, %dma_start3A_90] : memref<2048x128x128xf32, #tpu.memory_space<hbm>> -> memref<1x128x128xf32, #tpu.memory_space<hbm>>
      %dma_start3A_92 = tpu.memref_squeeze %dma_start3A_91 : memref<1x128x128xf32, #tpu.memory_space<hbm>> -> memref<128x128xf32, #tpu.memory_space<hbm>>
      %dma_start3A_93 = arith.constant 0 : i32
      %dma_start3A_94 = arith.constant 0 : i32
      %dma_start3A_95 = tpu.memref_slice %arg4[%add3A_88, %dma_start3A_93, %dma_start3A_94] : memref<2048x128x128xf32, #tpu.memory_space<hbm>> -> memref<1x128x128xf32, #tpu.memory_space<hbm>>
      %dma_start3A_96 = tpu.memref_squeeze %dma_start3A_95 : memref<1x128x128xf32, #tpu.memory_space<hbm>> -> memref<128x128xf32, #tpu.memory_space<hbm>>
      tpu.enqueue_dma source(%arg7 : memref<128x128xf32, #tpu.memory_space<vmem>>) target(%dma_start3A_96 : memref<128x128xf32, #tpu.memory_space<hbm>>) target_semaphore(%arg11 : memref<!tpu.dma_semaphore, #tpu.memory_space<semaphore_mem>>)
      %add3A_97 = arith.addi %mul3A_2, %mul3A_12 : i32
      %add3A_98 = arith.constant 2 : i32
      %add3A_99 = arith.addi %add3A_97, %add3A_98 : i32
      %dma_start3A_100 = arith.constant 0 : i32
      %dma_start3A_101 = arith.constant 0 : i32
      %dma_start3A_102 = tpu.memref_slice %arg4[%add3A_99, %dma_start3A_100, %dma_start3A_101] : memref<2048x128x128xf32, #tpu.memory_space<hbm>> -> memref<1x128x128xf32, #tpu.memory_space<hbm>>
      %dma_start3A_103 = tpu.memref_squeeze %dma_start3A_102 : memref<1x128x128xf32, #tpu.memory_space<hbm>> -> memref<128x128xf32, #tpu.memory_space<hbm>>
      %dma_start3A_104 = arith.constant 0 : i32
      %dma_start3A_105 = arith.constant 0 : i32
      %dma_start3A_106 = tpu.memref_slice %arg4[%add3A_99, %dma_start3A_104, %dma_start3A_105] : memref<2048x128x128xf32, #tpu.memory_space<hbm>> -> memref<1x128x128xf32, #tpu.memory_space<hbm>>
      %dma_start3A_107 = tpu.memref_squeeze %dma_start3A_106 : memref<1x128x128xf32, #tpu.memory_space<hbm>> -> memref<128x128xf32, #tpu.memory_space<hbm>>
      tpu.enqueue_dma source(%arg8 : memref<128x128xf32, #tpu.memory_space<vmem>>) target(%dma_start3A_107 : memref<128x128xf32, #tpu.memory_space<hbm>>) target_semaphore(%arg11 : memref<!tpu.dma_semaphore, #tpu.memory_space<semaphore_mem>>)
      %add3A_108 = arith.addi %mul3A_2, %mul3A_12 : i32
      %add3A_109 = arith.constant 3 : i32
      %add3A_110 = arith.addi %add3A_108, %add3A_109 : i32
      %dma_start3A_111 = arith.constant 0 : i32
      %dma_start3A_112 = arith.constant 0 : i32
      %dma_start3A_113 = tpu.memref_slice %arg4[%add3A_110, %dma_start3A_111, %dma_start3A_112] : memref<2048x128x128xf32, #tpu.memory_space<hbm>> -> memref<1x128x128xf32, #tpu.memory_space<hbm>>
      %dma_start3A_114 = tpu.memref_squeeze %dma_start3A_113 : memref<1x128x128xf32, #tpu.memory_space<hbm>> -> memref<128x128xf32, #tpu.memory_space<hbm>>
      %dma_start3A_115 = arith.constant 0 : i32
      %dma_start3A_116 = arith.constant 0 : i32
      %dma_start3A_117 = tpu.memref_slice %arg4[%add3A_110, %dma_start3A_115, %dma_start3A_116] : memref<2048x128x128xf32, #tpu.memory_space<hbm>> -> memref<1x128x128xf32, #tpu.memory_space<hbm>>
      %dma_start3A_118 = tpu.memref_squeeze %dma_start3A_117 : memref<1x128x128xf32, #tpu.memory_space<hbm>> -> memref<128x128xf32, #tpu.memory_space<hbm>>
      tpu.enqueue_dma source(%arg9 : memref<128x128xf32, #tpu.memory_space<vmem>>) target(%dma_start3A_118 : memref<128x128xf32, #tpu.memory_space<hbm>>) target_semaphore(%arg11 : memref<!tpu.dma_semaphore, #tpu.memory_space<semaphore_mem>>)
      %add3A_119 = arith.addi %mul3A_2, %mul3A_12 : i32
      %add3A_120 = arith.constant 0 : i32
      %add3A_121 = arith.addi %add3A_119, %add3A_120 : i32
      %dma_wait3A_122 = arith.constant 0 : i32
      %dma_wait3A_123 = arith.constant 0 : i32
      %dma_wait3A_124 = tpu.memref_slice %arg4[%add3A_121, %dma_wait3A_122, %dma_wait3A_123] : memref<2048x128x128xf32, #tpu.memory_space<hbm>> -> memref<1x128x128xf32, #tpu.memory_space<hbm>>
      %dma_wait3A_125 = tpu.memref_squeeze %dma_wait3A_124 : memref<1x128x128xf32, #tpu.memory_space<hbm>> -> memref<128x128xf32, #tpu.memory_space<hbm>>
      %dma_wait3A_126 = arith.constant 0 : i32
      %dma_wait3A_127 = arith.constant 0 : i32
      %dma_wait3A_128 = tpu.memref_slice %arg4[%add3A_121, %dma_wait3A_126, %dma_wait3A_127] : memref<2048x128x128xf32, #tpu.memory_space<hbm>> -> memref<1x128x128xf32, #tpu.memory_space<hbm>>
      %dma_wait3A_129 = tpu.memref_squeeze %dma_wait3A_128 : memref<1x128x128xf32, #tpu.memory_space<hbm>> -> memref<128x128xf32, #tpu.memory_space<hbm>>
      tpu.wait_dma2 semaphore(%arg11 : memref<!tpu.dma_semaphore, #tpu.memory_space<semaphore_mem>>) src(%arg6 : memref<128x128xf32, #tpu.memory_space<vmem>>) dst(%dma_wait3A_129 : memref<128x128xf32, #tpu.memory_space<hbm>>)
      %add3A_130 = arith.addi %mul3A_2, %mul3A_12 : i32
      %add3A_131 = arith.constant 1 : i32
      %add3A_132 = arith.addi %add3A_130, %add3A_131 : i32
      %dma_wait3A_133 = arith.constant 0 : i32
      %dma_wait3A_134 = arith.constant 0 : i32
      %dma_wait3A_135 = tpu.memref_slice %arg4[%add3A_132, %dma_wait3A_133, %dma_wait3A_134] : memref<2048x128x128xf32, #tpu.memory_space<hbm>> -> memref<1x128x128xf32, #tpu.memory_space<hbm>>
      %dma_wait3A_136 = tpu.memref_squeeze %dma_wait3A_135 : memref<1x128x128xf32, #tpu.memory_space<hbm>> -> memref<128x128xf32, #tpu.memory_space<hbm>>
      %dma_wait3A_137 = arith.constant 0 : i32
      %dma_wait3A_138 = arith.constant 0 : i32
      %dma_wait3A_139 = tpu.memref_slice %arg4[%add3A_132, %dma_wait3A_137, %dma_wait3A_138] : memref<2048x128x128xf32, #tpu.memory_space<hbm>> -> memref<1x128x128xf32, #tpu.memory_space<hbm>>
      %dma_wait3A_140 = tpu.memref_squeeze %dma_wait3A_139 : memref<1x128x128xf32, #tpu.memory_space<hbm>> -> memref<128x128xf32, #tpu.memory_space<hbm>>
      tpu.wait_dma2 semaphore(%arg11 : memref<!tpu.dma_semaphore, #tpu.memory_space<semaphore_mem>>) src(%arg7 : memref<128x128xf32, #tpu.memory_space<vmem>>) dst(%dma_wait3A_140 : memref<128x128xf32, #tpu.memory_space<hbm>>)
      %add3A_141 = arith.addi %mul3A_2, %mul3A_12 : i32
      %add3A_142 = arith.constant 2 : i32
      %add3A_143 = arith.addi %add3A_141, %add3A_142 : i32
      %dma_wait3A_144 = arith.constant 0 : i32
      %dma_wait3A_145 = arith.constant 0 : i32
      %dma_wait3A_146 = tpu.memref_slice %arg4[%add3A_143, %dma_wait3A_144, %dma_wait3A_145] : memref<2048x128x128xf32, #tpu.memory_space<hbm>> -> memref<1x128x128xf32, #tpu.memory_space<hbm>>
      %dma_wait3A_147 = tpu.memref_squeeze %dma_wait3A_146 : memref<1x128x128xf32, #tpu.memory_space<hbm>> -> memref<128x128xf32, #tpu.memory_space<hbm>>
      %dma_wait3A_148 = arith.constant 0 : i32
      %dma_wait3A_149 = arith.constant 0 : i32
      %dma_wait3A_150 = tpu.memref_slice %arg4[%add3A_143, %dma_wait3A_148, %dma_wait3A_149] : memref<2048x128x128xf32, #tpu.memory_space<hbm>> -> memref<1x128x128xf32, #tpu.memory_space<hbm>>
      %dma_wait3A_151 = tpu.memref_squeeze %dma_wait3A_150 : memref<1x128x128xf32, #tpu.memory_space<hbm>> -> memref<128x128xf32, #tpu.memory_space<hbm>>
      tpu.wait_dma2 semaphore(%arg11 : memref<!tpu.dma_semaphore, #tpu.memory_space<semaphore_mem>>) src(%arg8 : memref<128x128xf32, #tpu.memory_space<vmem>>) dst(%dma_wait3A_151 : memref<128x128xf32, #tpu.memory_space<hbm>>)
      %add3A_152 = arith.addi %mul3A_2, %mul3A_12 : i32
      %add3A_153 = arith.constant 3 : i32
      %add3A_154 = arith.addi %add3A_152, %add3A_153 : i32
      %dma_wait3A_155 = arith.constant 0 : i32
      %dma_wait3A_156 = arith.constant 0 : i32
      %dma_wait3A_157 = tpu.memref_slice %arg4[%add3A_154, %dma_wait3A_155, %dma_wait3A_156] : memref<2048x128x128xf32, #tpu.memory_space<hbm>> -> memref<1x128x128xf32, #tpu.memory_space<hbm>>
      %dma_wait3A_158 = tpu.memref_squeeze %dma_wait3A_157 : memref<1x128x128xf32, #tpu.memory_space<hbm>> -> memref<128x128xf32, #tpu.memory_space<hbm>>
      %dma_wait3A_159 = arith.constant 0 : i32
      %dma_wait3A_160 = arith.constant 0 : i32
      %dma_wait3A_161 = tpu.memref_slice %arg4[%add3A_154, %dma_wait3A_159, %dma_wait3A_160] : memref<2048x128x128xf32, #tpu.memory_space<hbm>> -> memref<1x128x128xf32, #tpu.memory_space<hbm>>
      %dma_wait3A_162 = tpu.memref_squeeze %dma_wait3A_161 : memref<1x128x128xf32, #tpu.memory_space<hbm>> -> memref<128x128xf32, #tpu.memory_space<hbm>>
      tpu.wait_dma2 semaphore(%arg11 : memref<!tpu.dma_semaphore, #tpu.memory_space<semaphore_mem>>) src(%arg9 : memref<128x128xf32, #tpu.memory_space<vmem>>) dst(%dma_wait3A_162 : memref<128x128xf32, #tpu.memory_space<hbm>>)
      %scan3A_163 = arith.constant 0 : i32
      scf.yield %scan3A_163 : i32
    }
    %scan3A_8 = arith.constant 16 : i32
    return
  }
}

#map = affine_map<(d0, d1) -> (0, 0)>
#map1 = affine_map<(d0, d1) -> (0, 0, 0)>
module attributes {stable_mosaic.version = 14 : i64} {
  func.func @k(%arg0: i32, %arg1: i32, %arg2: memref<16384x128xf32, #tpu.memory_space<hbm>>, %arg3: memref<2048x128xi32, #tpu.memory_space<hbm>>, %arg4: memref<2048x128x128xf32, #tpu.memory_space<hbm>>, %arg5: memref<64x128xi32, #tpu.memory_space<vmem>>, %arg6: memref<128x128xf32, #tpu.memory_space<vmem>>, %arg7: memref<128x128xf32, #tpu.memory_space<vmem>>, %arg8: memref<128x128xf32, #tpu.memory_space<vmem>>, %arg9: memref<128x128xf32, #tpu.memory_space<vmem>>, %arg10: memref<!tpu.dma_semaphore, #tpu.memory_space<semaphore_mem>>, %arg11: memref<!tpu.dma_semaphore, #tpu.memory_space<semaphore_mem>>) attributes {dimension_semantics = [#tpu.dimension_semantics<core_parallel>, #tpu.dimension_semantics<subcore_parallel>], iteration_bounds = array<i64: 2, 16>, scalar_prefetch = 0 : i64, scratch_operands = 7 : i64, tpu.core_type = #tpu.core_type<sc_vector_subcore>, window_params = [{transform_indices = #map}, {transform_indices = #map}, {transform_indices = #map1}]} {
    %mul3A = arith.constant 2 : i32
    %mul3A_0 = arith.muli %arg1, %mul3A : i32
    %add3A = arith.addi %mul3A_0, %arg0 : i32
    %mul3A_1 = arith.constant 64 : i32
    %mul3A_2 = arith.muli %add3A, %mul3A_1 : i32
    "tpu.region"() ({
      %run_scoped3A = tpu.sem_alloc : memref<!tpu.dma_semaphore, #tpu.memory_space<semaphore_mem>>
      %dma_start3A = arith.constant 0 : i32
      %dma_start3A_9 = tpu.memref_slice %arg3[%mul3A_2, %dma_start3A] : memref<2048x128xi32, #tpu.memory_space<hbm>> -> memref<64x128xi32, #tpu.memory_space<hbm>>
      %dma_start3A_10 = arith.constant 0 : i32
      %dma_start3A_11 = tpu.memref_slice %arg3[%mul3A_2, %dma_start3A_10] : memref<2048x128xi32, #tpu.memory_space<hbm>> -> memref<64x128xi32, #tpu.memory_space<hbm>>
      tpu.enqueue_dma source(%dma_start3A_11 : memref<64x128xi32, #tpu.memory_space<hbm>>) target(%arg5 : memref<64x128xi32, #tpu.memory_space<vmem>>) target_semaphore(%run_scoped3A : memref<!tpu.dma_semaphore, #tpu.memory_space<semaphore_mem>>)
      %dma_wait3A = arith.constant 0 : i32
      %dma_wait3A_12 = tpu.memref_slice %arg3[%mul3A_2, %dma_wait3A] : memref<2048x128xi32, #tpu.memory_space<hbm>> -> memref<64x128xi32, #tpu.memory_space<hbm>>
      %dma_wait3A_13 = arith.constant 0 : i32
      %dma_wait3A_14 = tpu.memref_slice %arg3[%mul3A_2, %dma_wait3A_13] : memref<2048x128xi32, #tpu.memory_space<hbm>> -> memref<64x128xi32, #tpu.memory_space<hbm>>
      tpu.wait_dma2 semaphore(%run_scoped3A : memref<!tpu.dma_semaphore, #tpu.memory_space<semaphore_mem>>) src(%dma_wait3A_14 : memref<64x128xi32, #tpu.memory_space<hbm>>) dst(%arg5 : memref<64x128xi32, #tpu.memory_space<vmem>>)
      tpu.yield
    }) : () -> ()
    %scan3A = arith.constant 0 : i32
    %scan3A_3 = arith.constant 0 : i32
    %scan3A_4 = arith.constant 16 : i32
    %scan3A_5 = arith.addi %scan3A_3, %scan3A_4 : i32
    %scan3A_6 = arith.constant 1 : i32
    %scan3A_7 = scf.for %scan3A_9 = %scan3A_3 to %scan3A_5 step %scan3A_6 iter_args(%scan3A_10 = %scan3A) -> (i32)  : i32 {
      %mul3A_11 = arith.constant 4 : i32
      %mul3A_12 = arith.muli %scan3A_9, %mul3A_11 : i32
      %add3A_13 = arith.constant 0 : i32
      %add3A_14 = arith.addi %mul3A_12, %add3A_13 : i32
      %dma_start3A = arith.constant 0 : i32
      %dma_start3A_15 = tpu.memref_slice %arg5[%add3A_14, %dma_start3A] : memref<64x128xi32, #tpu.memory_space<vmem>> -> memref<1x128xi32, #tpu.memory_space<vmem>>
      %dma_start3A_16 = tpu.memref_squeeze %dma_start3A_15 : memref<1x128xi32, #tpu.memory_space<vmem>> -> memref<128xi32, #tpu.memory_space<vmem>>
      %dma_start3A_17 = arith.constant 0 : i32
      %dma_start3A_18 = arith.constant 0 : i32
      %dma_start3A_19 = tpu.memref_slice %arg2[%dma_start3A_17, %dma_start3A_18] : memref<16384x128xf32, #tpu.memory_space<hbm>> -> memref<16384x128xf32, #tpu.memory_space<hbm>>
      tpu.enqueue_indirect_dma source(%dma_start3A_19 : memref<16384x128xf32, #tpu.memory_space<hbm>>) target(%arg6 : memref<128x128xf32, #tpu.memory_space<vmem>>) offsets(%dma_start3A_16 : memref<128xi32, #tpu.memory_space<vmem>>) semaphore(%arg10 : memref<!tpu.dma_semaphore, #tpu.memory_space<semaphore_mem>>)
      %add3A_20 = arith.constant 1 : i32
      %add3A_21 = arith.addi %mul3A_12, %add3A_20 : i32
      %dma_start3A_22 = arith.constant 0 : i32
      %dma_start3A_23 = tpu.memref_slice %arg5[%add3A_21, %dma_start3A_22] : memref<64x128xi32, #tpu.memory_space<vmem>> -> memref<1x128xi32, #tpu.memory_space<vmem>>
      %dma_start3A_24 = tpu.memref_squeeze %dma_start3A_23 : memref<1x128xi32, #tpu.memory_space<vmem>> -> memref<128xi32, #tpu.memory_space<vmem>>
      %dma_start3A_25 = arith.constant 0 : i32
      %dma_start3A_26 = arith.constant 0 : i32
      %dma_start3A_27 = tpu.memref_slice %arg2[%dma_start3A_25, %dma_start3A_26] : memref<16384x128xf32, #tpu.memory_space<hbm>> -> memref<16384x128xf32, #tpu.memory_space<hbm>>
      tpu.enqueue_indirect_dma source(%dma_start3A_27 : memref<16384x128xf32, #tpu.memory_space<hbm>>) target(%arg7 : memref<128x128xf32, #tpu.memory_space<vmem>>) offsets(%dma_start3A_24 : memref<128xi32, #tpu.memory_space<vmem>>) semaphore(%arg10 : memref<!tpu.dma_semaphore, #tpu.memory_space<semaphore_mem>>)
      %add3A_28 = arith.constant 2 : i32
      %add3A_29 = arith.addi %mul3A_12, %add3A_28 : i32
      %dma_start3A_30 = arith.constant 0 : i32
      %dma_start3A_31 = tpu.memref_slice %arg5[%add3A_29, %dma_start3A_30] : memref<64x128xi32, #tpu.memory_space<vmem>> -> memref<1x128xi32, #tpu.memory_space<vmem>>
      %dma_start3A_32 = tpu.memref_squeeze %dma_start3A_31 : memref<1x128xi32, #tpu.memory_space<vmem>> -> memref<128xi32, #tpu.memory_space<vmem>>
      %dma_start3A_33 = arith.constant 0 : i32
      %dma_start3A_34 = arith.constant 0 : i32
      %dma_start3A_35 = tpu.memref_slice %arg2[%dma_start3A_33, %dma_start3A_34] : memref<16384x128xf32, #tpu.memory_space<hbm>> -> memref<16384x128xf32, #tpu.memory_space<hbm>>
      tpu.enqueue_indirect_dma source(%dma_start3A_35 : memref<16384x128xf32, #tpu.memory_space<hbm>>) target(%arg8 : memref<128x128xf32, #tpu.memory_space<vmem>>) offsets(%dma_start3A_32 : memref<128xi32, #tpu.memory_space<vmem>>) semaphore(%arg10 : memref<!tpu.dma_semaphore, #tpu.memory_space<semaphore_mem>>)
      %add3A_36 = arith.constant 3 : i32
      %add3A_37 = arith.addi %mul3A_12, %add3A_36 : i32
      %dma_start3A_38 = arith.constant 0 : i32
      %dma_start3A_39 = tpu.memref_slice %arg5[%add3A_37, %dma_start3A_38] : memref<64x128xi32, #tpu.memory_space<vmem>> -> memref<1x128xi32, #tpu.memory_space<vmem>>
      %dma_start3A_40 = tpu.memref_squeeze %dma_start3A_39 : memref<1x128xi32, #tpu.memory_space<vmem>> -> memref<128xi32, #tpu.memory_space<vmem>>
      %dma_start3A_41 = arith.constant 0 : i32
      %dma_start3A_42 = arith.constant 0 : i32
      %dma_start3A_43 = tpu.memref_slice %arg2[%dma_start3A_41, %dma_start3A_42] : memref<16384x128xf32, #tpu.memory_space<hbm>> -> memref<16384x128xf32, #tpu.memory_space<hbm>>
      tpu.enqueue_indirect_dma source(%dma_start3A_43 : memref<16384x128xf32, #tpu.memory_space<hbm>>) target(%arg9 : memref<128x128xf32, #tpu.memory_space<vmem>>) offsets(%dma_start3A_40 : memref<128xi32, #tpu.memory_space<vmem>>) semaphore(%arg10 : memref<!tpu.dma_semaphore, #tpu.memory_space<semaphore_mem>>)
      %add3A_44 = arith.constant 0 : i32
      %add3A_45 = arith.addi %mul3A_12, %add3A_44 : i32
      %dma_wait3A = arith.constant 0 : i32
      %dma_wait3A_46 = tpu.memref_slice %arg5[%add3A_45, %dma_wait3A] : memref<64x128xi32, #tpu.memory_space<vmem>> -> memref<1x128xi32, #tpu.memory_space<vmem>>
      %dma_wait3A_47 = tpu.memref_squeeze %dma_wait3A_46 : memref<1x128xi32, #tpu.memory_space<vmem>> -> memref<128xi32, #tpu.memory_space<vmem>>
      %dma_wait3A_48 = arith.constant 0 : i32
      %dma_wait3A_49 = arith.constant 0 : i32
      %dma_wait3A_50 = tpu.memref_slice %arg2[%dma_wait3A_48, %dma_wait3A_49] : memref<16384x128xf32, #tpu.memory_space<hbm>> -> memref<16384x128xf32, #tpu.memory_space<hbm>>
      tpu.wait_indirect_dma semaphore(%arg10 : memref<!tpu.dma_semaphore, #tpu.memory_space<semaphore_mem>>) src(%dma_wait3A_50 : memref<16384x128xf32, #tpu.memory_space<hbm>>) dst(%arg6 : memref<128x128xf32, #tpu.memory_space<vmem>>)
      %add3A_51 = arith.constant 1 : i32
      %add3A_52 = arith.addi %mul3A_12, %add3A_51 : i32
      %dma_wait3A_53 = arith.constant 0 : i32
      %dma_wait3A_54 = tpu.memref_slice %arg5[%add3A_52, %dma_wait3A_53] : memref<64x128xi32, #tpu.memory_space<vmem>> -> memref<1x128xi32, #tpu.memory_space<vmem>>
      %dma_wait3A_55 = tpu.memref_squeeze %dma_wait3A_54 : memref<1x128xi32, #tpu.memory_space<vmem>> -> memref<128xi32, #tpu.memory_space<vmem>>
      %dma_wait3A_56 = arith.constant 0 : i32
      %dma_wait3A_57 = arith.constant 0 : i32
      %dma_wait3A_58 = tpu.memref_slice %arg2[%dma_wait3A_56, %dma_wait3A_57] : memref<16384x128xf32, #tpu.memory_space<hbm>> -> memref<16384x128xf32, #tpu.memory_space<hbm>>
      tpu.wait_indirect_dma semaphore(%arg10 : memref<!tpu.dma_semaphore, #tpu.memory_space<semaphore_mem>>) src(%dma_wait3A_58 : memref<16384x128xf32, #tpu.memory_space<hbm>>) dst(%arg7 : memref<128x128xf32, #tpu.memory_space<vmem>>)
      %add3A_59 = arith.constant 2 : i32
      %add3A_60 = arith.addi %mul3A_12, %add3A_59 : i32
      %dma_wait3A_61 = arith.constant 0 : i32
      %dma_wait3A_62 = tpu.memref_slice %arg5[%add3A_60, %dma_wait3A_61] : memref<64x128xi32, #tpu.memory_space<vmem>> -> memref<1x128xi32, #tpu.memory_space<vmem>>
      %dma_wait3A_63 = tpu.memref_squeeze %dma_wait3A_62 : memref<1x128xi32, #tpu.memory_space<vmem>> -> memref<128xi32, #tpu.memory_space<vmem>>
      %dma_wait3A_64 = arith.constant 0 : i32
      %dma_wait3A_65 = arith.constant 0 : i32
      %dma_wait3A_66 = tpu.memref_slice %arg2[%dma_wait3A_64, %dma_wait3A_65] : memref<16384x128xf32, #tpu.memory_space<hbm>> -> memref<16384x128xf32, #tpu.memory_space<hbm>>
      tpu.wait_indirect_dma semaphore(%arg10 : memref<!tpu.dma_semaphore, #tpu.memory_space<semaphore_mem>>) src(%dma_wait3A_66 : memref<16384x128xf32, #tpu.memory_space<hbm>>) dst(%arg8 : memref<128x128xf32, #tpu.memory_space<vmem>>)
      %add3A_67 = arith.constant 3 : i32
      %add3A_68 = arith.addi %mul3A_12, %add3A_67 : i32
      %dma_wait3A_69 = arith.constant 0 : i32
      %dma_wait3A_70 = tpu.memref_slice %arg5[%add3A_68, %dma_wait3A_69] : memref<64x128xi32, #tpu.memory_space<vmem>> -> memref<1x128xi32, #tpu.memory_space<vmem>>
      %dma_wait3A_71 = tpu.memref_squeeze %dma_wait3A_70 : memref<1x128xi32, #tpu.memory_space<vmem>> -> memref<128xi32, #tpu.memory_space<vmem>>
      %dma_wait3A_72 = arith.constant 0 : i32
      %dma_wait3A_73 = arith.constant 0 : i32
      %dma_wait3A_74 = tpu.memref_slice %arg2[%dma_wait3A_72, %dma_wait3A_73] : memref<16384x128xf32, #tpu.memory_space<hbm>> -> memref<16384x128xf32, #tpu.memory_space<hbm>>
      tpu.wait_indirect_dma semaphore(%arg10 : memref<!tpu.dma_semaphore, #tpu.memory_space<semaphore_mem>>) src(%dma_wait3A_74 : memref<16384x128xf32, #tpu.memory_space<hbm>>) dst(%arg9 : memref<128x128xf32, #tpu.memory_space<vmem>>)
      %add3A_75 = arith.addi %mul3A_2, %mul3A_12 : i32
      %add3A_76 = arith.constant 0 : i32
      %add3A_77 = arith.addi %add3A_75, %add3A_76 : i32
      %dma_start3A_78 = arith.constant 0 : i32
      %dma_start3A_79 = arith.constant 0 : i32
      %dma_start3A_80 = tpu.memref_slice %arg4[%add3A_77, %dma_start3A_78, %dma_start3A_79] : memref<2048x128x128xf32, #tpu.memory_space<hbm>> -> memref<1x128x128xf32, #tpu.memory_space<hbm>>
      %dma_start3A_81 = tpu.memref_squeeze %dma_start3A_80 : memref<1x128x128xf32, #tpu.memory_space<hbm>> -> memref<128x128xf32, #tpu.memory_space<hbm>>
      %dma_start3A_82 = arith.constant 0 : i32
      %dma_start3A_83 = arith.constant 0 : i32
      %dma_start3A_84 = tpu.memref_slice %arg4[%add3A_77, %dma_start3A_82, %dma_start3A_83] : memref<2048x128x128xf32, #tpu.memory_space<hbm>> -> memref<1x128x128xf32, #tpu.memory_space<hbm>>
      %dma_start3A_85 = tpu.memref_squeeze %dma_start3A_84 : memref<1x128x128xf32, #tpu.memory_space<hbm>> -> memref<128x128xf32, #tpu.memory_space<hbm>>
      tpu.enqueue_dma source(%arg6 : memref<128x128xf32, #tpu.memory_space<vmem>>) target(%dma_start3A_85 : memref<128x128xf32, #tpu.memory_space<hbm>>) target_semaphore(%arg11 : memref<!tpu.dma_semaphore, #tpu.memory_space<semaphore_mem>>)
      %add3A_86 = arith.addi %mul3A_2, %mul3A_12 : i32
      %add3A_87 = arith.constant 1 : i32
      %add3A_88 = arith.addi %add3A_86, %add3A_87 : i32
      %dma_start3A_89 = arith.constant 0 : i32
      %dma_start3A_90 = arith.constant 0 : i32
      %dma_start3A_91 = tpu.memref_slice %arg4[%add3A_88, %dma_start3A_89, %dma_start3A_90] : memref<2048x128x128xf32, #tpu.memory_space<hbm>> -> memref<1x128x128xf32, #tpu.memory_space<hbm>>
      %dma_start3A_92 = tpu.memref_squeeze %dma_start3A_91 : memref<1x128x128xf32, #tpu.memory_space<hbm>> -> memref<128x128xf32, #tpu.memory_space<hbm>>
      %dma_start3A_93 = arith.constant 0 : i32
      %dma_start3A_94 = arith.constant 0 : i32
      %dma_start3A_95 = tpu.memref_slice %arg4[%add3A_88, %dma_start3A_93, %dma_start3A_94] : memref<2048x128x128xf32, #tpu.memory_space<hbm>> -> memref<1x128x128xf32, #tpu.memory_space<hbm>>
      %dma_start3A_96 = tpu.memref_squeeze %dma_start3A_95 : memref<1x128x128xf32, #tpu.memory_space<hbm>> -> memref<128x128xf32, #tpu.memory_space<hbm>>
      tpu.enqueue_dma source(%arg7 : memref<128x128xf32, #tpu.memory_space<vmem>>) target(%dma_start3A_96 : memref<128x128xf32, #tpu.memory_space<hbm>>) target_semaphore(%arg11 : memref<!tpu.dma_semaphore, #tpu.memory_space<semaphore_mem>>)
      %add3A_97 = arith.addi %mul3A_2, %mul3A_12 : i32
      %add3A_98 = arith.constant 2 : i32
      %add3A_99 = arith.addi %add3A_97, %add3A_98 : i32
      %dma_start3A_100 = arith.constant 0 : i32
      %dma_start3A_101 = arith.constant 0 : i32
      %dma_start3A_102 = tpu.memref_slice %arg4[%add3A_99, %dma_start3A_100, %dma_start3A_101] : memref<2048x128x128xf32, #tpu.memory_space<hbm>> -> memref<1x128x128xf32, #tpu.memory_space<hbm>>
      %dma_start3A_103 = tpu.memref_squeeze %dma_start3A_102 : memref<1x128x128xf32, #tpu.memory_space<hbm>> -> memref<128x128xf32, #tpu.memory_space<hbm>>
      %dma_start3A_104 = arith.constant 0 : i32
      %dma_start3A_105 = arith.constant 0 : i32
      %dma_start3A_106 = tpu.memref_slice %arg4[%add3A_99, %dma_start3A_104, %dma_start3A_105] : memref<2048x128x128xf32, #tpu.memory_space<hbm>> -> memref<1x128x128xf32, #tpu.memory_space<hbm>>
      %dma_start3A_107 = tpu.memref_squeeze %dma_start3A_106 : memref<1x128x128xf32, #tpu.memory_space<hbm>> -> memref<128x128xf32, #tpu.memory_space<hbm>>
      tpu.enqueue_dma source(%arg8 : memref<128x128xf32, #tpu.memory_space<vmem>>) target(%dma_start3A_107 : memref<128x128xf32, #tpu.memory_space<hbm>>) target_semaphore(%arg11 : memref<!tpu.dma_semaphore, #tpu.memory_space<semaphore_mem>>)
      %add3A_108 = arith.addi %mul3A_2, %mul3A_12 : i32
      %add3A_109 = arith.constant 3 : i32
      %add3A_110 = arith.addi %add3A_108, %add3A_109 : i32
      %dma_start3A_111 = arith.constant 0 : i32
      %dma_start3A_112 = arith.constant 0 : i32
      %dma_start3A_113 = tpu.memref_slice %arg4[%add3A_110, %dma_start3A_111, %dma_start3A_112] : memref<2048x128x128xf32, #tpu.memory_space<hbm>> -> memref<1x128x128xf32, #tpu.memory_space<hbm>>
      %dma_start3A_114 = tpu.memref_squeeze %dma_start3A_113 : memref<1x128x128xf32, #tpu.memory_space<hbm>> -> memref<128x128xf32, #tpu.memory_space<hbm>>
      %dma_start3A_115 = arith.constant 0 : i32
      %dma_start3A_116 = arith.constant 0 : i32
      %dma_start3A_117 = tpu.memref_slice %arg4[%add3A_110, %dma_start3A_115, %dma_start3A_116] : memref<2048x128x128xf32, #tpu.memory_space<hbm>> -> memref<1x128x128xf32, #tpu.memory_space<hbm>>
      %dma_start3A_118 = tpu.memref_squeeze %dma_start3A_117 : memref<1x128x128xf32, #tpu.memory_space<hbm>> -> memref<128x128xf32, #tpu.memory_space<hbm>>
      tpu.enqueue_dma source(%arg9 : memref<128x128xf32, #tpu.memory_space<vmem>>) target(%dma_start3A_118 : memref<128x128xf32, #tpu.memory_space<hbm>>) target_semaphore(%arg11 : memref<!tpu.dma_semaphore, #tpu.memory_space<semaphore_mem>>)
      %add3A_119 = arith.addi %mul3A_2, %mul3A_12 : i32
      %add3A_120 = arith.constant 0 : i32
      %add3A_121 = arith.addi %add3A_119, %add3A_120 : i32
      %dma_wait3A_122 = arith.constant 0 : i32
      %dma_wait3A_123 = arith.constant 0 : i32
      %dma_wait3A_124 = tpu.memref_slice %arg4[%add3A_121, %dma_wait3A_122, %dma_wait3A_123] : memref<2048x128x128xf32, #tpu.memory_space<hbm>> -> memref<1x128x128xf32, #tpu.memory_space<hbm>>
      %dma_wait3A_125 = tpu.memref_squeeze %dma_wait3A_124 : memref<1x128x128xf32, #tpu.memory_space<hbm>> -> memref<128x128xf32, #tpu.memory_space<hbm>>
      %dma_wait3A_126 = arith.constant 0 : i32
      %dma_wait3A_127 = arith.constant 0 : i32
      %dma_wait3A_128 = tpu.memref_slice %arg4[%add3A_121, %dma_wait3A_126, %dma_wait3A_127] : memref<2048x128x128xf32, #tpu.memory_space<hbm>> -> memref<1x128x128xf32, #tpu.memory_space<hbm>>
      %dma_wait3A_129 = tpu.memref_squeeze %dma_wait3A_128 : memref<1x128x128xf32, #tpu.memory_space<hbm>> -> memref<128x128xf32, #tpu.memory_space<hbm>>
      tpu.wait_dma2 semaphore(%arg11 : memref<!tpu.dma_semaphore, #tpu.memory_space<semaphore_mem>>) src(%arg6 : memref<128x128xf32, #tpu.memory_space<vmem>>) dst(%dma_wait3A_129 : memref<128x128xf32, #tpu.memory_space<hbm>>)
      %add3A_130 = arith.addi %mul3A_2, %mul3A_12 : i32
      %add3A_131 = arith.constant 1 : i32
      %add3A_132 = arith.addi %add3A_130, %add3A_131 : i32
      %dma_wait3A_133 = arith.constant 0 : i32
      %dma_wait3A_134 = arith.constant 0 : i32
      %dma_wait3A_135 = tpu.memref_slice %arg4[%add3A_132, %dma_wait3A_133, %dma_wait3A_134] : memref<2048x128x128xf32, #tpu.memory_space<hbm>> -> memref<1x128x128xf32, #tpu.memory_space<hbm>>
      %dma_wait3A_136 = tpu.memref_squeeze %dma_wait3A_135 : memref<1x128x128xf32, #tpu.memory_space<hbm>> -> memref<128x128xf32, #tpu.memory_space<hbm>>
      %dma_wait3A_137 = arith.constant 0 : i32
      %dma_wait3A_138 = arith.constant 0 : i32
      %dma_wait3A_139 = tpu.memref_slice %arg4[%add3A_132, %dma_wait3A_137, %dma_wait3A_138] : memref<2048x128x128xf32, #tpu.memory_space<hbm>> -> memref<1x128x128xf32, #tpu.memory_space<hbm>>
      %dma_wait3A_140 = tpu.memref_squeeze %dma_wait3A_139 : memref<1x128x128xf32, #tpu.memory_space<hbm>> -> memref<128x128xf32, #tpu.memory_space<hbm>>
      tpu.wait_dma2 semaphore(%arg11 : memref<!tpu.dma_semaphore, #tpu.memory_space<semaphore_mem>>) src(%arg7 : memref<128x128xf32, #tpu.memory_space<vmem>>) dst(%dma_wait3A_140 : memref<128x128xf32, #tpu.memory_space<hbm>>)
      %add3A_141 = arith.addi %mul3A_2, %mul3A_12 : i32
      %add3A_142 = arith.constant 2 : i32
      %add3A_143 = arith.addi %add3A_141, %add3A_142 : i32
      %dma_wait3A_144 = arith.constant 0 : i32
      %dma_wait3A_145 = arith.constant 0 : i32
      %dma_wait3A_146 = tpu.memref_slice %arg4[%add3A_143, %dma_wait3A_144, %dma_wait3A_145] : memref<2048x128x128xf32, #tpu.memory_space<hbm>> -> memref<1x128x128xf32, #tpu.memory_space<hbm>>
      %dma_wait3A_147 = tpu.memref_squeeze %dma_wait3A_146 : memref<1x128x128xf32, #tpu.memory_space<hbm>> -> memref<128x128xf32, #tpu.memory_space<hbm>>
      %dma_wait3A_148 = arith.constant 0 : i32
      %dma_wait3A_149 = arith.constant 0 : i32
      %dma_wait3A_150 = tpu.memref_slice %arg4[%add3A_143, %dma_wait3A_148, %dma_wait3A_149] : memref<2048x128x128xf32, #tpu.memory_space<hbm>> -> memref<1x128x128xf32, #tpu.memory_space<hbm>>
      %dma_wait3A_151 = tpu.memref_squeeze %dma_wait3A_150 : memref<1x128x128xf32, #tpu.memory_space<hbm>> -> memref<128x128xf32, #tpu.memory_space<hbm>>
      tpu.wait_dma2 semaphore(%arg11 : memref<!tpu.dma_semaphore, #tpu.memory_space<semaphore_mem>>) src(%arg8 : memref<128x128xf32, #tpu.memory_space<vmem>>) dst(%dma_wait3A_151 : memref<128x128xf32, #tpu.memory_space<hbm>>)
      %add3A_152 = arith.addi %mul3A_2, %mul3A_12 : i32
      %add3A_153 = arith.constant 3 : i32
      %add3A_154 = arith.addi %add3A_152, %add3A_153 : i32
      %dma_wait3A_155 = arith.constant 0 : i32
      %dma_wait3A_156 = arith.constant 0 : i32
      %dma_wait3A_157 = tpu.memref_slice %arg4[%add3A_154, %dma_wait3A_155, %dma_wait3A_156] : memref<2048x128x128xf32, #tpu.memory_space<hbm>> -> memref<1x128x128xf32, #tpu.memory_space<hbm>>
      %dma_wait3A_158 = tpu.memref_squeeze %dma_wait3A_157 : memref<1x128x128xf32, #tpu.memory_space<hbm>> -> memref<128x128xf32, #tpu.memory_space<hbm>>
      %dma_wait3A_159 = arith.constant 0 : i32
      %dma_wait3A_160 = arith.constant 0 : i32
      %dma_wait3A_161 = tpu.memref_slice %arg4[%add3A_154, %dma_wait3A_159, %dma_wait3A_160] : memref<2048x128x128xf32, #tpu.memory_space<hbm>> -> memref<1x128x128xf32, #tpu.memory_space<hbm>>
      %dma_wait3A_162 = tpu.memref_squeeze %dma_wait3A_161 : memref<1x128x128xf32, #tpu.memory_space<hbm>> -> memref<128x128xf32, #tpu.memory_space<hbm>>
      tpu.wait_dma2 semaphore(%arg11 : memref<!tpu.dma_semaphore, #tpu.memory_space<semaphore_mem>>) src(%arg9 : memref<128x128xf32, #tpu.memory_space<vmem>>) dst(%dma_wait3A_162 : memref<128x128xf32, #tpu.memory_space<hbm>>)
      %scan3A_163 = arith.constant 0 : i32
      scf.yield %scan3A_163 : i32
    }
    %scan3A_8 = arith.constant 16 : i32
    return
  }
}

#map = affine_map<(d0, d1) -> (0, 0)>
#map1 = affine_map<(d0, d1) -> (0, 0, 0)>
module attributes {stable_mosaic.version = 14 : i64} {
  func.func @k(%arg0: i32, %arg1: i32, %arg2: memref<16384x128xf32, #tpu.memory_space<hbm>>, %arg3: memref<2048x128xi32, #tpu.memory_space<hbm>>, %arg4: memref<2048x128x128xf32, #tpu.memory_space<hbm>>, %arg5: memref<64x128xi32, #tpu.memory_space<vmem>>, %arg6: memref<128x128xf32, #tpu.memory_space<vmem>>, %arg7: memref<128x128xf32, #tpu.memory_space<vmem>>, %arg8: memref<128x128xf32, #tpu.memory_space<vmem>>, %arg9: memref<128x128xf32, #tpu.memory_space<vmem>>, %arg10: memref<!tpu.dma_semaphore, #tpu.memory_space<semaphore_mem>>, %arg11: memref<!tpu.dma_semaphore, #tpu.memory_space<semaphore_mem>>) attributes {dimension_semantics = [#tpu.dimension_semantics<core_parallel>, #tpu.dimension_semantics<subcore_parallel>], iteration_bounds = array<i64: 2, 16>, scalar_prefetch = 0 : i64, scratch_operands = 7 : i64, tpu.core_type = #tpu.core_type<sc_vector_subcore>, window_params = [{transform_indices = #map}, {transform_indices = #map}, {transform_indices = #map1}]} {
    %mul3A = arith.constant 2 : i32
    %mul3A_0 = arith.muli %arg1, %mul3A : i32
    %add3A = arith.addi %mul3A_0, %arg0 : i32
    %mul3A_1 = arith.constant 64 : i32
    %mul3A_2 = arith.muli %add3A, %mul3A_1 : i32
    "tpu.region"() ({
      %run_scoped3A = tpu.sem_alloc : memref<!tpu.dma_semaphore, #tpu.memory_space<semaphore_mem>>
      %dma_start3A = arith.constant 0 : i32
      %dma_start3A_9 = tpu.memref_slice %arg3[%mul3A_2, %dma_start3A] : memref<2048x128xi32, #tpu.memory_space<hbm>> -> memref<64x128xi32, #tpu.memory_space<hbm>>
      %dma_start3A_10 = arith.constant 0 : i32
      %dma_start3A_11 = tpu.memref_slice %arg3[%mul3A_2, %dma_start3A_10] : memref<2048x128xi32, #tpu.memory_space<hbm>> -> memref<64x128xi32, #tpu.memory_space<hbm>>
      tpu.enqueue_dma source(%dma_start3A_11 : memref<64x128xi32, #tpu.memory_space<hbm>>) target(%arg5 : memref<64x128xi32, #tpu.memory_space<vmem>>) target_semaphore(%run_scoped3A : memref<!tpu.dma_semaphore, #tpu.memory_space<semaphore_mem>>)
      %dma_wait3A = arith.constant 0 : i32
      %dma_wait3A_12 = tpu.memref_slice %arg3[%mul3A_2, %dma_wait3A] : memref<2048x128xi32, #tpu.memory_space<hbm>> -> memref<64x128xi32, #tpu.memory_space<hbm>>
      %dma_wait3A_13 = arith.constant 0 : i32
      %dma_wait3A_14 = tpu.memref_slice %arg3[%mul3A_2, %dma_wait3A_13] : memref<2048x128xi32, #tpu.memory_space<hbm>> -> memref<64x128xi32, #tpu.memory_space<hbm>>
      tpu.wait_dma2 semaphore(%run_scoped3A : memref<!tpu.dma_semaphore, #tpu.memory_space<semaphore_mem>>) src(%dma_wait3A_14 : memref<64x128xi32, #tpu.memory_space<hbm>>) dst(%arg5 : memref<64x128xi32, #tpu.memory_space<vmem>>)
      tpu.yield
    }) : () -> ()
    %scan3A = arith.constant 0 : i32
    %scan3A_3 = arith.constant 0 : i32
    %scan3A_4 = arith.constant 16 : i32
    %scan3A_5 = arith.addi %scan3A_3, %scan3A_4 : i32
    %scan3A_6 = arith.constant 1 : i32
    %scan3A_7 = scf.for %scan3A_9 = %scan3A_3 to %scan3A_5 step %scan3A_6 iter_args(%scan3A_10 = %scan3A) -> (i32)  : i32 {
      %mul3A_11 = arith.constant 4 : i32
      %mul3A_12 = arith.muli %scan3A_9, %mul3A_11 : i32
      %add3A_13 = arith.constant 0 : i32
      %add3A_14 = arith.addi %mul3A_12, %add3A_13 : i32
      %dma_start3A = arith.constant 0 : i32
      %dma_start3A_15 = tpu.memref_slice %arg5[%add3A_14, %dma_start3A] : memref<64x128xi32, #tpu.memory_space<vmem>> -> memref<1x128xi32, #tpu.memory_space<vmem>>
      %dma_start3A_16 = tpu.memref_squeeze %dma_start3A_15 : memref<1x128xi32, #tpu.memory_space<vmem>> -> memref<128xi32, #tpu.memory_space<vmem>>
      %dma_start3A_17 = arith.constant 0 : i32
      %dma_start3A_18 = arith.constant 0 : i32
      %dma_start3A_19 = tpu.memref_slice %arg2[%dma_start3A_17, %dma_start3A_18] : memref<16384x128xf32, #tpu.memory_space<hbm>> -> memref<16384x128xf32, #tpu.memory_space<hbm>>
      tpu.enqueue_indirect_dma source(%dma_start3A_19 : memref<16384x128xf32, #tpu.memory_space<hbm>>) target(%arg6 : memref<128x128xf32, #tpu.memory_space<vmem>>) offsets(%dma_start3A_16 : memref<128xi32, #tpu.memory_space<vmem>>) semaphore(%arg10 : memref<!tpu.dma_semaphore, #tpu.memory_space<semaphore_mem>>)
      %add3A_20 = arith.constant 1 : i32
      %add3A_21 = arith.addi %mul3A_12, %add3A_20 : i32
      %dma_start3A_22 = arith.constant 0 : i32
      %dma_start3A_23 = tpu.memref_slice %arg5[%add3A_21, %dma_start3A_22] : memref<64x128xi32, #tpu.memory_space<vmem>> -> memref<1x128xi32, #tpu.memory_space<vmem>>
      %dma_start3A_24 = tpu.memref_squeeze %dma_start3A_23 : memref<1x128xi32, #tpu.memory_space<vmem>> -> memref<128xi32, #tpu.memory_space<vmem>>
      %dma_start3A_25 = arith.constant 0 : i32
      %dma_start3A_26 = arith.constant 0 : i32
      %dma_start3A_27 = tpu.memref_slice %arg2[%dma_start3A_25, %dma_start3A_26] : memref<16384x128xf32, #tpu.memory_space<hbm>> -> memref<16384x128xf32, #tpu.memory_space<hbm>>
      tpu.enqueue_indirect_dma source(%dma_start3A_27 : memref<16384x128xf32, #tpu.memory_space<hbm>>) target(%arg7 : memref<128x128xf32, #tpu.memory_space<vmem>>) offsets(%dma_start3A_24 : memref<128xi32, #tpu.memory_space<vmem>>) semaphore(%arg10 : memref<!tpu.dma_semaphore, #tpu.memory_space<semaphore_mem>>)
      %add3A_28 = arith.constant 2 : i32
      %add3A_29 = arith.addi %mul3A_12, %add3A_28 : i32
      %dma_start3A_30 = arith.constant 0 : i32
      %dma_start3A_31 = tpu.memref_slice %arg5[%add3A_29, %dma_start3A_30] : memref<64x128xi32, #tpu.memory_space<vmem>> -> memref<1x128xi32, #tpu.memory_space<vmem>>
      %dma_start3A_32 = tpu.memref_squeeze %dma_start3A_31 : memref<1x128xi32, #tpu.memory_space<vmem>> -> memref<128xi32, #tpu.memory_space<vmem>>
      %dma_start3A_33 = arith.constant 0 : i32
      %dma_start3A_34 = arith.constant 0 : i32
      %dma_start3A_35 = tpu.memref_slice %arg2[%dma_start3A_33, %dma_start3A_34] : memref<16384x128xf32, #tpu.memory_space<hbm>> -> memref<16384x128xf32, #tpu.memory_space<hbm>>
      tpu.enqueue_indirect_dma source(%dma_start3A_35 : memref<16384x128xf32, #tpu.memory_space<hbm>>) target(%arg8 : memref<128x128xf32, #tpu.memory_space<vmem>>) offsets(%dma_start3A_32 : memref<128xi32, #tpu.memory_space<vmem>>) semaphore(%arg10 : memref<!tpu.dma_semaphore, #tpu.memory_space<semaphore_mem>>)
      %add3A_36 = arith.constant 3 : i32
      %add3A_37 = arith.addi %mul3A_12, %add3A_36 : i32
      %dma_start3A_38 = arith.constant 0 : i32
      %dma_start3A_39 = tpu.memref_slice %arg5[%add3A_37, %dma_start3A_38] : memref<64x128xi32, #tpu.memory_space<vmem>> -> memref<1x128xi32, #tpu.memory_space<vmem>>
      %dma_start3A_40 = tpu.memref_squeeze %dma_start3A_39 : memref<1x128xi32, #tpu.memory_space<vmem>> -> memref<128xi32, #tpu.memory_space<vmem>>
      %dma_start3A_41 = arith.constant 0 : i32
      %dma_start3A_42 = arith.constant 0 : i32
      %dma_start3A_43 = tpu.memref_slice %arg2[%dma_start3A_41, %dma_start3A_42] : memref<16384x128xf32, #tpu.memory_space<hbm>> -> memref<16384x128xf32, #tpu.memory_space<hbm>>
      tpu.enqueue_indirect_dma source(%dma_start3A_43 : memref<16384x128xf32, #tpu.memory_space<hbm>>) target(%arg9 : memref<128x128xf32, #tpu.memory_space<vmem>>) offsets(%dma_start3A_40 : memref<128xi32, #tpu.memory_space<vmem>>) semaphore(%arg10 : memref<!tpu.dma_semaphore, #tpu.memory_space<semaphore_mem>>)
      %add3A_44 = arith.constant 0 : i32
      %add3A_45 = arith.addi %mul3A_12, %add3A_44 : i32
      %dma_wait3A = arith.constant 0 : i32
      %dma_wait3A_46 = tpu.memref_slice %arg5[%add3A_45, %dma_wait3A] : memref<64x128xi32, #tpu.memory_space<vmem>> -> memref<1x128xi32, #tpu.memory_space<vmem>>
      %dma_wait3A_47 = tpu.memref_squeeze %dma_wait3A_46 : memref<1x128xi32, #tpu.memory_space<vmem>> -> memref<128xi32, #tpu.memory_space<vmem>>
      %dma_wait3A_48 = arith.constant 0 : i32
      %dma_wait3A_49 = arith.constant 0 : i32
      %dma_wait3A_50 = tpu.memref_slice %arg2[%dma_wait3A_48, %dma_wait3A_49] : memref<16384x128xf32, #tpu.memory_space<hbm>> -> memref<16384x128xf32, #tpu.memory_space<hbm>>
      tpu.wait_indirect_dma semaphore(%arg10 : memref<!tpu.dma_semaphore, #tpu.memory_space<semaphore_mem>>) src(%dma_wait3A_50 : memref<16384x128xf32, #tpu.memory_space<hbm>>) dst(%arg6 : memref<128x128xf32, #tpu.memory_space<vmem>>)
      %add3A_51 = arith.constant 1 : i32
      %add3A_52 = arith.addi %mul3A_12, %add3A_51 : i32
      %dma_wait3A_53 = arith.constant 0 : i32
      %dma_wait3A_54 = tpu.memref_slice %arg5[%add3A_52, %dma_wait3A_53] : memref<64x128xi32, #tpu.memory_space<vmem>> -> memref<1x128xi32, #tpu.memory_space<vmem>>
      %dma_wait3A_55 = tpu.memref_squeeze %dma_wait3A_54 : memref<1x128xi32, #tpu.memory_space<vmem>> -> memref<128xi32, #tpu.memory_space<vmem>>
      %dma_wait3A_56 = arith.constant 0 : i32
      %dma_wait3A_57 = arith.constant 0 : i32
      %dma_wait3A_58 = tpu.memref_slice %arg2[%dma_wait3A_56, %dma_wait3A_57] : memref<16384x128xf32, #tpu.memory_space<hbm>> -> memref<16384x128xf32, #tpu.memory_space<hbm>>
      tpu.wait_indirect_dma semaphore(%arg10 : memref<!tpu.dma_semaphore, #tpu.memory_space<semaphore_mem>>) src(%dma_wait3A_58 : memref<16384x128xf32, #tpu.memory_space<hbm>>) dst(%arg7 : memref<128x128xf32, #tpu.memory_space<vmem>>)
      %add3A_59 = arith.constant 2 : i32
      %add3A_60 = arith.addi %mul3A_12, %add3A_59 : i32
      %dma_wait3A_61 = arith.constant 0 : i32
      %dma_wait3A_62 = tpu.memref_slice %arg5[%add3A_60, %dma_wait3A_61] : memref<64x128xi32, #tpu.memory_space<vmem>> -> memref<1x128xi32, #tpu.memory_space<vmem>>
      %dma_wait3A_63 = tpu.memref_squeeze %dma_wait3A_62 : memref<1x128xi32, #tpu.memory_space<vmem>> -> memref<128xi32, #tpu.memory_space<vmem>>
      %dma_wait3A_64 = arith.constant 0 : i32
      %dma_wait3A_65 = arith.constant 0 : i32
      %dma_wait3A_66 = tpu.memref_slice %arg2[%dma_wait3A_64, %dma_wait3A_65] : memref<16384x128xf32, #tpu.memory_space<hbm>> -> memref<16384x128xf32, #tpu.memory_space<hbm>>
      tpu.wait_indirect_dma semaphore(%arg10 : memref<!tpu.dma_semaphore, #tpu.memory_space<semaphore_mem>>) src(%dma_wait3A_66 : memref<16384x128xf32, #tpu.memory_space<hbm>>) dst(%arg8 : memref<128x128xf32, #tpu.memory_space<vmem>>)
      %add3A_67 = arith.constant 3 : i32
      %add3A_68 = arith.addi %mul3A_12, %add3A_67 : i32
      %dma_wait3A_69 = arith.constant 0 : i32
      %dma_wait3A_70 = tpu.memref_slice %arg5[%add3A_68, %dma_wait3A_69] : memref<64x128xi32, #tpu.memory_space<vmem>> -> memref<1x128xi32, #tpu.memory_space<vmem>>
      %dma_wait3A_71 = tpu.memref_squeeze %dma_wait3A_70 : memref<1x128xi32, #tpu.memory_space<vmem>> -> memref<128xi32, #tpu.memory_space<vmem>>
      %dma_wait3A_72 = arith.constant 0 : i32
      %dma_wait3A_73 = arith.constant 0 : i32
      %dma_wait3A_74 = tpu.memref_slice %arg2[%dma_wait3A_72, %dma_wait3A_73] : memref<16384x128xf32, #tpu.memory_space<hbm>> -> memref<16384x128xf32, #tpu.memory_space<hbm>>
      tpu.wait_indirect_dma semaphore(%arg10 : memref<!tpu.dma_semaphore, #tpu.memory_space<semaphore_mem>>) src(%dma_wait3A_74 : memref<16384x128xf32, #tpu.memory_space<hbm>>) dst(%arg9 : memref<128x128xf32, #tpu.memory_space<vmem>>)
      %add3A_75 = arith.addi %mul3A_2, %mul3A_12 : i32
      %add3A_76 = arith.constant 0 : i32
      %add3A_77 = arith.addi %add3A_75, %add3A_76 : i32
      %dma_start3A_78 = arith.constant 0 : i32
      %dma_start3A_79 = arith.constant 0 : i32
      %dma_start3A_80 = tpu.memref_slice %arg4[%add3A_77, %dma_start3A_78, %dma_start3A_79] : memref<2048x128x128xf32, #tpu.memory_space<hbm>> -> memref<1x128x128xf32, #tpu.memory_space<hbm>>
      %dma_start3A_81 = tpu.memref_squeeze %dma_start3A_80 : memref<1x128x128xf32, #tpu.memory_space<hbm>> -> memref<128x128xf32, #tpu.memory_space<hbm>>
      %dma_start3A_82 = arith.constant 0 : i32
      %dma_start3A_83 = arith.constant 0 : i32
      %dma_start3A_84 = tpu.memref_slice %arg4[%add3A_77, %dma_start3A_82, %dma_start3A_83] : memref<2048x128x128xf32, #tpu.memory_space<hbm>> -> memref<1x128x128xf32, #tpu.memory_space<hbm>>
      %dma_start3A_85 = tpu.memref_squeeze %dma_start3A_84 : memref<1x128x128xf32, #tpu.memory_space<hbm>> -> memref<128x128xf32, #tpu.memory_space<hbm>>
      tpu.enqueue_dma source(%arg6 : memref<128x128xf32, #tpu.memory_space<vmem>>) target(%dma_start3A_85 : memref<128x128xf32, #tpu.memory_space<hbm>>) target_semaphore(%arg11 : memref<!tpu.dma_semaphore, #tpu.memory_space<semaphore_mem>>)
      %add3A_86 = arith.addi %mul3A_2, %mul3A_12 : i32
      %add3A_87 = arith.constant 1 : i32
      %add3A_88 = arith.addi %add3A_86, %add3A_87 : i32
      %dma_start3A_89 = arith.constant 0 : i32
      %dma_start3A_90 = arith.constant 0 : i32
      %dma_start3A_91 = tpu.memref_slice %arg4[%add3A_88, %dma_start3A_89, %dma_start3A_90] : memref<2048x128x128xf32, #tpu.memory_space<hbm>> -> memref<1x128x128xf32, #tpu.memory_space<hbm>>
      %dma_start3A_92 = tpu.memref_squeeze %dma_start3A_91 : memref<1x128x128xf32, #tpu.memory_space<hbm>> -> memref<128x128xf32, #tpu.memory_space<hbm>>
      %dma_start3A_93 = arith.constant 0 : i32
      %dma_start3A_94 = arith.constant 0 : i32
      %dma_start3A_95 = tpu.memref_slice %arg4[%add3A_88, %dma_start3A_93, %dma_start3A_94] : memref<2048x128x128xf32, #tpu.memory_space<hbm>> -> memref<1x128x128xf32, #tpu.memory_space<hbm>>
      %dma_start3A_96 = tpu.memref_squeeze %dma_start3A_95 : memref<1x128x128xf32, #tpu.memory_space<hbm>> -> memref<128x128xf32, #tpu.memory_space<hbm>>
      tpu.enqueue_dma source(%arg7 : memref<128x128xf32, #tpu.memory_space<vmem>>) target(%dma_start3A_96 : memref<128x128xf32, #tpu.memory_space<hbm>>) target_semaphore(%arg11 : memref<!tpu.dma_semaphore, #tpu.memory_space<semaphore_mem>>)
      %add3A_97 = arith.addi %mul3A_2, %mul3A_12 : i32
      %add3A_98 = arith.constant 2 : i32
      %add3A_99 = arith.addi %add3A_97, %add3A_98 : i32
      %dma_start3A_100 = arith.constant 0 : i32
      %dma_start3A_101 = arith.constant 0 : i32
      %dma_start3A_102 = tpu.memref_slice %arg4[%add3A_99, %dma_start3A_100, %dma_start3A_101] : memref<2048x128x128xf32, #tpu.memory_space<hbm>> -> memref<1x128x128xf32, #tpu.memory_space<hbm>>
      %dma_start3A_103 = tpu.memref_squeeze %dma_start3A_102 : memref<1x128x128xf32, #tpu.memory_space<hbm>> -> memref<128x128xf32, #tpu.memory_space<hbm>>
      %dma_start3A_104 = arith.constant 0 : i32
      %dma_start3A_105 = arith.constant 0 : i32
      %dma_start3A_106 = tpu.memref_slice %arg4[%add3A_99, %dma_start3A_104, %dma_start3A_105] : memref<2048x128x128xf32, #tpu.memory_space<hbm>> -> memref<1x128x128xf32, #tpu.memory_space<hbm>>
      %dma_start3A_107 = tpu.memref_squeeze %dma_start3A_106 : memref<1x128x128xf32, #tpu.memory_space<hbm>> -> memref<128x128xf32, #tpu.memory_space<hbm>>
      tpu.enqueue_dma source(%arg8 : memref<128x128xf32, #tpu.memory_space<vmem>>) target(%dma_start3A_107 : memref<128x128xf32, #tpu.memory_space<hbm>>) target_semaphore(%arg11 : memref<!tpu.dma_semaphore, #tpu.memory_space<semaphore_mem>>)
      %add3A_108 = arith.addi %mul3A_2, %mul3A_12 : i32
      %add3A_109 = arith.constant 3 : i32
      %add3A_110 = arith.addi %add3A_108, %add3A_109 : i32
      %dma_start3A_111 = arith.constant 0 : i32
      %dma_start3A_112 = arith.constant 0 : i32
      %dma_start3A_113 = tpu.memref_slice %arg4[%add3A_110, %dma_start3A_111, %dma_start3A_112] : memref<2048x128x128xf32, #tpu.memory_space<hbm>> -> memref<1x128x128xf32, #tpu.memory_space<hbm>>
      %dma_start3A_114 = tpu.memref_squeeze %dma_start3A_113 : memref<1x128x128xf32, #tpu.memory_space<hbm>> -> memref<128x128xf32, #tpu.memory_space<hbm>>
      %dma_start3A_115 = arith.constant 0 : i32
      %dma_start3A_116 = arith.constant 0 : i32
      %dma_start3A_117 = tpu.memref_slice %arg4[%add3A_110, %dma_start3A_115, %dma_start3A_116] : memref<2048x128x128xf32, #tpu.memory_space<hbm>> -> memref<1x128x128xf32, #tpu.memory_space<hbm>>
      %dma_start3A_118 = tpu.memref_squeeze %dma_start3A_117 : memref<1x128x128xf32, #tpu.memory_space<hbm>> -> memref<128x128xf32, #tpu.memory_space<hbm>>
      tpu.enqueue_dma source(%arg9 : memref<128x128xf32, #tpu.memory_space<vmem>>) target(%dma_start3A_118 : memref<128x128xf32, #tpu.memory_space<hbm>>) target_semaphore(%arg11 : memref<!tpu.dma_semaphore, #tpu.memory_space<semaphore_mem>>)
      %add3A_119 = arith.addi %mul3A_2, %mul3A_12 : i32
      %add3A_120 = arith.constant 0 : i32
      %add3A_121 = arith.addi %add3A_119, %add3A_120 : i32
      %dma_wait3A_122 = arith.constant 0 : i32
      %dma_wait3A_123 = arith.constant 0 : i32
      %dma_wait3A_124 = tpu.memref_slice %arg4[%add3A_121, %dma_wait3A_122, %dma_wait3A_123] : memref<2048x128x128xf32, #tpu.memory_space<hbm>> -> memref<1x128x128xf32, #tpu.memory_space<hbm>>
      %dma_wait3A_125 = tpu.memref_squeeze %dma_wait3A_124 : memref<1x128x128xf32, #tpu.memory_space<hbm>> -> memref<128x128xf32, #tpu.memory_space<hbm>>
      %dma_wait3A_126 = arith.constant 0 : i32
      %dma_wait3A_127 = arith.constant 0 : i32
      %dma_wait3A_128 = tpu.memref_slice %arg4[%add3A_121, %dma_wait3A_126, %dma_wait3A_127] : memref<2048x128x128xf32, #tpu.memory_space<hbm>> -> memref<1x128x128xf32, #tpu.memory_space<hbm>>
      %dma_wait3A_129 = tpu.memref_squeeze %dma_wait3A_128 : memref<1x128x128xf32, #tpu.memory_space<hbm>> -> memref<128x128xf32, #tpu.memory_space<hbm>>
      tpu.wait_dma2 semaphore(%arg11 : memref<!tpu.dma_semaphore, #tpu.memory_space<semaphore_mem>>) src(%arg6 : memref<128x128xf32, #tpu.memory_space<vmem>>) dst(%dma_wait3A_129 : memref<128x128xf32, #tpu.memory_space<hbm>>)
      %add3A_130 = arith.addi %mul3A_2, %mul3A_12 : i32
      %add3A_131 = arith.constant 1 : i32
      %add3A_132 = arith.addi %add3A_130, %add3A_131 : i32
      %dma_wait3A_133 = arith.constant 0 : i32
      %dma_wait3A_134 = arith.constant 0 : i32
      %dma_wait3A_135 = tpu.memref_slice %arg4[%add3A_132, %dma_wait3A_133, %dma_wait3A_134] : memref<2048x128x128xf32, #tpu.memory_space<hbm>> -> memref<1x128x128xf32, #tpu.memory_space<hbm>>
      %dma_wait3A_136 = tpu.memref_squeeze %dma_wait3A_135 : memref<1x128x128xf32, #tpu.memory_space<hbm>> -> memref<128x128xf32, #tpu.memory_space<hbm>>
      %dma_wait3A_137 = arith.constant 0 : i32
      %dma_wait3A_138 = arith.constant 0 : i32
      %dma_wait3A_139 = tpu.memref_slice %arg4[%add3A_132, %dma_wait3A_137, %dma_wait3A_138] : memref<2048x128x128xf32, #tpu.memory_space<hbm>> -> memref<1x128x128xf32, #tpu.memory_space<hbm>>
      %dma_wait3A_140 = tpu.memref_squeeze %dma_wait3A_139 : memref<1x128x128xf32, #tpu.memory_space<hbm>> -> memref<128x128xf32, #tpu.memory_space<hbm>>
      tpu.wait_dma2 semaphore(%arg11 : memref<!tpu.dma_semaphore, #tpu.memory_space<semaphore_mem>>) src(%arg7 : memref<128x128xf32, #tpu.memory_space<vmem>>) dst(%dma_wait3A_140 : memref<128x128xf32, #tpu.memory_space<hbm>>)
      %add3A_141 = arith.addi %mul3A_2, %mul3A_12 : i32
      %add3A_142 = arith.constant 2 : i32
      %add3A_143 = arith.addi %add3A_141, %add3A_142 : i32
      %dma_wait3A_144 = arith.constant 0 : i32
      %dma_wait3A_145 = arith.constant 0 : i32
      %dma_wait3A_146 = tpu.memref_slice %arg4[%add3A_143, %dma_wait3A_144, %dma_wait3A_145] : memref<2048x128x128xf32, #tpu.memory_space<hbm>> -> memref<1x128x128xf32, #tpu.memory_space<hbm>>
      %dma_wait3A_147 = tpu.memref_squeeze %dma_wait3A_146 : memref<1x128x128xf32, #tpu.memory_space<hbm>> -> memref<128x128xf32, #tpu.memory_space<hbm>>
      %dma_wait3A_148 = arith.constant 0 : i32
      %dma_wait3A_149 = arith.constant 0 : i32
      %dma_wait3A_150 = tpu.memref_slice %arg4[%add3A_143, %dma_wait3A_148, %dma_wait3A_149] : memref<2048x128x128xf32, #tpu.memory_space<hbm>> -> memref<1x128x128xf32, #tpu.memory_space<hbm>>
      %dma_wait3A_151 = tpu.memref_squeeze %dma_wait3A_150 : memref<1x128x128xf32, #tpu.memory_space<hbm>> -> memref<128x128xf32, #tpu.memory_space<hbm>>
      tpu.wait_dma2 semaphore(%arg11 : memref<!tpu.dma_semaphore, #tpu.memory_space<semaphore_mem>>) src(%arg8 : memref<128x128xf32, #tpu.memory_space<vmem>>) dst(%dma_wait3A_151 : memref<128x128xf32, #tpu.memory_space<hbm>>)
      %add3A_152 = arith.addi %mul3A_2, %mul3A_12 : i32
      %add3A_153 = arith.constant 3 : i32
      %add3A_154 = arith.addi %add3A_152, %add3A_153 : i32
      %dma_wait3A_155 = arith.constant 0 : i32
      %dma_wait3A_156 = arith.constant 0 : i32
      %dma_wait3A_157 = tpu.memref_slice %arg4[%add3A_154, %dma_wait3A_155, %dma_wait3A_156] : memref<2048x128x128xf32, #tpu.memory_space<hbm>> -> memref<1x128x128xf32, #tpu.memory_space<hbm>>
      %dma_wait3A_158 = tpu.memref_squeeze %dma_wait3A_157 : memref<1x128x128xf32, #tpu.memory_space<hbm>> -> memref<128x128xf32, #tpu.memory_space<hbm>>
      %dma_wait3A_159 = arith.constant 0 : i32
      %dma_wait3A_160 = arith.constant 0 : i32
      %dma_wait3A_161 = tpu.memref_slice %arg4[%add3A_154, %dma_wait3A_159, %dma_wait3A_160] : memref<2048x128x128xf32, #tpu.memory_space<hbm>> -> memref<1x128x128xf32, #tpu.memory_space<hbm>>
      %dma_wait3A_162 = tpu.memref_squeeze %dma_wait3A_161 : memref<1x128x128xf32, #tpu.memory_space<hbm>> -> memref<128x128xf32, #tpu.memory_space<hbm>>
      tpu.wait_dma2 semaphore(%arg11 : memref<!tpu.dma_semaphore, #tpu.memory_space<semaphore_mem>>) src(%arg9 : memref<128x128xf32, #tpu.memory_space<vmem>>) dst(%dma_wait3A_162 : memref<128x128xf32, #tpu.memory_space<hbm>>)
      %scan3A_163 = arith.constant 0 : i32
      scf.yield %scan3A_163 : i32
    }
    %scan3A_8 = arith.constant 16 : i32
    return
  }
}

module attributes {stable_mosaic.version = 14 : i64} {
  func.func @_prep_body(%arg0: i32, %arg1: memref<1x1024x4xf32, #tpu.memory_space<vmem>>, %arg2: memref<4x64xf32, #tpu.memory_space<vmem>>, %arg3: memref<4x64xf32, #tpu.memory_space<vmem>>, %arg4: memref<1x64xf32, #tpu.memory_space<vmem>>, %arg5: memref<1x16x1024xi32, #tpu.memory_space<vmem>>, %arg6: memref<1x1024x128xf32, #tpu.memory_space<vmem>>, %arg7: memref<1x1024x128xf32, #tpu.memory_space<vmem>>) attributes {dimension_semantics = [#tpu.dimension_semantics<arbitrary>], iteration_bounds = array<i64: 16>, scalar_prefetch = 0 : i64, scratch_operands = 0 : i64, tpu.core_type = #tpu.core_type<tc>, window_params = [{transform_indices = @transform_0, window_bounds = array<i64: 1, 1024, 4>}, {pipeline_mode = #tpu.pipeline_mode<synchronous>, transform_indices = @transform_1, window_bounds = array<i64: 4, 64>}, {pipeline_mode = #tpu.pipeline_mode<synchronous>, transform_indices = @transform_2, window_bounds = array<i64: 4, 64>}, {pipeline_mode = #tpu.pipeline_mode<synchronous>, transform_indices = @transform_3, window_bounds = array<i64: 1, 64>}, {transform_indices = @transform_4, window_bounds = array<i64: 1, 16, 1024>}, {transform_indices = @transform_5, window_bounds = array<i64: 1, 1024, 128>}, {transform_indices = @transform_6, window_bounds = array<i64: 1, 1024, 128>}]} {
    %get3A = arith.constant 0 : index
    %get3A_0 = arith.constant 0 : index
    %get3A_1 = arith.constant 0 : index
    %get3A_2 = vector.load %arg1[%get3A, %get3A_0, %get3A_1] : memref<1x1024x4xf32, #tpu.memory_space<vmem>>, vector<1x1024x4xf32>
    %get3A_3 = vector.shape_cast %get3A_2 : vector<1x1024x4xf32> to vector<1024x4xf32>
    %broadcast_in_dim3A = arith.constant 0.000000e+00 : f32
    %broadcast_in_dim3A_4 = vector.broadcast %broadcast_in_dim3A : f32 to vector<1024x64xf32>
    %get3A_5 = arith.constant 0 : index
    %get3A_6 = arith.constant 0 : index
    %get3A_7 = vector.load %arg2[%get3A_5, %get3A_6] : memref<4x64xf32, #tpu.memory_space<vmem>>, vector<4x64xf32>
    %dot_general3A = arith.constant dense<0.000000e+00> : vector<1024x64xf32>
    %dot_general3A_8 = tpu.matmul %get3A_3, %get3A_7, %dot_general3A {dimension_numbers = #tpu.dot_dimension_numbers<[1], [0], [0], [1], [0, 0, 1, 1], [], []>, transpose_lhs_hint = false} : vector<1024x4xf32>, vector<4x64xf32>, vector<1024x64xf32> -> vector<1024x64xf32>
    %get3A_9 = arith.constant 0 : index
    %get3A_10 = arith.constant 0 : index
    %get3A_11 = vector.load %arg4[%get3A_9, %get3A_10] : memref<1x64xf32, #tpu.memory_space<vmem>>, vector<1x64xf32>
    %get3A_12 = vector.shape_cast %get3A_11 : vector<1x64xf32> to vector<64xf32>
    %broadcast_in_dim3A_13 = vector.shape_cast %get3A_12 : vector<64xf32> to vector<1x64xf32>
    %add3A = vector.broadcast %broadcast_in_dim3A_13 : vector<1x64xf32> to vector<1024x64xf32>
    %add3A_14 = arith.addf %dot_general3A_8, %add3A : vector<1024x64xf32>
    %get3A_15 = arith.constant 0 : index
    %get3A_16 = arith.constant 0 : index
    %get3A_17 = vector.load %arg3[%get3A_15, %get3A_16] : memref<4x64xf32, #tpu.memory_space<vmem>>, vector<4x64xf32>
    %dot_general3A_18 = arith.constant dense<0.000000e+00> : vector<1024x64xf32>
    %dot_general3A_19 = tpu.matmul %get3A_3, %get3A_17, %dot_general3A_18 {dimension_numbers = #tpu.dot_dimension_numbers<[1], [0], [0], [1], [0, 0, 1, 1], [], []>, transpose_lhs_hint = false} : vector<1024x4xf32>, vector<4x64xf32>, vector<1024x64xf32> -> vector<1024x64xf32>
    %concatenate3A = tpu.concatenate %add3A_14, %broadcast_in_dim3A_4 in 1 : vector<1024x64xf32>, vector<1024x64xf32> -> vector<1024x128xf32>
    %concatenate3A_20 = tpu.concatenate %dot_general3A_19, %broadcast_in_dim3A_4 in 1 : vector<1024x64xf32>, vector<1024x64xf32> -> vector<1024x128xf32>
    %swap3A = arith.constant 0 : index
    %swap3A_21 = arith.constant 0 : index
    %swap3A_22 = arith.constant 0 : index
    %swap3A_23 = vector.load %arg6[%swap3A, %swap3A_21, %swap3A_22] : memref<1x1024x128xf32, #tpu.memory_space<vmem>>, vector<1x1024x128xf32>
    %swap3A_24 = vector.shape_cast %swap3A_23 : vector<1x1024x128xf32> to vector<1024x128xf32>
    %swap3A_25 = vector.shape_cast %concatenate3A : vector<1024x128xf32> to vector<1x1024x128xf32>
    tpu.vector_store %arg6[%swap3A, %swap3A_21, %swap3A_22], %swap3A_25 {strides = array<i32>} : memref<1x1024x128xf32, #tpu.memory_space<vmem>>, vector<1x1024x128xf32>,
    %swap3A_26 = arith.constant 0 : index
    %swap3A_27 = arith.constant 0 : index
    %swap3A_28 = arith.constant 0 : index
    %swap3A_29 = vector.load %arg7[%swap3A_26, %swap3A_27, %swap3A_28] : memref<1x1024x128xf32, #tpu.memory_space<vmem>>, vector<1x1024x128xf32>
    %swap3A_30 = vector.shape_cast %swap3A_29 : vector<1x1024x128xf32> to vector<1024x128xf32>
    %swap3A_31 = vector.shape_cast %concatenate3A_20 : vector<1024x128xf32> to vector<1x1024x128xf32>
    tpu.vector_store %arg7[%swap3A_26, %swap3A_27, %swap3A_28], %swap3A_31 {strides = array<i32>} : memref<1x1024x128xf32, #tpu.memory_space<vmem>>, vector<1x1024x128xf32>,
    %mul3A = arith.mulf %get3A_3, %get3A_3 : vector<1024x4xf32>
    %reduce_sum3A = arith.constant dense<0.000000e+00> : vector<1024xf32>
    %reduce_sum3A_32 = vector.multi_reduction <add>, %mul3A, %reduce_sum3A [1] : vector<1024x4xf32> to vector<1024xf32>
    %dot_general3A_33 = arith.constant dense<0.000000e+00> : vector<1024x1024xf32>
    %dot_general3A_34 = tpu.matmul %get3A_3, %get3A_3, %dot_general3A_33 {dimension_numbers = #tpu.dot_dimension_numbers<[1], [1], [0], [0], [0, 0, 1, 0], [], []>, transpose_lhs_hint = false} : vector<1024x4xf32>, vector<1024x4xf32>, vector<1024x1024xf32> -> vector<1024x1024xf32>
    %broadcast_in_dim3A_35 = vector.shape_cast %reduce_sum3A_32 : vector<1024xf32> to vector<1024x1xf32>
    %broadcast_in_dim3A_36 = vector.shape_cast %reduce_sum3A_32 : vector<1024xf32> to vector<1x1024xf32>
    %add3A_37 = vector.broadcast %broadcast_in_dim3A_35 : vector<1024x1xf32> to vector<1024x1024xf32>
    %add3A_38 = vector.broadcast %broadcast_in_dim3A_36 : vector<1x1024xf32> to vector<1024x1024xf32>
    %add3A_39 = arith.addf %add3A_37, %add3A_38 : vector<1024x1024xf32>
    %mul3A_40 = arith.constant 2.000000e+00 : f32
    %mul3A_41 = vector.broadcast %mul3A_40 : f32 to vector<1024x1024xf32>
    %mul3A_42 = arith.mulf %mul3A_41, %dot_general3A_34 : vector<1024x1024xf32>
    %sub3A = arith.subf %add3A_39, %mul3A_42 : vector<1024x1024xf32>
    %iota3A = tpu.iota {dimensions = array<i32: 1>} : vector<1x1024xi32>
    %convert_element_type3A = arith.sitofp %iota3A : vector<1x1024xi32> to vector<1x1024xf32>
    %mul3A_43 = arith.constant 1024 : i32
    %mul3A_44 = arith.muli %arg0, %mul3A_43 : i32
    %reduce_min3A = arith.constant dense<0x7F800000> : vector<1024xf32>
    %reduce_min3A_45 = vector.multi_reduction <minimumf>, %sub3A, %reduce_min3A [1] : vector<1024x1024xf32> to vector<1024xf32>
    %broadcast_in_dim3A_46 = vector.shape_cast %reduce_min3A_45 : vector<1024xf32> to vector<1024x1xf32>
    %le3A = vector.broadcast %broadcast_in_dim3A_46 : vector<1024x1xf32> to vector<1024x1024xf32>
    %le3A_47 = arith.cmpf ole, %sub3A, %le3A : vector<1024x1024xf32>
    %jit3A = arith.constant 2.048000e+03 : f32
    %broadcast_in_dim3A_48 = vector.shape_cast %convert_element_type3A : vector<1x1024xf32> to vector<1x1024xf32>
    %broadcast_in_dim3A_49 = vector.broadcast %broadcast_in_dim3A_48 : vector<1x1024xf32> to vector<1024x1024xf32>
    %broadcast_in_dim3A_50 = vector.broadcast %jit3A : f32 to vector<1024x1024xf32>
    %select_n3A = arith.select %le3A_47, %broadcast_in_dim3A_49, %broadcast_in_dim3A_50 : vector<1024x1024xi1>, vector<1024x1024xf32>
    %reduce_min3A_51 = arith.constant dense<0x7F800000> : vector<1024xf32>
    %reduce_min3A_52 = vector.multi_reduction <minimumf>, %select_n3A, %reduce_min3A_51 [1] : vector<1024x1024xf32> to vector<1024xf32>
    %jit3A_53 = arith.constant 0x7F800000 : f32
    %broadcast_in_dim3A_54 = vector.broadcast %jit3A_53 : f32 to vector<1024x1024xf32>
    %select_n3A_55 = arith.select %le3A_47, %broadcast_in_dim3A_54, %sub3A : vector<1024x1024xi1>, vector<1024x1024xf32>
    %reduce_min3A_56 = arith.constant dense<0x7F800000> : vector<1024xf32>
    %reduce_min3A_57 = vector.multi_reduction <minimumf>, %select_n3A_55, %reduce_min3A_56 [1] : vector<1024x1024xf32> to vector<1024xf32>
    %broadcast_in_dim3A_58 = vector.shape_cast %reduce_min3A_57 : vector<1024xf32> to vector<1024x1xf32>
    %le3A_59 = vector.broadcast %broadcast_in_dim3A_58 : vector<1024x1xf32> to vector<1024x1024xf32>
    %le3A_60 = arith.cmpf ole, %select_n3A_55, %le3A_59 : vector<1024x1024xf32>
    %jit3A_61 = arith.constant 2.048000e+03 : f32
    %broadcast_in_dim3A_62 = vector.shape_cast %convert_element_type3A : vector<1x1024xf32> to vector<1x1024xf32>
    %broadcast_in_dim3A_63 = vector.broadcast %broadcast_in_dim3A_62 : vector<1x1024xf32> to vector<1024x1024xf32>
    %broadcast_in_dim3A_64 = vector.broadcast %jit3A_61 : f32 to vector<1024x1024xf32>
    %select_n3A_65 = arith.select %le3A_60, %broadcast_in_dim3A_63, %broadcast_in_dim3A_64 : vector<1024x1024xi1>, vector<1024x1024xf32>
    %reduce_min3A_66 = arith.constant dense<0x7F800000> : vector<1024xf32>
    %reduce_min3A_67 = vector.multi_reduction <minimumf>, %select_n3A_65, %reduce_min3A_66 [1] : vector<1024x1024xf32> to vector<1024xf32>
    %jit3A_68 = arith.constant 0x7F800000 : f32
    %broadcast_in_dim3A_69 = vector.broadcast %jit3A_68 : f32 to vector<1024x1024xf32>
    %select_n3A_70 = arith.select %le3A_60, %broadcast_in_dim3A_69, %select_n3A_55 : vector<1024x1024xi1>, vector<1024x1024xf32>
    %reduce_min3A_71 = arith.constant dense<0x7F800000> : vector<1024xf32>
    %reduce_min3A_72 = vector.multi_reduction <minimumf>, %select_n3A_70, %reduce_min3A_71 [1] : vector<1024x1024xf32> to vector<1024xf32>
    %broadcast_in_dim3A_73 = vector.shape_cast %reduce_min3A_72 : vector<1024xf32> to vector<1024x1xf32>
    %le3A_74 = vector.broadcast %broadcast_in_dim3A_73 : vector<1024x1xf32> to vector<1024x1024xf32>
    %le3A_75 = arith.cmpf ole, %select_n3A_70, %le3A_74 : vector<1024x1024xf32>
    %jit3A_76 = arith.constant 2.048000e+03 : f32
    %broadcast_in_dim3A_77 = vector.shape_cast %convert_element_type3A : vector<1x1024xf32> to vector<1x1024xf32>
    %broadcast_in_dim3A_78 = vector.broadcast %broadcast_in_dim3A_77 : vector<1x1024xf32> to vector<1024x1024xf32>
    %broadcast_in_dim3A_79 = vector.broadcast %jit3A_76 : f32 to vector<1024x1024xf32>
    %select_n3A_80 = arith.select %le3A_75, %broadcast_in_dim3A_78, %broadcast_in_dim3A_79 : vector<1024x1024xi1>, vector<1024x1024xf32>
    %reduce_min3A_81 = arith.constant dense<0x7F800000> : vector<1024xf32>
    %reduce_min3A_82 = vector.multi_reduction <minimumf>, %select_n3A_80, %reduce_min3A_81 [1] : vector<1024x1024xf32> to vector<1024xf32>
    %jit3A_83 = arith.constant 0x7F800000 : f32
    %broadcast_in_dim3A_84 = vector.broadcast %jit3A_83 : f32 to vector<1024x1024xf32>
    %select_n3A_85 = arith.select %le3A_75, %broadcast_in_dim3A_84, %select_n3A_70 : vector<1024x1024xi1>, vector<1024x1024xf32>
    %reduce_min3A_86 = arith.constant dense<0x7F800000> : vector<1024xf32>
    %reduce_min3A_87 = vector.multi_reduction <minimumf>, %select_n3A_85, %reduce_min3A_86 [1] : vector<1024x1024xf32> to vector<1024xf32>
    %broadcast_in_dim3A_88 = vector.shape_cast %reduce_min3A_87 : vector<1024xf32> to vector<1024x1xf32>
    %le3A_89 = vector.broadcast %broadcast_in_dim3A_88 : vector<1024x1xf32> to vector<1024x1024xf32>
    %le3A_90 = arith.cmpf ole, %select_n3A_85, %le3A_89 : vector<1024x1024xf32>
    %jit3A_91 = arith.constant 2.048000e+03 : f32
    %broadcast_in_dim3A_92 = vector.shape_cast %convert_element_type3A : vector<1x1024xf32> to vector<1x1024xf32>
    %broadcast_in_dim3A_93 = vector.broadcast %broadcast_in_dim3A_92 : vector<1x1024xf32> to vector<1024x1024xf32>
    %broadcast_in_dim3A_94 = vector.broadcast %jit3A_91 : f32 to vector<1024x1024xf32>
    %select_n3A_95 = arith.select %le3A_90, %broadcast_in_dim3A_93, %broadcast_in_dim3A_94 : vector<1024x1024xi1>, vector<1024x1024xf32>
    %reduce_min3A_96 = arith.constant dense<0x7F800000> : vector<1024xf32>
    %reduce_min3A_97 = vector.multi_reduction <minimumf>, %select_n3A_95, %reduce_min3A_96 [1] : vector<1024x1024xf32> to vector<1024xf32>
    %jit3A_98 = arith.constant 0x7F800000 : f32
    %broadcast_in_dim3A_99 = vector.broadcast %jit3A_98 : f32 to vector<1024x1024xf32>
    %select_n3A_100 = arith.select %le3A_90, %broadcast_in_dim3A_99, %select_n3A_85 : vector<1024x1024xi1>, vector<1024x1024xf32>
    %reduce_min3A_101 = arith.constant dense<0x7F800000> : vector<1024xf32>
    %reduce_min3A_102 = vector.multi_reduction <minimumf>, %select_n3A_100, %reduce_min3A_101 [1] : vector<1024x1024xf32> to vector<1024xf32>
    %broadcast_in_dim3A_103 = vector.shape_cast %reduce_min3A_102 : vector<1024xf32> to vector<1024x1xf32>
    %le3A_104 = vector.broadcast %broadcast_in_dim3A_103 : vector<1024x1xf32> to vector<1024x1024xf32>
    %le3A_105 = arith.cmpf ole, %select_n3A_100, %le3A_104 : vector<1024x1024xf32>
    %jit3A_106 = arith.constant 2.048000e+03 : f32
    %broadcast_in_dim3A_107 = vector.shape_cast %convert_element_type3A : vector<1x1024xf32> to vector<1x1024xf32>
    %broadcast_in_dim3A_108 = vector.broadcast %broadcast_in_dim3A_107 : vector<1x1024xf32> to vector<1024x1024xf32>
    %broadcast_in_dim3A_109 = vector.broadcast %jit3A_106 : f32 to vector<1024x1024xf32>
    %select_n3A_110 = arith.select %le3A_105, %broadcast_in_dim3A_108, %broadcast_in_dim3A_109 : vector<1024x1024xi1>, vector<1024x1024xf32>
    %reduce_min3A_111 = arith.constant dense<0x7F800000> : vector<1024xf32>
    %reduce_min3A_112 = vector.multi_reduction <minimumf>, %select_n3A_110, %reduce_min3A_111 [1] : vector<1024x1024xf32> to vector<1024xf32>
    %jit3A_113 = arith.constant 0x7F800000 : f32
    %broadcast_in_dim3A_114 = vector.broadcast %jit3A_113 : f32 to vector<1024x1024xf32>
    %select_n3A_115 = arith.select %le3A_105, %broadcast_in_dim3A_114, %select_n3A_100 : vector<1024x1024xi1>, vector<1024x1024xf32>
    %reduce_min3A_116 = arith.constant dense<0x7F800000> : vector<1024xf32>
    %reduce_min3A_117 = vector.multi_reduction <minimumf>, %select_n3A_115, %reduce_min3A_116 [1] : vector<1024x1024xf32> to vector<1024xf32>
    %broadcast_in_dim3A_118 = vector.shape_cast %reduce_min3A_117 : vector<1024xf32> to vector<1024x1xf32>
    %le3A_119 = vector.broadcast %broadcast_in_dim3A_118 : vector<1024x1xf32> to vector<1024x1024xf32>
    %le3A_120 = arith.cmpf ole, %select_n3A_115, %le3A_119 : vector<1024x1024xf32>
    %jit3A_121 = arith.constant 2.048000e+03 : f32
    %broadcast_in_dim3A_122 = vector.shape_cast %convert_element_type3A : vector<1x1024xf32> to vector<1x1024xf32>
    %broadcast_in_dim3A_123 = vector.broadcast %broadcast_in_dim3A_122 : vector<1x1024xf32> to vector<1024x1024xf32>
    %broadcast_in_dim3A_124 = vector.broadcast %jit3A_121 : f32 to vector<1024x1024xf32>
    %select_n3A_125 = arith.select %le3A_120, %broadcast_in_dim3A_123, %broadcast_in_dim3A_124 : vector<1024x1024xi1>, vector<1024x1024xf32>
    %reduce_min3A_126 = arith.constant dense<0x7F800000> : vector<1024xf32>
    %reduce_min3A_127 = vector.multi_reduction <minimumf>, %select_n3A_125, %reduce_min3A_126 [1] : vector<1024x1024xf32> to vector<1024xf32>
    %jit3A_128 = arith.constant 0x7F800000 : f32
    %broadcast_in_dim3A_129 = vector.broadcast %jit3A_128 : f32 to vector<1024x1024xf32>
    %select_n3A_130 = arith.select %le3A_120, %broadcast_in_dim3A_129, %select_n3A_115 : vector<1024x1024xi1>, vector<1024x1024xf32>
    %reduce_min3A_131 = arith.constant dense<0x7F800000> : vector<1024xf32>
    %reduce_min3A_132 = vector.multi_reduction <minimumf>, %select_n3A_130, %reduce_min3A_131 [1] : vector<1024x1024xf32> to vector<1024xf32>
    %broadcast_in_dim3A_133 = vector.shape_cast %reduce_min3A_132 : vector<1024xf32> to vector<1024x1xf32>
    %le3A_134 = vector.broadcast %broadcast_in_dim3A_133 : vector<1024x1xf32> to vector<1024x1024xf32>
    %le3A_135 = arith.cmpf ole, %select_n3A_130, %le3A_134 : vector<1024x1024xf32>
    %jit3A_136 = arith.constant 2.048000e+03 : f32
    %broadcast_in_dim3A_137 = vector.shape_cast %convert_element_type3A : vector<1x1024xf32> to vector<1x1024xf32>
    %broadcast_in_dim3A_138 = vector.broadcast %broadcast_in_dim3A_137 : vector<1x1024xf32> to vector<1024x1024xf32>
    %broadcast_in_dim3A_139 = vector.broadcast %jit3A_136 : f32 to vector<1024x1024xf32>
    %select_n3A_140 = arith.select %le3A_135, %broadcast_in_dim3A_138, %broadcast_in_dim3A_139 : vector<1024x1024xi1>, vector<1024x1024xf32>
    %reduce_min3A_141 = arith.constant dense<0x7F800000> : vector<1024xf32>
    %reduce_min3A_142 = vector.multi_reduction <minimumf>, %select_n3A_140, %reduce_min3A_141 [1] : vector<1024x1024xf32> to vector<1024xf32>
    %jit3A_143 = arith.constant 0x7F800000 : f32
    %broadcast_in_dim3A_144 = vector.broadcast %jit3A_143 : f32 to vector<1024x1024xf32>
    %select_n3A_145 = arith.select %le3A_135, %broadcast_in_dim3A_144, %select_n3A_130 : vector<1024x1024xi1>, vector<1024x1024xf32>
    %reduce_min3A_146 = arith.constant dense<0x7F800000> : vector<1024xf32>
    %reduce_min3A_147 = vector.multi_reduction <minimumf>, %select_n3A_145, %reduce_min3A_146 [1] : vector<1024x1024xf32> to vector<1024xf32>
    %broadcast_in_dim3A_148 = vector.shape_cast %reduce_min3A_147 : vector<1024xf32> to vector<1024x1xf32>
    %le3A_149 = vector.broadcast %broadcast_in_dim3A_148 : vector<1024x1xf32> to vector<1024x1024xf32>
    %le3A_150 = arith.cmpf ole, %select_n3A_145, %le3A_149 : vector<1024x1024xf32>
    %jit3A_151 = arith.constant 2.048000e+03 : f32
    %broadcast_in_dim3A_152 = vector.shape_cast %convert_element_type3A : vector<1x1024xf32> to vector<1x1024xf32>
    %broadcast_in_dim3A_153 = vector.broadcast %broadcast_in_dim3A_152 : vector<1x1024xf32> to vector<1024x1024xf32>
    %broadcast_in_dim3A_154 = vector.broadcast %jit3A_151 : f32 to vector<1024x1024xf32>
    %select_n3A_155 = arith.select %le3A_150, %broadcast_in_dim3A_153, %broadcast_in_dim3A_154 : vector<1024x1024xi1>, vector<1024x1024xf32>
    %reduce_min3A_156 = arith.constant dense<0x7F800000> : vector<1024xf32>
    %reduce_min3A_157 = vector.multi_reduction <minimumf>, %select_n3A_155, %reduce_min3A_156 [1] : vector<1024x1024xf32> to vector<1024xf32>
    %jit3A_158 = arith.constant 0x7F800000 : f32
    %broadcast_in_dim3A_159 = vector.broadcast %jit3A_158 : f32 to vector<1024x1024xf32>
    %select_n3A_160 = arith.select %le3A_150, %broadcast_in_dim3A_159, %select_n3A_145 : vector<1024x1024xi1>, vector<1024x1024xf32>
    %reduce_min3A_161 = arith.constant dense<0x7F800000> : vector<1024xf32>
    %reduce_min3A_162 = vector.multi_reduction <minimumf>, %select_n3A_160, %reduce_min3A_161 [1] : vector<1024x1024xf32> to vector<1024xf32>
    %broadcast_in_dim3A_163 = vector.shape_cast %reduce_min3A_162 : vector<1024xf32> to vector<1024x1xf32>
    %le3A_164 = vector.broadcast %broadcast_in_dim3A_163 : vector<1024x1xf32> to vector<1024x1024xf32>
    %le3A_165 = arith.cmpf ole, %select_n3A_160, %le3A_164 : vector<1024x1024xf32>
    %jit3A_166 = arith.constant 2.048000e+03 : f32
    %broadcast_in_dim3A_167 = vector.shape_cast %convert_element_type3A : vector<1x1024xf32> to vector<1x1024xf32>
    %broadcast_in_dim3A_168 = vector.broadcast %broadcast_in_dim3A_167 : vector<1x1024xf32> to vector<1024x1024xf32>
    %broadcast_in_dim3A_169 = vector.broadcast %jit3A_166 : f32 to vector<1024x1024xf32>
    %select_n3A_170 = arith.select %le3A_165, %broadcast_in_dim3A_168, %broadcast_in_dim3A_169 : vector<1024x1024xi1>, vector<1024x1024xf32>
    %reduce_min3A_171 = arith.constant dense<0x7F800000> : vector<1024xf32>
    %reduce_min3A_172 = vector.multi_reduction <minimumf>, %select_n3A_170, %reduce_min3A_171 [1] : vector<1024x1024xf32> to vector<1024xf32>
    %jit3A_173 = arith.constant 0x7F800000 : f32
    %broadcast_in_dim3A_174 = vector.broadcast %jit3A_173 : f32 to vector<1024x1024xf32>
    %select_n3A_175 = arith.select %le3A_165, %broadcast_in_dim3A_174, %select_n3A_160 : vector<1024x1024xi1>, vector<1024x1024xf32>
    %reduce_min3A_176 = arith.constant dense<0x7F800000> : vector<1024xf32>
    %reduce_min3A_177 = vector.multi_reduction <minimumf>, %select_n3A_175, %reduce_min3A_176 [1] : vector<1024x1024xf32> to vector<1024xf32>
    %broadcast_in_dim3A_178 = vector.shape_cast %reduce_min3A_177 : vector<1024xf32> to vector<1024x1xf32>
    %le3A_179 = vector.broadcast %broadcast_in_dim3A_178 : vector<1024x1xf32> to vector<1024x1024xf32>
    %le3A_180 = arith.cmpf ole, %select_n3A_175, %le3A_179 : vector<1024x1024xf32>
    %jit3A_181 = arith.constant 2.048000e+03 : f32
    %broadcast_in_dim3A_182 = vector.shape_cast %convert_element_type3A : vector<1x1024xf32> to vector<1x1024xf32>
    %broadcast_in_dim3A_183 = vector.broadcast %broadcast_in_dim3A_182 : vector<1x1024xf32> to vector<1024x1024xf32>
    %broadcast_in_dim3A_184 = vector.broadcast %jit3A_181 : f32 to vector<1024x1024xf32>
    %select_n3A_185 = arith.select %le3A_180, %broadcast_in_dim3A_183, %broadcast_in_dim3A_184 : vector<1024x1024xi1>, vector<1024x1024xf32>
    %reduce_min3A_186 = arith.constant dense<0x7F800000> : vector<1024xf32>
    %reduce_min3A_187 = vector.multi_reduction <minimumf>, %select_n3A_185, %reduce_min3A_186 [1] : vector<1024x1024xf32> to vector<1024xf32>
    %jit3A_188 = arith.constant 0x7F800000 : f32
    %broadcast_in_dim3A_189 = vector.broadcast %jit3A_188 : f32 to vector<1024x1024xf32>
    %select_n3A_190 = arith.select %le3A_180, %broadcast_in_dim3A_189, %select_n3A_175 : vector<1024x1024xi1>, vector<1024x1024xf32>
    %reduce_min3A_191 = arith.constant dense<0x7F800000> : vector<1024xf32>
    %reduce_min3A_192 = vector.multi_reduction <minimumf>, %select_n3A_190, %reduce_min3A_191 [1] : vector<1024x1024xf32> to vector<1024xf32>
    %broadcast_in_dim3A_193 = vector.shape_cast %reduce_min3A_192 : vector<1024xf32> to vector<1024x1xf32>
    %le3A_194 = vector.broadcast %broadcast_in_dim3A_193 : vector<1024x1xf32> to vector<1024x1024xf32>
    %le3A_195 = arith.cmpf ole, %select_n3A_190, %le3A_194 : vector<1024x1024xf32>
    %jit3A_196 = arith.constant 2.048000e+03 : f32
    %broadcast_in_dim3A_197 = vector.shape_cast %convert_element_type3A : vector<1x1024xf32> to vector<1x1024xf32>
    %broadcast_in_dim3A_198 = vector.broadcast %broadcast_in_dim3A_197 : vector<1x1024xf32> to vector<1024x1024xf32>
    %broadcast_in_dim3A_199 = vector.broadcast %jit3A_196 : f32 to vector<1024x1024xf32>
    %select_n3A_200 = arith.select %le3A_195, %broadcast_in_dim3A_198, %broadcast_in_dim3A_199 : vector<1024x1024xi1>, vector<1024x1024xf32>
    %reduce_min3A_201 = arith.constant dense<0x7F800000> : vector<1024xf32>
    %reduce_min3A_202 = vector.multi_reduction <minimumf>, %select_n3A_200, %reduce_min3A_201 [1] : vector<1024x1024xf32> to vector<1024xf32>
    %jit3A_203 = arith.constant 0x7F800000 : f32
    %broadcast_in_dim3A_204 = vector.broadcast %jit3A_203 : f32 to vector<1024x1024xf32>
    %select_n3A_205 = arith.select %le3A_195, %broadcast_in_dim3A_204, %select_n3A_190 : vector<1024x1024xi1>, vector<1024x1024xf32>
    %reduce_min3A_206 = arith.constant dense<0x7F800000> : vector<1024xf32>
    %reduce_min3A_207 = vector.multi_reduction <minimumf>, %select_n3A_205, %reduce_min3A_206 [1] : vector<1024x1024xf32> to vector<1024xf32>
    %broadcast_in_dim3A_208 = vector.shape_cast %reduce_min3A_207 : vector<1024xf32> to vector<1024x1xf32>
    %le3A_209 = vector.broadcast %broadcast_in_dim3A_208 : vector<1024x1xf32> to vector<1024x1024xf32>
    %le3A_210 = arith.cmpf ole, %select_n3A_205, %le3A_209 : vector<1024x1024xf32>
    %jit3A_211 = arith.constant 2.048000e+03 : f32
    %broadcast_in_dim3A_212 = vector.shape_cast %convert_element_type3A : vector<1x1024xf32> to vector<1x1024xf32>
    %broadcast_in_dim3A_213 = vector.broadcast %broadcast_in_dim3A_212 : vector<1x1024xf32> to vector<1024x1024xf32>
    %broadcast_in_dim3A_214 = vector.broadcast %jit3A_211 : f32 to vector<1024x1024xf32>
    %select_n3A_215 = arith.select %le3A_210, %broadcast_in_dim3A_213, %broadcast_in_dim3A_214 : vector<1024x1024xi1>, vector<1024x1024xf32>
    %reduce_min3A_216 = arith.constant dense<0x7F800000> : vector<1024xf32>
    %reduce_min3A_217 = vector.multi_reduction <minimumf>, %select_n3A_215, %reduce_min3A_216 [1] : vector<1024x1024xf32> to vector<1024xf32>
    %jit3A_218 = arith.constant 0x7F800000 : f32
    %broadcast_in_dim3A_219 = vector.broadcast %jit3A_218 : f32 to vector<1024x1024xf32>
    %select_n3A_220 = arith.select %le3A_210, %broadcast_in_dim3A_219, %select_n3A_205 : vector<1024x1024xi1>, vector<1024x1024xf32>
    %reduce_min3A_221 = arith.constant dense<0x7F800000> : vector<1024xf32>
    %reduce_min3A_222 = vector.multi_reduction <minimumf>, %select_n3A_220, %reduce_min3A_221 [1] : vector<1024x1024xf32> to vector<1024xf32>
    %broadcast_in_dim3A_223 = vector.shape_cast %reduce_min3A_222 : vector<1024xf32> to vector<1024x1xf32>
    %le3A_224 = vector.broadcast %broadcast_in_dim3A_223 : vector<1024x1xf32> to vector<1024x1024xf32>
    %le3A_225 = arith.cmpf ole, %select_n3A_220, %le3A_224 : vector<1024x1024xf32>
    %jit3A_226 = arith.constant 2.048000e+03 : f32
    %broadcast_in_dim3A_227 = vector.shape_cast %convert_element_type3A : vector<1x1024xf32> to vector<1x1024xf32>
    %broadcast_in_dim3A_228 = vector.broadcast %broadcast_in_dim3A_227 : vector<1x1024xf32> to vector<1024x1024xf32>
    %broadcast_in_dim3A_229 = vector.broadcast %jit3A_226 : f32 to vector<1024x1024xf32>
    %select_n3A_230 = arith.select %le3A_225, %broadcast_in_dim3A_228, %broadcast_in_dim3A_229 : vector<1024x1024xi1>, vector<1024x1024xf32>
    %reduce_min3A_231 = arith.constant dense<0x7F800000> : vector<1024xf32>
    %reduce_min3A_232 = vector.multi_reduction <minimumf>, %select_n3A_230, %reduce_min3A_231 [1] : vector<1024x1024xf32> to vector<1024xf32>
    %jit3A_233 = arith.constant 0x7F800000 : f32
    %broadcast_in_dim3A_234 = vector.broadcast %jit3A_233 : f32 to vector<1024x1024xf32>
    %select_n3A_235 = arith.select %le3A_225, %broadcast_in_dim3A_234, %select_n3A_220 : vector<1024x1024xi1>, vector<1024x1024xf32>
    %reduce_min3A_236 = arith.constant dense<0x7F800000> : vector<1024xf32>
    %reduce_min3A_237 = vector.multi_reduction <minimumf>, %select_n3A_235, %reduce_min3A_236 [1] : vector<1024x1024xf32> to vector<1024xf32>
    %broadcast_in_dim3A_238 = vector.shape_cast %reduce_min3A_237 : vector<1024xf32> to vector<1024x1xf32>
    %le3A_239 = vector.broadcast %broadcast_in_dim3A_238 : vector<1024x1xf32> to vector<1024x1024xf32>
    %le3A_240 = arith.cmpf ole, %select_n3A_235, %le3A_239 : vector<1024x1024xf32>
    %jit3A_241 = arith.constant 2.048000e+03 : f32
    %broadcast_in_dim3A_242 = vector.shape_cast %convert_element_type3A : vector<1x1024xf32> to vector<1x1024xf32>
    %broadcast_in_dim3A_243 = vector.broadcast %broadcast_in_dim3A_242 : vector<1x1024xf32> to vector<1024x1024xf32>
    %broadcast_in_dim3A_244 = vector.broadcast %jit3A_241 : f32 to vector<1024x1024xf32>
    %select_n3A_245 = arith.select %le3A_240, %broadcast_in_dim3A_243, %broadcast_in_dim3A_244 : vector<1024x1024xi1>, vector<1024x1024xf32>
    %reduce_min3A_246 = arith.constant dense<0x7F800000> : vector<1024xf32>
    %reduce_min3A_247 = vector.multi_reduction <minimumf>, %select_n3A_245, %reduce_min3A_246 [1] : vector<1024x1024xf32> to vector<1024xf32>
    %jit3A_248 = arith.constant 0x7F800000 : f32
    %broadcast_in_dim3A_249 = vector.broadcast %jit3A_248 : f32 to vector<1024x1024xf32>
    %select_n3A_250 = arith.select %le3A_240, %broadcast_in_dim3A_249, %select_n3A_235 : vector<1024x1024xi1>, vector<1024x1024xf32>
    %reduce_min3A_251 = arith.constant dense<0x7F800000> : vector<1024xf32>
    %reduce_min3A_252 = vector.multi_reduction <minimumf>, %select_n3A_250, %reduce_min3A_251 [1] : vector<1024x1024xf32> to vector<1024xf32>
    %broadcast_in_dim3A_253 = vector.shape_cast %reduce_min3A_252 : vector<1024xf32> to vector<1024x1xf32>
    %le3A_254 = vector.broadcast %broadcast_in_dim3A_253 : vector<1024x1xf32> to vector<1024x1024xf32>
    %le3A_255 = arith.cmpf ole, %select_n3A_250, %le3A_254 : vector<1024x1024xf32>
    %jit3A_256 = arith.constant 2.048000e+03 : f32
    %broadcast_in_dim3A_257 = vector.shape_cast %convert_element_type3A : vector<1x1024xf32> to vector<1x1024xf32>
    %broadcast_in_dim3A_258 = vector.broadcast %broadcast_in_dim3A_257 : vector<1x1024xf32> to vector<1024x1024xf32>
    %broadcast_in_dim3A_259 = vector.broadcast %jit3A_256 : f32 to vector<1024x1024xf32>
    %select_n3A_260 = arith.select %le3A_255, %broadcast_in_dim3A_258, %broadcast_in_dim3A_259 : vector<1024x1024xi1>, vector<1024x1024xf32>
    %reduce_min3A_261 = arith.constant dense<0x7F800000> : vector<1024xf32>
    %reduce_min3A_262 = vector.multi_reduction <minimumf>, %select_n3A_260, %reduce_min3A_261 [1] : vector<1024x1024xf32> to vector<1024xf32>
    %jit3A_263 = arith.constant 0x7F800000 : f32
    %broadcast_in_dim3A_264 = vector.broadcast %jit3A_263 : f32 to vector<1024x1024xf32>
    %select_n3A_265 = arith.select %le3A_255, %broadcast_in_dim3A_264, %select_n3A_250 : vector<1024x1024xi1>, vector<1024x1024xf32>
    %reduce_min3A_266 = arith.constant dense<0x7F800000> : vector<1024xf32>
    %reduce_min3A_267 = vector.multi_reduction <minimumf>, %select_n3A_265, %reduce_min3A_266 [1] : vector<1024x1024xf32> to vector<1024xf32>
    %broadcast_in_dim3A_268 = vector.shape_cast %reduce_min3A_267 : vector<1024xf32> to vector<1024x1xf32>
    %le3A_269 = vector.broadcast %broadcast_in_dim3A_268 : vector<1024x1xf32> to vector<1024x1024xf32>
    %le3A_270 = arith.cmpf ole, %select_n3A_265, %le3A_269 : vector<1024x1024xf32>
    %jit3A_271 = arith.constant 2.048000e+03 : f32
    %broadcast_in_dim3A_272 = vector.shape_cast %convert_element_type3A : vector<1x1024xf32> to vector<1x1024xf32>
    %broadcast_in_dim3A_273 = vector.broadcast %broadcast_in_dim3A_272 : vector<1x1024xf32> to vector<1024x1024xf32>
    %broadcast_in_dim3A_274 = vector.broadcast %jit3A_271 : f32 to vector<1024x1024xf32>
    %select_n3A_275 = arith.select %le3A_270, %broadcast_in_dim3A_273, %broadcast_in_dim3A_274 : vector<1024x1024xi1>, vector<1024x1024xf32>
    %reduce_min3A_276 = arith.constant dense<0x7F800000> : vector<1024xf32>
    %reduce_min3A_277 = vector.multi_reduction <minimumf>, %select_n3A_275, %reduce_min3A_276 [1] : vector<1024x1024xf32> to vector<1024xf32>
    %stack3A = vector.shape_cast %reduce_min3A_52 : vector<1024xf32> to vector<1x1024xf32>
    %stack3A_278 = vector.shape_cast %reduce_min3A_67 : vector<1024xf32> to vector<1x1024xf32>
    %stack3A_279 = vector.shape_cast %reduce_min3A_82 : vector<1024xf32> to vector<1x1024xf32>
    %stack3A_280 = vector.shape_cast %reduce_min3A_97 : vector<1024xf32> to vector<1x1024xf32>
    %stack3A_281 = vector.shape_cast %reduce_min3A_112 : vector<1024xf32> to vector<1x1024xf32>
    %stack3A_282 = vector.shape_cast %reduce_min3A_127 : vector<1024xf32> to vector<1x1024xf32>
    %stack3A_283 = vector.shape_cast %reduce_min3A_142 : vector<1024xf32> to vector<1x1024xf32>
    %stack3A_284 = vector.shape_cast %reduce_min3A_157 : vector<1024xf32> to vector<1x1024xf32>
    %stack3A_285 = vector.shape_cast %reduce_min3A_172 : vector<1024xf32> to vector<1x1024xf32>
    %stack3A_286 = vector.shape_cast %reduce_min3A_187 : vector<1024xf32> to vector<1x1024xf32>
    %stack3A_287 = vector.shape_cast %reduce_min3A_202 : vector<1024xf32> to vector<1x1024xf32>
    %stack3A_288 = vector.shape_cast %reduce_min3A_217 : vector<1024xf32> to vector<1x1024xf32>
    %stack3A_289 = vector.shape_cast %reduce_min3A_232 : vector<1024xf32> to vector<1x1024xf32>
    %stack3A_290 = vector.shape_cast %reduce_min3A_247 : vector<1024xf32> to vector<1x1024xf32>
    %stack3A_291 = vector.shape_cast %reduce_min3A_262 : vector<1024xf32> to vector<1x1024xf32>
    %stack3A_292 = vector.shape_cast %reduce_min3A_277 : vector<1024xf32> to vector<1x1024xf32>
    %stack3A_293 = tpu.concatenate %stack3A, %stack3A_278, %stack3A_279, %stack3A_280, %stack3A_281, %stack3A_282, %stack3A_283, %stack3A_284, %stack3A_285, %stack3A_286, %stack3A_287, %stack3A_288, %stack3A_289, %stack3A_290, %stack3A_291, %stack3A_292 in 0 : vector<1x1024xf32>, vector<1x1024xf32>, vector<1x1024xf32>, vector<1x1024xf32>, vector<1x1024xf32>, vector<1x1024xf32>, vector<1x1024xf32>, vector<1x1024xf32>, vector<1x1024xf32>, vector<1x1024xf32>, vector<1x1024xf32>, vector<1x1024xf32>, vector<1x1024xf32>, vector<1x1024xf32>, vector<1x1024xf32>, vector<1x1024xf32> -> vector<16x1024xf32>
    %convert_element_type3A_294 = arith.fptosi %stack3A_293 : vector<16x1024xf32> to vector<16x1024xi32>
    %add3A_295 = vector.broadcast %mul3A_44 : i32 to vector<16x1024xi32>
    %add3A_296 = arith.addi %convert_element_type3A_294, %add3A_295 : vector<16x1024xi32>
    %swap3A_297 = arith.constant 0 : index
    %swap3A_298 = arith.constant 0 : index
    %swap3A_299 = arith.constant 0 : index
    %swap3A_300 = vector.load %arg5[%swap3A_297, %swap3A_298, %swap3A_299] : memref<1x16x1024xi32, #tpu.memory_space<vmem>>, vector<1x16x1024xi32>
    %swap3A_301 = vector.shape_cast %swap3A_300 : vector<1x16x1024xi32> to vector<16x1024xi32>
    %swap3A_302 = vector.shape_cast %add3A_296 : vector<16x1024xi32> to vector<1x16x1024xi32>
    tpu.vector_store %arg5[%swap3A_297, %swap3A_298, %swap3A_299], %swap3A_302 {strides = array<i32>} : memref<1x16x1024xi32, #tpu.memory_space<vmem>>, vector<1x16x1024xi32>,
    return
  }
  func.func @transform_0(%arg0: i32) -> (i32, i32, i32) {
    %c0_i32 = arith.constant 0 : i32
    %c0_i32_0 = arith.constant 0 : i32
    %c0_i32_1 = arith.constant 0 : i32
    return %arg0, %c0_i32, %c0_i32_0 : i32, i32, i32
  }
  func.func @transform_1(%arg0: i32) -> (i32, i32) {
    %c0_i32 = arith.constant 0 : i32
    %c0_i32_0 = arith.constant 0 : i32
    %c0_i32_1 = arith.constant 0 : i32
    return %c0_i32, %c0_i32_0 : i32, i32
  }
  func.func @transform_2(%arg0: i32) -> (i32, i32) {
    %c0_i32 = arith.constant 0 : i32
    %c0_i32_0 = arith.constant 0 : i32
    %c0_i32_1 = arith.constant 0 : i32
    return %c0_i32, %c0_i32_0 : i32, i32
  }
  func.func @transform_3(%arg0: i32) -> (i32, i32) {
    %c0_i32 = arith.constant 0 : i32
    %c0_i32_0 = arith.constant 0 : i32
    %c0_i32_1 = arith.constant 0 : i32
    return %c0_i32, %c0_i32_0 : i32, i32
  }
  func.func @transform_4(%arg0: i32) -> (i32, i32, i32) {
    %c0_i32 = arith.constant 0 : i32
    %c0_i32_0 = arith.constant 0 : i32
    %c0_i32_1 = arith.constant 0 : i32
    return %arg0, %c0_i32, %c0_i32_0 : i32, i32, i32
  }
  func.func @transform_5(%arg0: i32) -> (i32, i32, i32) {
    %c0_i32 = arith.constant 0 : i32
    %c0_i32_0 = arith.constant 0 : i32
    %c0_i32_1 = arith.constant 0 : i32
    return %arg0, %c0_i32, %c0_i32_0 : i32, i32, i32
  }
  func.func @transform_6(%arg0: i32) -> (i32, i32, i32) {
    %c0_i32 = arith.constant 0 : i32
    %c0_i32_0 = arith.constant 0 : i32
    %c0_i32_1 = arith.constant 0 : i32
    return %arg0, %c0_i32, %c0_i32_0 : i32, i32, i32
  }
}

module attributes {stable_mosaic.version = 14 : i64} {
  func.func @_edge_body(%arg0: i32, %arg1: memref<1x1024x128xf32, #tpu.memory_space<vmem>>, %arg2: memref<1x16x1024x128xf32, #tpu.memory_space<vmem>>, %arg3: memref<128x64xf32, #tpu.memory_space<vmem>>, %arg4: memref<1x64xf32, #tpu.memory_space<vmem>>, %arg5: memref<1x1024x64xf32, #tpu.memory_space<vmem>>) attributes {dimension_semantics = [#tpu.dimension_semantics<arbitrary>], iteration_bounds = array<i64: 16>, scalar_prefetch = 0 : i64, scratch_operands = 0 : i64, tpu.core_type = #tpu.core_type<tc>, window_params = [{transform_indices = @transform_0, window_bounds = array<i64: 1, 1024, 128>}, {transform_indices = @transform_1, window_bounds = array<i64: 1, 16, 1024, 128>}, {pipeline_mode = #tpu.pipeline_mode<synchronous>, transform_indices = @transform_2, window_bounds = array<i64: 128, 64>}, {pipeline_mode = #tpu.pipeline_mode<synchronous>, transform_indices = @transform_3, window_bounds = array<i64: 1, 64>}, {transform_indices = @transform_4, window_bounds = array<i64: 1, 1024, 64>}]} {
    %get3A = arith.constant 0 : index
    %get3A_0 = arith.constant 0 : index
    %get3A_1 = arith.constant 0 : index
    %get3A_2 = vector.load %arg1[%get3A, %get3A_0, %get3A_1] : memref<1x1024x128xf32, #tpu.memory_space<vmem>>, vector<1x1024x128xf32>
    %get3A_3 = vector.shape_cast %get3A_2 : vector<1x1024x128xf32> to vector<1024x128xf32>
    %get3A_4 = arith.constant 0 : index
    %get3A_5 = arith.constant 0 : index
    %get3A_6 = vector.load %arg3[%get3A_4, %get3A_5] : memref<128x64xf32, #tpu.memory_space<vmem>>, vector<128x64xf32>
    %get3A_7 = arith.constant 0 : index
    %get3A_8 = arith.constant 0 : index
    %get3A_9 = vector.load %arg4[%get3A_7, %get3A_8] : memref<1x64xf32, #tpu.memory_space<vmem>>, vector<1x64xf32>
    %get3A_10 = vector.shape_cast %get3A_9 : vector<1x64xf32> to vector<64xf32>
    %get3A_11 = arith.constant 0 : index
    %get3A_12 = arith.constant 0 : index
    %get3A_13 = arith.constant 0 : index
    %get3A_14 = arith.constant 0 : index
    %get3A_15 = vector.load %arg2[%get3A_11, %get3A_12, %get3A_13, %get3A_14] : memref<1x16x1024x128xf32, #tpu.memory_space<vmem>>, vector<1x1x1024x128xf32>
    %get3A_16 = vector.shape_cast %get3A_15 : vector<1x1x1024x128xf32> to vector<1024x128xf32>
    %add3A = arith.addf %get3A_3, %get3A_16 : vector<1024x128xf32>
    %jit3A = arith.constant 0.00999999977 : f32
    %ge3A = arith.constant 0.000000e+00 : f32
    %ge3A_17 = vector.broadcast %ge3A : f32 to vector<1024x128xf32>
    %ge3A_18 = arith.cmpf oge, %add3A, %ge3A_17 : vector<1024x128xf32>
    %mul3A = vector.broadcast %jit3A : f32 to vector<1024x128xf32>
    %mul3A_19 = arith.mulf %mul3A, %add3A : vector<1024x128xf32>
    %select_n3A = arith.select %ge3A_18, %add3A, %mul3A_19 : vector<1024x128xi1>, vector<1024x128xf32>
    %dot_general3A = arith.constant dense<0.000000e+00> : vector<1024x64xf32>
    %dot_general3A_20 = tpu.matmul %select_n3A, %get3A_6, %dot_general3A {dimension_numbers = #tpu.dot_dimension_numbers<[1], [0], [0], [1], [0, 0, 1, 1], [], []>, transpose_lhs_hint = false} : vector<1024x128xf32>, vector<128x64xf32>, vector<1024x64xf32> -> vector<1024x64xf32>
    %broadcast_in_dim3A = vector.shape_cast %get3A_10 : vector<64xf32> to vector<1x64xf32>
    %add3A_21 = vector.broadcast %broadcast_in_dim3A : vector<1x64xf32> to vector<1024x64xf32>
    %add3A_22 = arith.addf %dot_general3A_20, %add3A_21 : vector<1024x64xf32>
    %jit3A_23 = arith.constant 0.00999999977 : f32
    %ge3A_24 = arith.constant 0.000000e+00 : f32
    %ge3A_25 = vector.broadcast %ge3A_24 : f32 to vector<1024x64xf32>
    %ge3A_26 = arith.cmpf oge, %add3A_22, %ge3A_25 : vector<1024x64xf32>
    %mul3A_27 = vector.broadcast %jit3A_23 : f32 to vector<1024x64xf32>
    %mul3A_28 = arith.mulf %mul3A_27, %add3A_22 : vector<1024x64xf32>
    %select_n3A_29 = arith.select %ge3A_26, %add3A_22, %mul3A_28 : vector<1024x64xi1>, vector<1024x64xf32>
    %get3A_30 = arith.constant 0 : index
    %get3A_31 = arith.constant 1 : index
    %get3A_32 = arith.constant 0 : index
    %get3A_33 = arith.constant 0 : index
    %get3A_34 = vector.load %arg2[%get3A_30, %get3A_31, %get3A_32, %get3A_33] : memref<1x16x1024x128xf32, #tpu.memory_space<vmem>>, vector<1x1x1024x128xf32>
    %get3A_35 = vector.shape_cast %get3A_34 : vector<1x1x1024x128xf32> to vector<1024x128xf32>
    %add3A_36 = arith.addf %get3A_3, %get3A_35 : vector<1024x128xf32>
    %jit3A_37 = arith.constant 0.00999999977 : f32
    %ge3A_38 = arith.constant 0.000000e+00 : f32
    %ge3A_39 = vector.broadcast %ge3A_38 : f32 to vector<1024x128xf32>
    %ge3A_40 = arith.cmpf oge, %add3A_36, %ge3A_39 : vector<1024x128xf32>
    %mul3A_41 = vector.broadcast %jit3A_37 : f32 to vector<1024x128xf32>
    %mul3A_42 = arith.mulf %mul3A_41, %add3A_36 : vector<1024x128xf32>
    %select_n3A_43 = arith.select %ge3A_40, %add3A_36, %mul3A_42 : vector<1024x128xi1>, vector<1024x128xf32>
    %dot_general3A_44 = arith.constant dense<0.000000e+00> : vector<1024x64xf32>
    %dot_general3A_45 = tpu.matmul %select_n3A_43, %get3A_6, %dot_general3A_44 {dimension_numbers = #tpu.dot_dimension_numbers<[1], [0], [0], [1], [0, 0, 1, 1], [], []>, transpose_lhs_hint = false} : vector<1024x128xf32>, vector<128x64xf32>, vector<1024x64xf32> -> vector<1024x64xf32>
    %broadcast_in_dim3A_46 = vector.shape_cast %get3A_10 : vector<64xf32> to vector<1x64xf32>
    %add3A_47 = vector.broadcast %broadcast_in_dim3A_46 : vector<1x64xf32> to vector<1024x64xf32>
    %add3A_48 = arith.addf %dot_general3A_45, %add3A_47 : vector<1024x64xf32>
    %jit3A_49 = arith.constant 0.00999999977 : f32
    %ge3A_50 = arith.constant 0.000000e+00 : f32
    %ge3A_51 = vector.broadcast %ge3A_50 : f32 to vector<1024x64xf32>
    %ge3A_52 = arith.cmpf oge, %add3A_48, %ge3A_51 : vector<1024x64xf32>
    %mul3A_53 = vector.broadcast %jit3A_49 : f32 to vector<1024x64xf32>
    %mul3A_54 = arith.mulf %mul3A_53, %add3A_48 : vector<1024x64xf32>
    %select_n3A_55 = arith.select %ge3A_52, %add3A_48, %mul3A_54 : vector<1024x64xi1>, vector<1024x64xf32>
    %max3A = arith.maximumf %select_n3A_29, %select_n3A_55 : vector<1024x64xf32>
    %get3A_56 = arith.constant 0 : index
    %get3A_57 = arith.constant 2 : index
    %get3A_58 = arith.constant 0 : index
    %get3A_59 = arith.constant 0 : index
    %get3A_60 = vector.load %arg2[%get3A_56, %get3A_57, %get3A_58, %get3A_59] : memref<1x16x1024x128xf32, #tpu.memory_space<vmem>>, vector<1x1x1024x128xf32>
    %get3A_61 = vector.shape_cast %get3A_60 : vector<1x1x1024x128xf32> to vector<1024x128xf32>
    %add3A_62 = arith.addf %get3A_3, %get3A_61 : vector<1024x128xf32>
    %jit3A_63 = arith.constant 0.00999999977 : f32
    %ge3A_64 = arith.constant 0.000000e+00 : f32
    %ge3A_65 = vector.broadcast %ge3A_64 : f32 to vector<1024x128xf32>
    %ge3A_66 = arith.cmpf oge, %add3A_62, %ge3A_65 : vector<1024x128xf32>
    %mul3A_67 = vector.broadcast %jit3A_63 : f32 to vector<1024x128xf32>
    %mul3A_68 = arith.mulf %mul3A_67, %add3A_62 : vector<1024x128xf32>
    %select_n3A_69 = arith.select %ge3A_66, %add3A_62, %mul3A_68 : vector<1024x128xi1>, vector<1024x128xf32>
    %dot_general3A_70 = arith.constant dense<0.000000e+00> : vector<1024x64xf32>
    %dot_general3A_71 = tpu.matmul %select_n3A_69, %get3A_6, %dot_general3A_70 {dimension_numbers = #tpu.dot_dimension_numbers<[1], [0], [0], [1], [0, 0, 1, 1], [], []>, transpose_lhs_hint = false} : vector<1024x128xf32>, vector<128x64xf32>, vector<1024x64xf32> -> vector<1024x64xf32>
    %broadcast_in_dim3A_72 = vector.shape_cast %get3A_10 : vector<64xf32> to vector<1x64xf32>
    %add3A_73 = vector.broadcast %broadcast_in_dim3A_72 : vector<1x64xf32> to vector<1024x64xf32>
    %add3A_74 = arith.addf %dot_general3A_71, %add3A_73 : vector<1024x64xf32>
    %jit3A_75 = arith.constant 0.00999999977 : f32
    %ge3A_76 = arith.constant 0.000000e+00 : f32
    %ge3A_77 = vector.broadcast %ge3A_76 : f32 to vector<1024x64xf32>
    %ge3A_78 = arith.cmpf oge, %add3A_74, %ge3A_77 : vector<1024x64xf32>
    %mul3A_79 = vector.broadcast %jit3A_75 : f32 to vector<1024x64xf32>
    %mul3A_80 = arith.mulf %mul3A_79, %add3A_74 : vector<1024x64xf32>
    %select_n3A_81 = arith.select %ge3A_78, %add3A_74, %mul3A_80 : vector<1024x64xi1>, vector<1024x64xf32>
    %max3A_82 = arith.maximumf %max3A, %select_n3A_81 : vector<1024x64xf32>
    %get3A_83 = arith.constant 0 : index
    %get3A_84 = arith.constant 3 : index
    %get3A_85 = arith.constant 0 : index
    %get3A_86 = arith.constant 0 : index
    %get3A_87 = vector.load %arg2[%get3A_83, %get3A_84, %get3A_85, %get3A_86] : memref<1x16x1024x128xf32, #tpu.memory_space<vmem>>, vector<1x1x1024x128xf32>
    %get3A_88 = vector.shape_cast %get3A_87 : vector<1x1x1024x128xf32> to vector<1024x128xf32>
    %add3A_89 = arith.addf %get3A_3, %get3A_88 : vector<1024x128xf32>
    %jit3A_90 = arith.constant 0.00999999977 : f32
    %ge3A_91 = arith.constant 0.000000e+00 : f32
    %ge3A_92 = vector.broadcast %ge3A_91 : f32 to vector<1024x128xf32>
    %ge3A_93 = arith.cmpf oge, %add3A_89, %ge3A_92 : vector<1024x128xf32>
    %mul3A_94 = vector.broadcast %jit3A_90 : f32 to vector<1024x128xf32>
    %mul3A_95 = arith.mulf %mul3A_94, %add3A_89 : vector<1024x128xf32>
    %select_n3A_96 = arith.select %ge3A_93, %add3A_89, %mul3A_95 : vector<1024x128xi1>, vector<1024x128xf32>
    %dot_general3A_97 = arith.constant dense<0.000000e+00> : vector<1024x64xf32>
    %dot_general3A_98 = tpu.matmul %select_n3A_96, %get3A_6, %dot_general3A_97 {dimension_numbers = #tpu.dot_dimension_numbers<[1], [0], [0], [1], [0, 0, 1, 1], [], []>, transpose_lhs_hint = false} : vector<1024x128xf32>, vector<128x64xf32>, vector<1024x64xf32> -> vector<1024x64xf32>
    %broadcast_in_dim3A_99 = vector.shape_cast %get3A_10 : vector<64xf32> to vector<1x64xf32>
    %add3A_100 = vector.broadcast %broadcast_in_dim3A_99 : vector<1x64xf32> to vector<1024x64xf32>
    %add3A_101 = arith.addf %dot_general3A_98, %add3A_100 : vector<1024x64xf32>
    %jit3A_102 = arith.constant 0.00999999977 : f32
    %ge3A_103 = arith.constant 0.000000e+00 : f32
    %ge3A_104 = vector.broadcast %ge3A_103 : f32 to vector<1024x64xf32>
    %ge3A_105 = arith.cmpf oge, %add3A_101, %ge3A_104 : vector<1024x64xf32>
    %mul3A_106 = vector.broadcast %jit3A_102 : f32 to vector<1024x64xf32>
    %mul3A_107 = arith.mulf %mul3A_106, %add3A_101 : vector<1024x64xf32>
    %select_n3A_108 = arith.select %ge3A_105, %add3A_101, %mul3A_107 : vector<1024x64xi1>, vector<1024x64xf32>
    %max3A_109 = arith.maximumf %max3A_82, %select_n3A_108 : vector<1024x64xf32>
    %get3A_110 = arith.constant 0 : index
    %get3A_111 = arith.constant 4 : index
    %get3A_112 = arith.constant 0 : index
    %get3A_113 = arith.constant 0 : index
    %get3A_114 = vector.load %arg2[%get3A_110, %get3A_111, %get3A_112, %get3A_113] : memref<1x16x1024x128xf32, #tpu.memory_space<vmem>>, vector<1x1x1024x128xf32>
    %get3A_115 = vector.shape_cast %get3A_114 : vector<1x1x1024x128xf32> to vector<1024x128xf32>
    %add3A_116 = arith.addf %get3A_3, %get3A_115 : vector<1024x128xf32>
    %jit3A_117 = arith.constant 0.00999999977 : f32
    %ge3A_118 = arith.constant 0.000000e+00 : f32
    %ge3A_119 = vector.broadcast %ge3A_118 : f32 to vector<1024x128xf32>
    %ge3A_120 = arith.cmpf oge, %add3A_116, %ge3A_119 : vector<1024x128xf32>
    %mul3A_121 = vector.broadcast %jit3A_117 : f32 to vector<1024x128xf32>
    %mul3A_122 = arith.mulf %mul3A_121, %add3A_116 : vector<1024x128xf32>
    %select_n3A_123 = arith.select %ge3A_120, %add3A_116, %mul3A_122 : vector<1024x128xi1>, vector<1024x128xf32>
    %dot_general3A_124 = arith.constant dense<0.000000e+00> : vector<1024x64xf32>
    %dot_general3A_125 = tpu.matmul %select_n3A_123, %get3A_6, %dot_general3A_124 {dimension_numbers = #tpu.dot_dimension_numbers<[1], [0], [0], [1], [0, 0, 1, 1], [], []>, transpose_lhs_hint = false} : vector<1024x128xf32>, vector<128x64xf32>, vector<1024x64xf32> -> vector<1024x64xf32>
    %broadcast_in_dim3A_126 = vector.shape_cast %get3A_10 : vector<64xf32> to vector<1x64xf32>
    %add3A_127 = vector.broadcast %broadcast_in_dim3A_126 : vector<1x64xf32> to vector<1024x64xf32>
    %add3A_128 = arith.addf %dot_general3A_125, %add3A_127 : vector<1024x64xf32>
    %jit3A_129 = arith.constant 0.00999999977 : f32
    %ge3A_130 = arith.constant 0.000000e+00 : f32
    %ge3A_131 = vector.broadcast %ge3A_130 : f32 to vector<1024x64xf32>
    %ge3A_132 = arith.cmpf oge, %add3A_128, %ge3A_131 : vector<1024x64xf32>
    %mul3A_133 = vector.broadcast %jit3A_129 : f32 to vector<1024x64xf32>
    %mul3A_134 = arith.mulf %mul3A_133, %add3A_128 : vector<1024x64xf32>
    %select_n3A_135 = arith.select %ge3A_132, %add3A_128, %mul3A_134 : vector<1024x64xi1>, vector<1024x64xf32>
    %max3A_136 = arith.maximumf %max3A_109, %select_n3A_135 : vector<1024x64xf32>
    %get3A_137 = arith.constant 0 : index
    %get3A_138 = arith.constant 5 : index
    %get3A_139 = arith.constant 0 : index
    %get3A_140 = arith.constant 0 : index
    %get3A_141 = vector.load %arg2[%get3A_137, %get3A_138, %get3A_139, %get3A_140] : memref<1x16x1024x128xf32, #tpu.memory_space<vmem>>, vector<1x1x1024x128xf32>
    %get3A_142 = vector.shape_cast %get3A_141 : vector<1x1x1024x128xf32> to vector<1024x128xf32>
    %add3A_143 = arith.addf %get3A_3, %get3A_142 : vector<1024x128xf32>
    %jit3A_144 = arith.constant 0.00999999977 : f32
    %ge3A_145 = arith.constant 0.000000e+00 : f32
    %ge3A_146 = vector.broadcast %ge3A_145 : f32 to vector<1024x128xf32>
    %ge3A_147 = arith.cmpf oge, %add3A_143, %ge3A_146 : vector<1024x128xf32>
    %mul3A_148 = vector.broadcast %jit3A_144 : f32 to vector<1024x128xf32>
    %mul3A_149 = arith.mulf %mul3A_148, %add3A_143 : vector<1024x128xf32>
    %select_n3A_150 = arith.select %ge3A_147, %add3A_143, %mul3A_149 : vector<1024x128xi1>, vector<1024x128xf32>
    %dot_general3A_151 = arith.constant dense<0.000000e+00> : vector<1024x64xf32>
    %dot_general3A_152 = tpu.matmul %select_n3A_150, %get3A_6, %dot_general3A_151 {dimension_numbers = #tpu.dot_dimension_numbers<[1], [0], [0], [1], [0, 0, 1, 1], [], []>, transpose_lhs_hint = false} : vector<1024x128xf32>, vector<128x64xf32>, vector<1024x64xf32> -> vector<1024x64xf32>
    %broadcast_in_dim3A_153 = vector.shape_cast %get3A_10 : vector<64xf32> to vector<1x64xf32>
    %add3A_154 = vector.broadcast %broadcast_in_dim3A_153 : vector<1x64xf32> to vector<1024x64xf32>
    %add3A_155 = arith.addf %dot_general3A_152, %add3A_154 : vector<1024x64xf32>
    %jit3A_156 = arith.constant 0.00999999977 : f32
    %ge3A_157 = arith.constant 0.000000e+00 : f32
    %ge3A_158 = vector.broadcast %ge3A_157 : f32 to vector<1024x64xf32>
    %ge3A_159 = arith.cmpf oge, %add3A_155, %ge3A_158 : vector<1024x64xf32>
    %mul3A_160 = vector.broadcast %jit3A_156 : f32 to vector<1024x64xf32>
    %mul3A_161 = arith.mulf %mul3A_160, %add3A_155 : vector<1024x64xf32>
    %select_n3A_162 = arith.select %ge3A_159, %add3A_155, %mul3A_161 : vector<1024x64xi1>, vector<1024x64xf32>
    %max3A_163 = arith.maximumf %max3A_136, %select_n3A_162 : vector<1024x64xf32>
    %get3A_164 = arith.constant 0 : index
    %get3A_165 = arith.constant 6 : index
    %get3A_166 = arith.constant 0 : index
    %get3A_167 = arith.constant 0 : index
    %get3A_168 = vector.load %arg2[%get3A_164, %get3A_165, %get3A_166, %get3A_167] : memref<1x16x1024x128xf32, #tpu.memory_space<vmem>>, vector<1x1x1024x128xf32>
    %get3A_169 = vector.shape_cast %get3A_168 : vector<1x1x1024x128xf32> to vector<1024x128xf32>
    %add3A_170 = arith.addf %get3A_3, %get3A_169 : vector<1024x128xf32>
    %jit3A_171 = arith.constant 0.00999999977 : f32
    %ge3A_172 = arith.constant 0.000000e+00 : f32
    %ge3A_173 = vector.broadcast %ge3A_172 : f32 to vector<1024x128xf32>
    %ge3A_174 = arith.cmpf oge, %add3A_170, %ge3A_173 : vector<1024x128xf32>
    %mul3A_175 = vector.broadcast %jit3A_171 : f32 to vector<1024x128xf32>
    %mul3A_176 = arith.mulf %mul3A_175, %add3A_170 : vector<1024x128xf32>
    %select_n3A_177 = arith.select %ge3A_174, %add3A_170, %mul3A_176 : vector<1024x128xi1>, vector<1024x128xf32>
    %dot_general3A_178 = arith.constant dense<0.000000e+00> : vector<1024x64xf32>
    %dot_general3A_179 = tpu.matmul %select_n3A_177, %get3A_6, %dot_general3A_178 {dimension_numbers = #tpu.dot_dimension_numbers<[1], [0], [0], [1], [0, 0, 1, 1], [], []>, transpose_lhs_hint = false} : vector<1024x128xf32>, vector<128x64xf32>, vector<1024x64xf32> -> vector<1024x64xf32>
    %broadcast_in_dim3A_180 = vector.shape_cast %get3A_10 : vector<64xf32> to vector<1x64xf32>
    %add3A_181 = vector.broadcast %broadcast_in_dim3A_180 : vector<1x64xf32> to vector<1024x64xf32>
    %add3A_182 = arith.addf %dot_general3A_179, %add3A_181 : vector<1024x64xf32>
    %jit3A_183 = arith.constant 0.00999999977 : f32
    %ge3A_184 = arith.constant 0.000000e+00 : f32
    %ge3A_185 = vector.broadcast %ge3A_184 : f32 to vector<1024x64xf32>
    %ge3A_186 = arith.cmpf oge, %add3A_182, %ge3A_185 : vector<1024x64xf32>
    %mul3A_187 = vector.broadcast %jit3A_183 : f32 to vector<1024x64xf32>
    %mul3A_188 = arith.mulf %mul3A_187, %add3A_182 : vector<1024x64xf32>
    %select_n3A_189 = arith.select %ge3A_186, %add3A_182, %mul3A_188 : vector<1024x64xi1>, vector<1024x64xf32>
    %max3A_190 = arith.maximumf %max3A_163, %select_n3A_189 : vector<1024x64xf32>
    %get3A_191 = arith.constant 0 : index
    %get3A_192 = arith.constant 7 : index
    %get3A_193 = arith.constant 0 : index
    %get3A_194 = arith.constant 0 : index
    %get3A_195 = vector.load %arg2[%get3A_191, %get3A_192, %get3A_193, %get3A_194] : memref<1x16x1024x128xf32, #tpu.memory_space<vmem>>, vector<1x1x1024x128xf32>
    %get3A_196 = vector.shape_cast %get3A_195 : vector<1x1x1024x128xf32> to vector<1024x128xf32>
    %add3A_197 = arith.addf %get3A_3, %get3A_196 : vector<1024x128xf32>
    %jit3A_198 = arith.constant 0.00999999977 : f32
    %ge3A_199 = arith.constant 0.000000e+00 : f32
    %ge3A_200 = vector.broadcast %ge3A_199 : f32 to vector<1024x128xf32>
    %ge3A_201 = arith.cmpf oge, %add3A_197, %ge3A_200 : vector<1024x128xf32>
    %mul3A_202 = vector.broadcast %jit3A_198 : f32 to vector<1024x128xf32>
    %mul3A_203 = arith.mulf %mul3A_202, %add3A_197 : vector<1024x128xf32>
    %select_n3A_204 = arith.select %ge3A_201, %add3A_197, %mul3A_203 : vector<1024x128xi1>, vector<1024x128xf32>
    %dot_general3A_205 = arith.constant dense<0.000000e+00> : vector<1024x64xf32>
    %dot_general3A_206 = tpu.matmul %select_n3A_204, %get3A_6, %dot_general3A_205 {dimension_numbers = #tpu.dot_dimension_numbers<[1], [0], [0], [1], [0, 0, 1, 1], [], []>, transpose_lhs_hint = false} : vector<1024x128xf32>, vector<128x64xf32>, vector<1024x64xf32> -> vector<1024x64xf32>
    %broadcast_in_dim3A_207 = vector.shape_cast %get3A_10 : vector<64xf32> to vector<1x64xf32>
    %add3A_208 = vector.broadcast %broadcast_in_dim3A_207 : vector<1x64xf32> to vector<1024x64xf32>
    %add3A_209 = arith.addf %dot_general3A_206, %add3A_208 : vector<1024x64xf32>
    %jit3A_210 = arith.constant 0.00999999977 : f32
    %ge3A_211 = arith.constant 0.000000e+00 : f32
    %ge3A_212 = vector.broadcast %ge3A_211 : f32 to vector<1024x64xf32>
    %ge3A_213 = arith.cmpf oge, %add3A_209, %ge3A_212 : vector<1024x64xf32>
    %mul3A_214 = vector.broadcast %jit3A_210 : f32 to vector<1024x64xf32>
    %mul3A_215 = arith.mulf %mul3A_214, %add3A_209 : vector<1024x64xf32>
    %select_n3A_216 = arith.select %ge3A_213, %add3A_209, %mul3A_215 : vector<1024x64xi1>, vector<1024x64xf32>
    %max3A_217 = arith.maximumf %max3A_190, %select_n3A_216 : vector<1024x64xf32>
    %get3A_218 = arith.constant 0 : index
    %get3A_219 = arith.constant 8 : index
    %get3A_220 = arith.constant 0 : index
    %get3A_221 = arith.constant 0 : index
    %get3A_222 = vector.load %arg2[%get3A_218, %get3A_219, %get3A_220, %get3A_221] : memref<1x16x1024x128xf32, #tpu.memory_space<vmem>>, vector<1x1x1024x128xf32>
    %get3A_223 = vector.shape_cast %get3A_222 : vector<1x1x1024x128xf32> to vector<1024x128xf32>
    %add3A_224 = arith.addf %get3A_3, %get3A_223 : vector<1024x128xf32>
    %jit3A_225 = arith.constant 0.00999999977 : f32
    %ge3A_226 = arith.constant 0.000000e+00 : f32
    %ge3A_227 = vector.broadcast %ge3A_226 : f32 to vector<1024x128xf32>
    %ge3A_228 = arith.cmpf oge, %add3A_224, %ge3A_227 : vector<1024x128xf32>
    %mul3A_229 = vector.broadcast %jit3A_225 : f32 to vector<1024x128xf32>
    %mul3A_230 = arith.mulf %mul3A_229, %add3A_224 : vector<1024x128xf32>
    %select_n3A_231 = arith.select %ge3A_228, %add3A_224, %mul3A_230 : vector<1024x128xi1>, vector<1024x128xf32>
    %dot_general3A_232 = arith.constant dense<0.000000e+00> : vector<1024x64xf32>
    %dot_general3A_233 = tpu.matmul %select_n3A_231, %get3A_6, %dot_general3A_232 {dimension_numbers = #tpu.dot_dimension_numbers<[1], [0], [0], [1], [0, 0, 1, 1], [], []>, transpose_lhs_hint = false} : vector<1024x128xf32>, vector<128x64xf32>, vector<1024x64xf32> -> vector<1024x64xf32>
    %broadcast_in_dim3A_234 = vector.shape_cast %get3A_10 : vector<64xf32> to vector<1x64xf32>
    %add3A_235 = vector.broadcast %broadcast_in_dim3A_234 : vector<1x64xf32> to vector<1024x64xf32>
    %add3A_236 = arith.addf %dot_general3A_233, %add3A_235 : vector<1024x64xf32>
    %jit3A_237 = arith.constant 0.00999999977 : f32
    %ge3A_238 = arith.constant 0.000000e+00 : f32
    %ge3A_239 = vector.broadcast %ge3A_238 : f32 to vector<1024x64xf32>
    %ge3A_240 = arith.cmpf oge, %add3A_236, %ge3A_239 : vector<1024x64xf32>
    %mul3A_241 = vector.broadcast %jit3A_237 : f32 to vector<1024x64xf32>
    %mul3A_242 = arith.mulf %mul3A_241, %add3A_236 : vector<1024x64xf32>
    %select_n3A_243 = arith.select %ge3A_240, %add3A_236, %mul3A_242 : vector<1024x64xi1>, vector<1024x64xf32>
    %max3A_244 = arith.maximumf %max3A_217, %select_n3A_243 : vector<1024x64xf32>
    %get3A_245 = arith.constant 0 : index
    %get3A_246 = arith.constant 9 : index
    %get3A_247 = arith.constant 0 : index
    %get3A_248 = arith.constant 0 : index
    %get3A_249 = vector.load %arg2[%get3A_245, %get3A_246, %get3A_247, %get3A_248] : memref<1x16x1024x128xf32, #tpu.memory_space<vmem>>, vector<1x1x1024x128xf32>
    %get3A_250 = vector.shape_cast %get3A_249 : vector<1x1x1024x128xf32> to vector<1024x128xf32>
    %add3A_251 = arith.addf %get3A_3, %get3A_250 : vector<1024x128xf32>
    %jit3A_252 = arith.constant 0.00999999977 : f32
    %ge3A_253 = arith.constant 0.000000e+00 : f32
    %ge3A_254 = vector.broadcast %ge3A_253 : f32 to vector<1024x128xf32>
    %ge3A_255 = arith.cmpf oge, %add3A_251, %ge3A_254 : vector<1024x128xf32>
    %mul3A_256 = vector.broadcast %jit3A_252 : f32 to vector<1024x128xf32>
    %mul3A_257 = arith.mulf %mul3A_256, %add3A_251 : vector<1024x128xf32>
    %select_n3A_258 = arith.select %ge3A_255, %add3A_251, %mul3A_257 : vector<1024x128xi1>, vector<1024x128xf32>
    %dot_general3A_259 = arith.constant dense<0.000000e+00> : vector<1024x64xf32>
    %dot_general3A_260 = tpu.matmul %select_n3A_258, %get3A_6, %dot_general3A_259 {dimension_numbers = #tpu.dot_dimension_numbers<[1], [0], [0], [1], [0, 0, 1, 1], [], []>, transpose_lhs_hint = false} : vector<1024x128xf32>, vector<128x64xf32>, vector<1024x64xf32> -> vector<1024x64xf32>
    %broadcast_in_dim3A_261 = vector.shape_cast %get3A_10 : vector<64xf32> to vector<1x64xf32>
    %add3A_262 = vector.broadcast %broadcast_in_dim3A_261 : vector<1x64xf32> to vector<1024x64xf32>
    %add3A_263 = arith.addf %dot_general3A_260, %add3A_262 : vector<1024x64xf32>
    %jit3A_264 = arith.constant 0.00999999977 : f32
    %ge3A_265 = arith.constant 0.000000e+00 : f32
    %ge3A_266 = vector.broadcast %ge3A_265 : f32 to vector<1024x64xf32>
    %ge3A_267 = arith.cmpf oge, %add3A_263, %ge3A_266 : vector<1024x64xf32>
    %mul3A_268 = vector.broadcast %jit3A_264 : f32 to vector<1024x64xf32>
    %mul3A_269 = arith.mulf %mul3A_268, %add3A_263 : vector<1024x64xf32>
    %select_n3A_270 = arith.select %ge3A_267, %add3A_263, %mul3A_269 : vector<1024x64xi1>, vector<1024x64xf32>
    %max3A_271 = arith.maximumf %max3A_244, %select_n3A_270 : vector<1024x64xf32>
    %get3A_272 = arith.constant 0 : index
    %get3A_273 = arith.constant 10 : index
    %get3A_274 = arith.constant 0 : index
    %get3A_275 = arith.constant 0 : index
    %get3A_276 = vector.load %arg2[%get3A_272, %get3A_273, %get3A_274, %get3A_275] : memref<1x16x1024x128xf32, #tpu.memory_space<vmem>>, vector<1x1x1024x128xf32>
    %get3A_277 = vector.shape_cast %get3A_276 : vector<1x1x1024x128xf32> to vector<1024x128xf32>
    %add3A_278 = arith.addf %get3A_3, %get3A_277 : vector<1024x128xf32>
    %jit3A_279 = arith.constant 0.00999999977 : f32
    %ge3A_280 = arith.constant 0.000000e+00 : f32
    %ge3A_281 = vector.broadcast %ge3A_280 : f32 to vector<1024x128xf32>
    %ge3A_282 = arith.cmpf oge, %add3A_278, %ge3A_281 : vector<1024x128xf32>
    %mul3A_283 = vector.broadcast %jit3A_279 : f32 to vector<1024x128xf32>
    %mul3A_284 = arith.mulf %mul3A_283, %add3A_278 : vector<1024x128xf32>
    %select_n3A_285 = arith.select %ge3A_282, %add3A_278, %mul3A_284 : vector<1024x128xi1>, vector<1024x128xf32>
    %dot_general3A_286 = arith.constant dense<0.000000e+00> : vector<1024x64xf32>
    %dot_general3A_287 = tpu.matmul %select_n3A_285, %get3A_6, %dot_general3A_286 {dimension_numbers = #tpu.dot_dimension_numbers<[1], [0], [0], [1], [0, 0, 1, 1], [], []>, transpose_lhs_hint = false} : vector<1024x128xf32>, vector<128x64xf32>, vector<1024x64xf32> -> vector<1024x64xf32>
    %broadcast_in_dim3A_288 = vector.shape_cast %get3A_10 : vector<64xf32> to vector<1x64xf32>
    %add3A_289 = vector.broadcast %broadcast_in_dim3A_288 : vector<1x64xf32> to vector<1024x64xf32>
    %add3A_290 = arith.addf %dot_general3A_287, %add3A_289 : vector<1024x64xf32>
    %jit3A_291 = arith.constant 0.00999999977 : f32
    %ge3A_292 = arith.constant 0.000000e+00 : f32
    %ge3A_293 = vector.broadcast %ge3A_292 : f32 to vector<1024x64xf32>
    %ge3A_294 = arith.cmpf oge, %add3A_290, %ge3A_293 : vector<1024x64xf32>
    %mul3A_295 = vector.broadcast %jit3A_291 : f32 to vector<1024x64xf32>
    %mul3A_296 = arith.mulf %mul3A_295, %add3A_290 : vector<1024x64xf32>
    %select_n3A_297 = arith.select %ge3A_294, %add3A_290, %mul3A_296 : vector<1024x64xi1>, vector<1024x64xf32>
    %max3A_298 = arith.maximumf %max3A_271, %select_n3A_297 : vector<1024x64xf32>
    %get3A_299 = arith.constant 0 : index
    %get3A_300 = arith.constant 11 : index
    %get3A_301 = arith.constant 0 : index
    %get3A_302 = arith.constant 0 : index
    %get3A_303 = vector.load %arg2[%get3A_299, %get3A_300, %get3A_301, %get3A_302] : memref<1x16x1024x128xf32, #tpu.memory_space<vmem>>, vector<1x1x1024x128xf32>
    %get3A_304 = vector.shape_cast %get3A_303 : vector<1x1x1024x128xf32> to vector<1024x128xf32>
    %add3A_305 = arith.addf %get3A_3, %get3A_304 : vector<1024x128xf32>
    %jit3A_306 = arith.constant 0.00999999977 : f32
    %ge3A_307 = arith.constant 0.000000e+00 : f32
    %ge3A_308 = vector.broadcast %ge3A_307 : f32 to vector<1024x128xf32>
    %ge3A_309 = arith.cmpf oge, %add3A_305, %ge3A_308 : vector<1024x128xf32>
    %mul3A_310 = vector.broadcast %jit3A_306 : f32 to vector<1024x128xf32>
    %mul3A_311 = arith.mulf %mul3A_310, %add3A_305 : vector<1024x128xf32>
    %select_n3A_312 = arith.select %ge3A_309, %add3A_305, %mul3A_311 : vector<1024x128xi1>, vector<1024x128xf32>
    %dot_general3A_313 = arith.constant dense<0.000000e+00> : vector<1024x64xf32>
    %dot_general3A_314 = tpu.matmul %select_n3A_312, %get3A_6, %dot_general3A_313 {dimension_numbers = #tpu.dot_dimension_numbers<[1], [0], [0], [1], [0, 0, 1, 1], [], []>, transpose_lhs_hint = false} : vector<1024x128xf32>, vector<128x64xf32>, vector<1024x64xf32> -> vector<1024x64xf32>
    %broadcast_in_dim3A_315 = vector.shape_cast %get3A_10 : vector<64xf32> to vector<1x64xf32>
    %add3A_316 = vector.broadcast %broadcast_in_dim3A_315 : vector<1x64xf32> to vector<1024x64xf32>
    %add3A_317 = arith.addf %dot_general3A_314, %add3A_316 : vector<1024x64xf32>
    %jit3A_318 = arith.constant 0.00999999977 : f32
    %ge3A_319 = arith.constant 0.000000e+00 : f32
    %ge3A_320 = vector.broadcast %ge3A_319 : f32 to vector<1024x64xf32>
    %ge3A_321 = arith.cmpf oge, %add3A_317, %ge3A_320 : vector<1024x64xf32>
    %mul3A_322 = vector.broadcast %jit3A_318 : f32 to vector<1024x64xf32>
    %mul3A_323 = arith.mulf %mul3A_322, %add3A_317 : vector<1024x64xf32>
    %select_n3A_324 = arith.select %ge3A_321, %add3A_317, %mul3A_323 : vector<1024x64xi1>, vector<1024x64xf32>
    %max3A_325 = arith.maximumf %max3A_298, %select_n3A_324 : vector<1024x64xf32>
    %get3A_326 = arith.constant 0 : index
    %get3A_327 = arith.constant 12 : index
    %get3A_328 = arith.constant 0 : index
    %get3A_329 = arith.constant 0 : index
    %get3A_330 = vector.load %arg2[%get3A_326, %get3A_327, %get3A_328, %get3A_329] : memref<1x16x1024x128xf32, #tpu.memory_space<vmem>>, vector<1x1x1024x128xf32>
    %get3A_331 = vector.shape_cast %get3A_330 : vector<1x1x1024x128xf32> to vector<1024x128xf32>
    %add3A_332 = arith.addf %get3A_3, %get3A_331 : vector<1024x128xf32>
    %jit3A_333 = arith.constant 0.00999999977 : f32
    %ge3A_334 = arith.constant 0.000000e+00 : f32
    %ge3A_335 = vector.broadcast %ge3A_334 : f32 to vector<1024x128xf32>
    %ge3A_336 = arith.cmpf oge, %add3A_332, %ge3A_335 : vector<1024x128xf32>
    %mul3A_337 = vector.broadcast %jit3A_333 : f32 to vector<1024x128xf32>
    %mul3A_338 = arith.mulf %mul3A_337, %add3A_332 : vector<1024x128xf32>
    %select_n3A_339 = arith.select %ge3A_336, %add3A_332, %mul3A_338 : vector<1024x128xi1>, vector<1024x128xf32>
    %dot_general3A_340 = arith.constant dense<0.000000e+00> : vector<1024x64xf32>
    %dot_general3A_341 = tpu.matmul %select_n3A_339, %get3A_6, %dot_general3A_340 {dimension_numbers = #tpu.dot_dimension_numbers<[1], [0], [0], [1], [0, 0, 1, 1], [], []>, transpose_lhs_hint = false} : vector<1024x128xf32>, vector<128x64xf32>, vector<1024x64xf32> -> vector<1024x64xf32>
    %broadcast_in_dim3A_342 = vector.shape_cast %get3A_10 : vector<64xf32> to vector<1x64xf32>
    %add3A_343 = vector.broadcast %broadcast_in_dim3A_342 : vector<1x64xf32> to vector<1024x64xf32>
    %add3A_344 = arith.addf %dot_general3A_341, %add3A_343 : vector<1024x64xf32>
    %jit3A_345 = arith.constant 0.00999999977 : f32
    %ge3A_346 = arith.constant 0.000000e+00 : f32
    %ge3A_347 = vector.broadcast %ge3A_346 : f32 to vector<1024x64xf32>
    %ge3A_348 = arith.cmpf oge, %add3A_344, %ge3A_347 : vector<1024x64xf32>
    %mul3A_349 = vector.broadcast %jit3A_345 : f32 to vector<1024x64xf32>
    %mul3A_350 = arith.mulf %mul3A_349, %add3A_344 : vector<1024x64xf32>
    %select_n3A_351 = arith.select %ge3A_348, %add3A_344, %mul3A_350 : vector<1024x64xi1>, vector<1024x64xf32>
    %max3A_352 = arith.maximumf %max3A_325, %select_n3A_351 : vector<1024x64xf32>
    %get3A_353 = arith.constant 0 : index
    %get3A_354 = arith.constant 13 : index
    %get3A_355 = arith.constant 0 : index
    %get3A_356 = arith.constant 0 : index
    %get3A_357 = vector.load %arg2[%get3A_353, %get3A_354, %get3A_355, %get3A_356] : memref<1x16x1024x128xf32, #tpu.memory_space<vmem>>, vector<1x1x1024x128xf32>
    %get3A_358 = vector.shape_cast %get3A_357 : vector<1x1x1024x128xf32> to vector<1024x128xf32>
    %add3A_359 = arith.addf %get3A_3, %get3A_358 : vector<1024x128xf32>
    %jit3A_360 = arith.constant 0.00999999977 : f32
    %ge3A_361 = arith.constant 0.000000e+00 : f32
    %ge3A_362 = vector.broadcast %ge3A_361 : f32 to vector<1024x128xf32>
    %ge3A_363 = arith.cmpf oge, %add3A_359, %ge3A_362 : vector<1024x128xf32>
    %mul3A_364 = vector.broadcast %jit3A_360 : f32 to vector<1024x128xf32>
    %mul3A_365 = arith.mulf %mul3A_364, %add3A_359 : vector<1024x128xf32>
    %select_n3A_366 = arith.select %ge3A_363, %add3A_359, %mul3A_365 : vector<1024x128xi1>, vector<1024x128xf32>
    %dot_general3A_367 = arith.constant dense<0.000000e+00> : vector<1024x64xf32>
    %dot_general3A_368 = tpu.matmul %select_n3A_366, %get3A_6, %dot_general3A_367 {dimension_numbers = #tpu.dot_dimension_numbers<[1], [0], [0], [1], [0, 0, 1, 1], [], []>, transpose_lhs_hint = false} : vector<1024x128xf32>, vector<128x64xf32>, vector<1024x64xf32> -> vector<1024x64xf32>
    %broadcast_in_dim3A_369 = vector.shape_cast %get3A_10 : vector<64xf32> to vector<1x64xf32>
    %add3A_370 = vector.broadcast %broadcast_in_dim3A_369 : vector<1x64xf32> to vector<1024x64xf32>
    %add3A_371 = arith.addf %dot_general3A_368, %add3A_370 : vector<1024x64xf32>
    %jit3A_372 = arith.constant 0.00999999977 : f32
    %ge3A_373 = arith.constant 0.000000e+00 : f32
    %ge3A_374 = vector.broadcast %ge3A_373 : f32 to vector<1024x64xf32>
    %ge3A_375 = arith.cmpf oge, %add3A_371, %ge3A_374 : vector<1024x64xf32>
    %mul3A_376 = vector.broadcast %jit3A_372 : f32 to vector<1024x64xf32>
    %mul3A_377 = arith.mulf %mul3A_376, %add3A_371 : vector<1024x64xf32>
    %select_n3A_378 = arith.select %ge3A_375, %add3A_371, %mul3A_377 : vector<1024x64xi1>, vector<1024x64xf32>
    %max3A_379 = arith.maximumf %max3A_352, %select_n3A_378 : vector<1024x64xf32>
    %get3A_380 = arith.constant 0 : index
    %get3A_381 = arith.constant 14 : index
    %get3A_382 = arith.constant 0 : index
    %get3A_383 = arith.constant 0 : index
    %get3A_384 = vector.load %arg2[%get3A_380, %get3A_381, %get3A_382, %get3A_383] : memref<1x16x1024x128xf32, #tpu.memory_space<vmem>>, vector<1x1x1024x128xf32>
    %get3A_385 = vector.shape_cast %get3A_384 : vector<1x1x1024x128xf32> to vector<1024x128xf32>
    %add3A_386 = arith.addf %get3A_3, %get3A_385 : vector<1024x128xf32>
    %jit3A_387 = arith.constant 0.00999999977 : f32
    %ge3A_388 = arith.constant 0.000000e+00 : f32
    %ge3A_389 = vector.broadcast %ge3A_388 : f32 to vector<1024x128xf32>
    %ge3A_390 = arith.cmpf oge, %add3A_386, %ge3A_389 : vector<1024x128xf32>
    %mul3A_391 = vector.broadcast %jit3A_387 : f32 to vector<1024x128xf32>
    %mul3A_392 = arith.mulf %mul3A_391, %add3A_386 : vector<1024x128xf32>
    %select_n3A_393 = arith.select %ge3A_390, %add3A_386, %mul3A_392 : vector<1024x128xi1>, vector<1024x128xf32>
    %dot_general3A_394 = arith.constant dense<0.000000e+00> : vector<1024x64xf32>
    %dot_general3A_395 = tpu.matmul %select_n3A_393, %get3A_6, %dot_general3A_394 {dimension_numbers = #tpu.dot_dimension_numbers<[1], [0], [0], [1], [0, 0, 1, 1], [], []>, transpose_lhs_hint = false} : vector<1024x128xf32>, vector<128x64xf32>, vector<1024x64xf32> -> vector<1024x64xf32>
    %broadcast_in_dim3A_396 = vector.shape_cast %get3A_10 : vector<64xf32> to vector<1x64xf32>
    %add3A_397 = vector.broadcast %broadcast_in_dim3A_396 : vector<1x64xf32> to vector<1024x64xf32>
    %add3A_398 = arith.addf %dot_general3A_395, %add3A_397 : vector<1024x64xf32>
    %jit3A_399 = arith.constant 0.00999999977 : f32
    %ge3A_400 = arith.constant 0.000000e+00 : f32
    %ge3A_401 = vector.broadcast %ge3A_400 : f32 to vector<1024x64xf32>
    %ge3A_402 = arith.cmpf oge, %add3A_398, %ge3A_401 : vector<1024x64xf32>
    %mul3A_403 = vector.broadcast %jit3A_399 : f32 to vector<1024x64xf32>
    %mul3A_404 = arith.mulf %mul3A_403, %add3A_398 : vector<1024x64xf32>
    %select_n3A_405 = arith.select %ge3A_402, %add3A_398, %mul3A_404 : vector<1024x64xi1>, vector<1024x64xf32>
    %max3A_406 = arith.maximumf %max3A_379, %select_n3A_405 : vector<1024x64xf32>
    %get3A_407 = arith.constant 0 : index
    %get3A_408 = arith.constant 15 : index
    %get3A_409 = arith.constant 0 : index
    %get3A_410 = arith.constant 0 : index
    %get3A_411 = vector.load %arg2[%get3A_407, %get3A_408, %get3A_409, %get3A_410] : memref<1x16x1024x128xf32, #tpu.memory_space<vmem>>, vector<1x1x1024x128xf32>
    %get3A_412 = vector.shape_cast %get3A_411 : vector<1x1x1024x128xf32> to vector<1024x128xf32>
    %add3A_413 = arith.addf %get3A_3, %get3A_412 : vector<1024x128xf32>
    %jit3A_414 = arith.constant 0.00999999977 : f32
    %ge3A_415 = arith.constant 0.000000e+00 : f32
    %ge3A_416 = vector.broadcast %ge3A_415 : f32 to vector<1024x128xf32>
    %ge3A_417 = arith.cmpf oge, %add3A_413, %ge3A_416 : vector<1024x128xf32>
    %mul3A_418 = vector.broadcast %jit3A_414 : f32 to vector<1024x128xf32>
    %mul3A_419 = arith.mulf %mul3A_418, %add3A_413 : vector<1024x128xf32>
    %select_n3A_420 = arith.select %ge3A_417, %add3A_413, %mul3A_419 : vector<1024x128xi1>, vector<1024x128xf32>
    %dot_general3A_421 = arith.constant dense<0.000000e+00> : vector<1024x64xf32>
    %dot_general3A_422 = tpu.matmul %select_n3A_420, %get3A_6, %dot_general3A_421 {dimension_numbers = #tpu.dot_dimension_numbers<[1], [0], [0], [1], [0, 0, 1, 1], [], []>, transpose_lhs_hint = false} : vector<1024x128xf32>, vector<128x64xf32>, vector<1024x64xf32> -> vector<1024x64xf32>
    %broadcast_in_dim3A_423 = vector.shape_cast %get3A_10 : vector<64xf32> to vector<1x64xf32>
    %add3A_424 = vector.broadcast %broadcast_in_dim3A_423 : vector<1x64xf32> to vector<1024x64xf32>
    %add3A_425 = arith.addf %dot_general3A_422, %add3A_424 : vector<1024x64xf32>
    %jit3A_426 = arith.constant 0.00999999977 : f32
    %ge3A_427 = arith.constant 0.000000e+00 : f32
    %ge3A_428 = vector.broadcast %ge3A_427 : f32 to vector<1024x64xf32>
    %ge3A_429 = arith.cmpf oge, %add3A_425, %ge3A_428 : vector<1024x64xf32>
    %mul3A_430 = vector.broadcast %jit3A_426 : f32 to vector<1024x64xf32>
    %mul3A_431 = arith.mulf %mul3A_430, %add3A_425 : vector<1024x64xf32>
    %select_n3A_432 = arith.select %ge3A_429, %add3A_425, %mul3A_431 : vector<1024x64xi1>, vector<1024x64xf32>
    %max3A_433 = arith.maximumf %max3A_406, %select_n3A_432 : vector<1024x64xf32>
    %swap3A = arith.constant 0 : index
    %swap3A_434 = arith.constant 0 : index
    %swap3A_435 = arith.constant 0 : index
    %swap3A_436 = vector.load %arg5[%swap3A, %swap3A_434, %swap3A_435] : memref<1x1024x64xf32, #tpu.memory_space<vmem>>, vector<1x1024x64xf32>
    %swap3A_437 = vector.shape_cast %swap3A_436 : vector<1x1024x64xf32> to vector<1024x64xf32>
    %swap3A_438 = vector.shape_cast %max3A_433 : vector<1024x64xf32> to vector<1x1024x64xf32>
    tpu.vector_store %arg5[%swap3A, %swap3A_434, %swap3A_435], %swap3A_438 {strides = array<i32>} : memref<1x1024x64xf32, #tpu.memory_space<vmem>>, vector<1x1024x64xf32>,
    return
  }
  func.func @transform_0(%arg0: i32) -> (i32, i32, i32) {
    %c0_i32 = arith.constant 0 : i32
    %c0_i32_0 = arith.constant 0 : i32
    %c0_i32_1 = arith.constant 0 : i32
    return %arg0, %c0_i32, %c0_i32_0 : i32, i32, i32
  }
  func.func @transform_1(%arg0: i32) -> (i32, i32, i32, i32) {
    %c0_i32 = arith.constant 0 : i32
    %c0_i32_0 = arith.constant 0 : i32
    %c0_i32_1 = arith.constant 0 : i32
    %c0_i32_2 = arith.constant 0 : i32
    return %arg0, %c0_i32, %c0_i32_0, %c0_i32_1 : i32, i32, i32, i32
  }
  func.func @transform_2(%arg0: i32) -> (i32, i32) {
    %c0_i32 = arith.constant 0 : i32
    %c0_i32_0 = arith.constant 0 : i32
    %c0_i32_1 = arith.constant 0 : i32
    return %c0_i32, %c0_i32_0 : i32, i32
  }
  func.func @transform_3(%arg0: i32) -> (i32, i32) {
    %c0_i32 = arith.constant 0 : i32
    %c0_i32_0 = arith.constant 0 : i32
    %c0_i32_1 = arith.constant 0 : i32
    return %c0_i32, %c0_i32_0 : i32, i32
  }
  func.func @transform_4(%arg0: i32) -> (i32, i32, i32) {
    %c0_i32 = arith.constant 0 : i32
    %c0_i32_0 = arith.constant 0 : i32
    %c0_i32_1 = arith.constant 0 : i32
    return %arg0, %c0_i32, %c0_i32_0 : i32, i32, i32
  }
}

module attributes {stable_mosaic.version = 14 : i64} {
  func.func @_prep_body(%arg0: i32, %arg1: memref<1x1024x64xf32, #tpu.memory_space<vmem>>, %arg2: memref<64x128xf32, #tpu.memory_space<vmem>>, %arg3: memref<64x128xf32, #tpu.memory_space<vmem>>, %arg4: memref<1x128xf32, #tpu.memory_space<vmem>>, %arg5: memref<1x16x1024xi32, #tpu.memory_space<vmem>>, %arg6: memref<1x1024x128xf32, #tpu.memory_space<vmem>>, %arg7: memref<1x1024x128xf32, #tpu.memory_space<vmem>>) attributes {dimension_semantics = [#tpu.dimension_semantics<arbitrary>], iteration_bounds = array<i64: 16>, scalar_prefetch = 0 : i64, scratch_operands = 0 : i64, tpu.core_type = #tpu.core_type<tc>, window_params = [{transform_indices = @transform_0, window_bounds = array<i64: 1, 1024, 64>}, {pipeline_mode = #tpu.pipeline_mode<synchronous>, transform_indices = @transform_1, window_bounds = array<i64: 64, 128>}, {pipeline_mode = #tpu.pipeline_mode<synchronous>, transform_indices = @transform_2, window_bounds = array<i64: 64, 128>}, {pipeline_mode = #tpu.pipeline_mode<synchronous>, transform_indices = @transform_3, window_bounds = array<i64: 1, 128>}, {transform_indices = @transform_4, window_bounds = array<i64: 1, 16, 1024>}, {transform_indices = @transform_5, window_bounds = array<i64: 1, 1024, 128>}, {transform_indices = @transform_6, window_bounds = array<i64: 1, 1024, 128>}]} {
    %get3A = arith.constant 0 : index
    %get3A_0 = arith.constant 0 : index
    %get3A_1 = arith.constant 0 : index
    %get3A_2 = vector.load %arg1[%get3A, %get3A_0, %get3A_1] : memref<1x1024x64xf32, #tpu.memory_space<vmem>>, vector<1x1024x64xf32>
    %get3A_3 = vector.shape_cast %get3A_2 : vector<1x1024x64xf32> to vector<1024x64xf32>
    %get3A_4 = arith.constant 0 : index
    %get3A_5 = arith.constant 0 : index
    %get3A_6 = vector.load %arg2[%get3A_4, %get3A_5] : memref<64x128xf32, #tpu.memory_space<vmem>>, vector<64x128xf32>
    %dot_general3A = arith.constant dense<0.000000e+00> : vector<1024x128xf32>
    %dot_general3A_7 = tpu.matmul %get3A_3, %get3A_6, %dot_general3A {dimension_numbers = #tpu.dot_dimension_numbers<[1], [0], [0], [1], [0, 0, 1, 1], [], []>, transpose_lhs_hint = false} : vector<1024x64xf32>, vector<64x128xf32>, vector<1024x128xf32> -> vector<1024x128xf32>
    %get3A_8 = arith.constant 0 : index
    %get3A_9 = arith.constant 0 : index
    %get3A_10 = vector.load %arg4[%get3A_8, %get3A_9] : memref<1x128xf32, #tpu.memory_space<vmem>>, vector<1x128xf32>
    %get3A_11 = vector.shape_cast %get3A_10 : vector<1x128xf32> to vector<128xf32>
    %broadcast_in_dim3A = vector.shape_cast %get3A_11 : vector<128xf32> to vector<1x128xf32>
    %add3A = vector.broadcast %broadcast_in_dim3A : vector<1x128xf32> to vector<1024x128xf32>
    %add3A_12 = arith.addf %dot_general3A_7, %add3A : vector<1024x128xf32>
    %get3A_13 = arith.constant 0 : index
    %get3A_14 = arith.constant 0 : index
    %get3A_15 = vector.load %arg3[%get3A_13, %get3A_14] : memref<64x128xf32, #tpu.memory_space<vmem>>, vector<64x128xf32>
    %dot_general3A_16 = arith.constant dense<0.000000e+00> : vector<1024x128xf32>
    %dot_general3A_17 = tpu.matmul %get3A_3, %get3A_15, %dot_general3A_16 {dimension_numbers = #tpu.dot_dimension_numbers<[1], [0], [0], [1], [0, 0, 1, 1], [], []>, transpose_lhs_hint = false} : vector<1024x64xf32>, vector<64x128xf32>, vector<1024x128xf32> -> vector<1024x128xf32>
    %swap3A = arith.constant 0 : index
    %swap3A_18 = arith.constant 0 : index
    %swap3A_19 = arith.constant 0 : index
    %swap3A_20 = vector.load %arg6[%swap3A, %swap3A_18, %swap3A_19] : memref<1x1024x128xf32, #tpu.memory_space<vmem>>, vector<1x1024x128xf32>
    %swap3A_21 = vector.shape_cast %swap3A_20 : vector<1x1024x128xf32> to vector<1024x128xf32>
    %swap3A_22 = vector.shape_cast %add3A_12 : vector<1024x128xf32> to vector<1x1024x128xf32>
    tpu.vector_store %arg6[%swap3A, %swap3A_18, %swap3A_19], %swap3A_22 {strides = array<i32>} : memref<1x1024x128xf32, #tpu.memory_space<vmem>>, vector<1x1024x128xf32>,
    %swap3A_23 = arith.constant 0 : index
    %swap3A_24 = arith.constant 0 : index
    %swap3A_25 = arith.constant 0 : index
    %swap3A_26 = vector.load %arg7[%swap3A_23, %swap3A_24, %swap3A_25] : memref<1x1024x128xf32, #tpu.memory_space<vmem>>, vector<1x1024x128xf32>
    %swap3A_27 = vector.shape_cast %swap3A_26 : vector<1x1024x128xf32> to vector<1024x128xf32>
    %swap3A_28 = vector.shape_cast %dot_general3A_17 : vector<1024x128xf32> to vector<1x1024x128xf32>
    tpu.vector_store %arg7[%swap3A_23, %swap3A_24, %swap3A_25], %swap3A_28 {strides = array<i32>} : memref<1x1024x128xf32, #tpu.memory_space<vmem>>, vector<1x1024x128xf32>,
    %mul3A = arith.mulf %get3A_3, %get3A_3 : vector<1024x64xf32>
    %reduce_sum3A = arith.constant dense<0.000000e+00> : vector<1024xf32>
    %reduce_sum3A_29 = vector.multi_reduction <add>, %mul3A, %reduce_sum3A [1] : vector<1024x64xf32> to vector<1024xf32>
    %dot_general3A_30 = arith.constant dense<0.000000e+00> : vector<1024x1024xf32>
    %dot_general3A_31 = tpu.matmul %get3A_3, %get3A_3, %dot_general3A_30 {dimension_numbers = #tpu.dot_dimension_numbers<[1], [1], [0], [0], [0, 0, 1, 0], [], []>, transpose_lhs_hint = false} : vector<1024x64xf32>, vector<1024x64xf32>, vector<1024x1024xf32> -> vector<1024x1024xf32>
    %broadcast_in_dim3A_32 = vector.shape_cast %reduce_sum3A_29 : vector<1024xf32> to vector<1024x1xf32>
    %broadcast_in_dim3A_33 = vector.shape_cast %reduce_sum3A_29 : vector<1024xf32> to vector<1x1024xf32>
    %add3A_34 = vector.broadcast %broadcast_in_dim3A_32 : vector<1024x1xf32> to vector<1024x1024xf32>
    %add3A_35 = vector.broadcast %broadcast_in_dim3A_33 : vector<1x1024xf32> to vector<1024x1024xf32>
    %add3A_36 = arith.addf %add3A_34, %add3A_35 : vector<1024x1024xf32>
    %mul3A_37 = arith.constant 2.000000e+00 : f32
    %mul3A_38 = vector.broadcast %mul3A_37 : f32 to vector<1024x1024xf32>
    %mul3A_39 = arith.mulf %mul3A_38, %dot_general3A_31 : vector<1024x1024xf32>
    %sub3A = arith.subf %add3A_36, %mul3A_39 : vector<1024x1024xf32>
    %iota3A = tpu.iota {dimensions = array<i32: 1>} : vector<1x1024xi32>
    %convert_element_type3A = arith.sitofp %iota3A : vector<1x1024xi32> to vector<1x1024xf32>
    %mul3A_40 = arith.constant 1024 : i32
    %mul3A_41 = arith.muli %arg0, %mul3A_40 : i32
    %reduce_min3A = arith.constant dense<0x7F800000> : vector<1024xf32>
    %reduce_min3A_42 = vector.multi_reduction <minimumf>, %sub3A, %reduce_min3A [1] : vector<1024x1024xf32> to vector<1024xf32>
    %broadcast_in_dim3A_43 = vector.shape_cast %reduce_min3A_42 : vector<1024xf32> to vector<1024x1xf32>
    %le3A = vector.broadcast %broadcast_in_dim3A_43 : vector<1024x1xf32> to vector<1024x1024xf32>
    %le3A_44 = arith.cmpf ole, %sub3A, %le3A : vector<1024x1024xf32>
    %jit3A = arith.constant 2.048000e+03 : f32
    %broadcast_in_dim3A_45 = vector.shape_cast %convert_element_type3A : vector<1x1024xf32> to vector<1x1024xf32>
    %broadcast_in_dim3A_46 = vector.broadcast %broadcast_in_dim3A_45 : vector<1x1024xf32> to vector<1024x1024xf32>
    %broadcast_in_dim3A_47 = vector.broadcast %jit3A : f32 to vector<1024x1024xf32>
    %select_n3A = arith.select %le3A_44, %broadcast_in_dim3A_46, %broadcast_in_dim3A_47 : vector<1024x1024xi1>, vector<1024x1024xf32>
    %reduce_min3A_48 = arith.constant dense<0x7F800000> : vector<1024xf32>
    %reduce_min3A_49 = vector.multi_reduction <minimumf>, %select_n3A, %reduce_min3A_48 [1] : vector<1024x1024xf32> to vector<1024xf32>
    %jit3A_50 = arith.constant 0x7F800000 : f32
    %broadcast_in_dim3A_51 = vector.broadcast %jit3A_50 : f32 to vector<1024x1024xf32>
    %select_n3A_52 = arith.select %le3A_44, %broadcast_in_dim3A_51, %sub3A : vector<1024x1024xi1>, vector<1024x1024xf32>
    %reduce_min3A_53 = arith.constant dense<0x7F800000> : vector<1024xf32>
    %reduce_min3A_54 = vector.multi_reduction <minimumf>, %select_n3A_52, %reduce_min3A_53 [1] : vector<1024x1024xf32> to vector<1024xf32>
    %broadcast_in_dim3A_55 = vector.shape_cast %reduce_min3A_54 : vector<1024xf32> to vector<1024x1xf32>
    %le3A_56 = vector.broadcast %broadcast_in_dim3A_55 : vector<1024x1xf32> to vector<1024x1024xf32>
    %le3A_57 = arith.cmpf ole, %select_n3A_52, %le3A_56 : vector<1024x1024xf32>
    %jit3A_58 = arith.constant 2.048000e+03 : f32
    %broadcast_in_dim3A_59 = vector.shape_cast %convert_element_type3A : vector<1x1024xf32> to vector<1x1024xf32>
    %broadcast_in_dim3A_60 = vector.broadcast %broadcast_in_dim3A_59 : vector<1x1024xf32> to vector<1024x1024xf32>
    %broadcast_in_dim3A_61 = vector.broadcast %jit3A_58 : f32 to vector<1024x1024xf32>
    %select_n3A_62 = arith.select %le3A_57, %broadcast_in_dim3A_60, %broadcast_in_dim3A_61 : vector<1024x1024xi1>, vector<1024x1024xf32>
    %reduce_min3A_63 = arith.constant dense<0x7F800000> : vector<1024xf32>
    %reduce_min3A_64 = vector.multi_reduction <minimumf>, %select_n3A_62, %reduce_min3A_63 [1] : vector<1024x1024xf32> to vector<1024xf32>
    %jit3A_65 = arith.constant 0x7F800000 : f32
    %broadcast_in_dim3A_66 = vector.broadcast %jit3A_65 : f32 to vector<1024x1024xf32>
    %select_n3A_67 = arith.select %le3A_57, %broadcast_in_dim3A_66, %select_n3A_52 : vector<1024x1024xi1>, vector<1024x1024xf32>
    %reduce_min3A_68 = arith.constant dense<0x7F800000> : vector<1024xf32>
    %reduce_min3A_69 = vector.multi_reduction <minimumf>, %select_n3A_67, %reduce_min3A_68 [1] : vector<1024x1024xf32> to vector<1024xf32>
    %broadcast_in_dim3A_70 = vector.shape_cast %reduce_min3A_69 : vector<1024xf32> to vector<1024x1xf32>
    %le3A_71 = vector.broadcast %broadcast_in_dim3A_70 : vector<1024x1xf32> to vector<1024x1024xf32>
    %le3A_72 = arith.cmpf ole, %select_n3A_67, %le3A_71 : vector<1024x1024xf32>
    %jit3A_73 = arith.constant 2.048000e+03 : f32
    %broadcast_in_dim3A_74 = vector.shape_cast %convert_element_type3A : vector<1x1024xf32> to vector<1x1024xf32>
    %broadcast_in_dim3A_75 = vector.broadcast %broadcast_in_dim3A_74 : vector<1x1024xf32> to vector<1024x1024xf32>
    %broadcast_in_dim3A_76 = vector.broadcast %jit3A_73 : f32 to vector<1024x1024xf32>
    %select_n3A_77 = arith.select %le3A_72, %broadcast_in_dim3A_75, %broadcast_in_dim3A_76 : vector<1024x1024xi1>, vector<1024x1024xf32>
    %reduce_min3A_78 = arith.constant dense<0x7F800000> : vector<1024xf32>
    %reduce_min3A_79 = vector.multi_reduction <minimumf>, %select_n3A_77, %reduce_min3A_78 [1] : vector<1024x1024xf32> to vector<1024xf32>
    %jit3A_80 = arith.constant 0x7F800000 : f32
    %broadcast_in_dim3A_81 = vector.broadcast %jit3A_80 : f32 to vector<1024x1024xf32>
    %select_n3A_82 = arith.select %le3A_72, %broadcast_in_dim3A_81, %select_n3A_67 : vector<1024x1024xi1>, vector<1024x1024xf32>
    %reduce_min3A_83 = arith.constant dense<0x7F800000> : vector<1024xf32>
    %reduce_min3A_84 = vector.multi_reduction <minimumf>, %select_n3A_82, %reduce_min3A_83 [1] : vector<1024x1024xf32> to vector<1024xf32>
    %broadcast_in_dim3A_85 = vector.shape_cast %reduce_min3A_84 : vector<1024xf32> to vector<1024x1xf32>
    %le3A_86 = vector.broadcast %broadcast_in_dim3A_85 : vector<1024x1xf32> to vector<1024x1024xf32>
    %le3A_87 = arith.cmpf ole, %select_n3A_82, %le3A_86 : vector<1024x1024xf32>
    %jit3A_88 = arith.constant 2.048000e+03 : f32
    %broadcast_in_dim3A_89 = vector.shape_cast %convert_element_type3A : vector<1x1024xf32> to vector<1x1024xf32>
    %broadcast_in_dim3A_90 = vector.broadcast %broadcast_in_dim3A_89 : vector<1x1024xf32> to vector<1024x1024xf32>
    %broadcast_in_dim3A_91 = vector.broadcast %jit3A_88 : f32 to vector<1024x1024xf32>
    %select_n3A_92 = arith.select %le3A_87, %broadcast_in_dim3A_90, %broadcast_in_dim3A_91 : vector<1024x1024xi1>, vector<1024x1024xf32>
    %reduce_min3A_93 = arith.constant dense<0x7F800000> : vector<1024xf32>
    %reduce_min3A_94 = vector.multi_reduction <minimumf>, %select_n3A_92, %reduce_min3A_93 [1] : vector<1024x1024xf32> to vector<1024xf32>
    %jit3A_95 = arith.constant 0x7F800000 : f32
    %broadcast_in_dim3A_96 = vector.broadcast %jit3A_95 : f32 to vector<1024x1024xf32>
    %select_n3A_97 = arith.select %le3A_87, %broadcast_in_dim3A_96, %select_n3A_82 : vector<1024x1024xi1>, vector<1024x1024xf32>
    %reduce_min3A_98 = arith.constant dense<0x7F800000> : vector<1024xf32>
    %reduce_min3A_99 = vector.multi_reduction <minimumf>, %select_n3A_97, %reduce_min3A_98 [1] : vector<1024x1024xf32> to vector<1024xf32>
    %broadcast_in_dim3A_100 = vector.shape_cast %reduce_min3A_99 : vector<1024xf32> to vector<1024x1xf32>
    %le3A_101 = vector.broadcast %broadcast_in_dim3A_100 : vector<1024x1xf32> to vector<1024x1024xf32>
    %le3A_102 = arith.cmpf ole, %select_n3A_97, %le3A_101 : vector<1024x1024xf32>
    %jit3A_103 = arith.constant 2.048000e+03 : f32
    %broadcast_in_dim3A_104 = vector.shape_cast %convert_element_type3A : vector<1x1024xf32> to vector<1x1024xf32>
    %broadcast_in_dim3A_105 = vector.broadcast %broadcast_in_dim3A_104 : vector<1x1024xf32> to vector<1024x1024xf32>
    %broadcast_in_dim3A_106 = vector.broadcast %jit3A_103 : f32 to vector<1024x1024xf32>
    %select_n3A_107 = arith.select %le3A_102, %broadcast_in_dim3A_105, %broadcast_in_dim3A_106 : vector<1024x1024xi1>, vector<1024x1024xf32>
    %reduce_min3A_108 = arith.constant dense<0x7F800000> : vector<1024xf32>
    %reduce_min3A_109 = vector.multi_reduction <minimumf>, %select_n3A_107, %reduce_min3A_108 [1] : vector<1024x1024xf32> to vector<1024xf32>
    %jit3A_110 = arith.constant 0x7F800000 : f32
    %broadcast_in_dim3A_111 = vector.broadcast %jit3A_110 : f32 to vector<1024x1024xf32>
    %select_n3A_112 = arith.select %le3A_102, %broadcast_in_dim3A_111, %select_n3A_97 : vector<1024x1024xi1>, vector<1024x1024xf32>
    %reduce_min3A_113 = arith.constant dense<0x7F800000> : vector<1024xf32>
    %reduce_min3A_114 = vector.multi_reduction <minimumf>, %select_n3A_112, %reduce_min3A_113 [1] : vector<1024x1024xf32> to vector<1024xf32>
    %broadcast_in_dim3A_115 = vector.shape_cast %reduce_min3A_114 : vector<1024xf32> to vector<1024x1xf32>
    %le3A_116 = vector.broadcast %broadcast_in_dim3A_115 : vector<1024x1xf32> to vector<1024x1024xf32>
    %le3A_117 = arith.cmpf ole, %select_n3A_112, %le3A_116 : vector<1024x1024xf32>
    %jit3A_118 = arith.constant 2.048000e+03 : f32
    %broadcast_in_dim3A_119 = vector.shape_cast %convert_element_type3A : vector<1x1024xf32> to vector<1x1024xf32>
    %broadcast_in_dim3A_120 = vector.broadcast %broadcast_in_dim3A_119 : vector<1x1024xf32> to vector<1024x1024xf32>
    %broadcast_in_dim3A_121 = vector.broadcast %jit3A_118 : f32 to vector<1024x1024xf32>
    %select_n3A_122 = arith.select %le3A_117, %broadcast_in_dim3A_120, %broadcast_in_dim3A_121 : vector<1024x1024xi1>, vector<1024x1024xf32>
    %reduce_min3A_123 = arith.constant dense<0x7F800000> : vector<1024xf32>
    %reduce_min3A_124 = vector.multi_reduction <minimumf>, %select_n3A_122, %reduce_min3A_123 [1] : vector<1024x1024xf32> to vector<1024xf32>
    %jit3A_125 = arith.constant 0x7F800000 : f32
    %broadcast_in_dim3A_126 = vector.broadcast %jit3A_125 : f32 to vector<1024x1024xf32>
    %select_n3A_127 = arith.select %le3A_117, %broadcast_in_dim3A_126, %select_n3A_112 : vector<1024x1024xi1>, vector<1024x1024xf32>
    %reduce_min3A_128 = arith.constant dense<0x7F800000> : vector<1024xf32>
    %reduce_min3A_129 = vector.multi_reduction <minimumf>, %select_n3A_127, %reduce_min3A_128 [1] : vector<1024x1024xf32> to vector<1024xf32>
    %broadcast_in_dim3A_130 = vector.shape_cast %reduce_min3A_129 : vector<1024xf32> to vector<1024x1xf32>
    %le3A_131 = vector.broadcast %broadcast_in_dim3A_130 : vector<1024x1xf32> to vector<1024x1024xf32>
    %le3A_132 = arith.cmpf ole, %select_n3A_127, %le3A_131 : vector<1024x1024xf32>
    %jit3A_133 = arith.constant 2.048000e+03 : f32
    %broadcast_in_dim3A_134 = vector.shape_cast %convert_element_type3A : vector<1x1024xf32> to vector<1x1024xf32>
    %broadcast_in_dim3A_135 = vector.broadcast %broadcast_in_dim3A_134 : vector<1x1024xf32> to vector<1024x1024xf32>
    %broadcast_in_dim3A_136 = vector.broadcast %jit3A_133 : f32 to vector<1024x1024xf32>
    %select_n3A_137 = arith.select %le3A_132, %broadcast_in_dim3A_135, %broadcast_in_dim3A_136 : vector<1024x1024xi1>, vector<1024x1024xf32>
    %reduce_min3A_138 = arith.constant dense<0x7F800000> : vector<1024xf32>
    %reduce_min3A_139 = vector.multi_reduction <minimumf>, %select_n3A_137, %reduce_min3A_138 [1] : vector<1024x1024xf32> to vector<1024xf32>
    %jit3A_140 = arith.constant 0x7F800000 : f32
    %broadcast_in_dim3A_141 = vector.broadcast %jit3A_140 : f32 to vector<1024x1024xf32>
    %select_n3A_142 = arith.select %le3A_132, %broadcast_in_dim3A_141, %select_n3A_127 : vector<1024x1024xi1>, vector<1024x1024xf32>
    %reduce_min3A_143 = arith.constant dense<0x7F800000> : vector<1024xf32>
    %reduce_min3A_144 = vector.multi_reduction <minimumf>, %select_n3A_142, %reduce_min3A_143 [1] : vector<1024x1024xf32> to vector<1024xf32>
    %broadcast_in_dim3A_145 = vector.shape_cast %reduce_min3A_144 : vector<1024xf32> to vector<1024x1xf32>
    %le3A_146 = vector.broadcast %broadcast_in_dim3A_145 : vector<1024x1xf32> to vector<1024x1024xf32>
    %le3A_147 = arith.cmpf ole, %select_n3A_142, %le3A_146 : vector<1024x1024xf32>
    %jit3A_148 = arith.constant 2.048000e+03 : f32
    %broadcast_in_dim3A_149 = vector.shape_cast %convert_element_type3A : vector<1x1024xf32> to vector<1x1024xf32>
    %broadcast_in_dim3A_150 = vector.broadcast %broadcast_in_dim3A_149 : vector<1x1024xf32> to vector<1024x1024xf32>
    %broadcast_in_dim3A_151 = vector.broadcast %jit3A_148 : f32 to vector<1024x1024xf32>
    %select_n3A_152 = arith.select %le3A_147, %broadcast_in_dim3A_150, %broadcast_in_dim3A_151 : vector<1024x1024xi1>, vector<1024x1024xf32>
    %reduce_min3A_153 = arith.constant dense<0x7F800000> : vector<1024xf32>
    %reduce_min3A_154 = vector.multi_reduction <minimumf>, %select_n3A_152, %reduce_min3A_153 [1] : vector<1024x1024xf32> to vector<1024xf32>
    %jit3A_155 = arith.constant 0x7F800000 : f32
    %broadcast_in_dim3A_156 = vector.broadcast %jit3A_155 : f32 to vector<1024x1024xf32>
    %select_n3A_157 = arith.select %le3A_147, %broadcast_in_dim3A_156, %select_n3A_142 : vector<1024x1024xi1>, vector<1024x1024xf32>
    %reduce_min3A_158 = arith.constant dense<0x7F800000> : vector<1024xf32>
    %reduce_min3A_159 = vector.multi_reduction <minimumf>, %select_n3A_157, %reduce_min3A_158 [1] : vector<1024x1024xf32> to vector<1024xf32>
    %broadcast_in_dim3A_160 = vector.shape_cast %reduce_min3A_159 : vector<1024xf32> to vector<1024x1xf32>
    %le3A_161 = vector.broadcast %broadcast_in_dim3A_160 : vector<1024x1xf32> to vector<1024x1024xf32>
    %le3A_162 = arith.cmpf ole, %select_n3A_157, %le3A_161 : vector<1024x1024xf32>
    %jit3A_163 = arith.constant 2.048000e+03 : f32
    %broadcast_in_dim3A_164 = vector.shape_cast %convert_element_type3A : vector<1x1024xf32> to vector<1x1024xf32>
    %broadcast_in_dim3A_165 = vector.broadcast %broadcast_in_dim3A_164 : vector<1x1024xf32> to vector<1024x1024xf32>
    %broadcast_in_dim3A_166 = vector.broadcast %jit3A_163 : f32 to vector<1024x1024xf32>
    %select_n3A_167 = arith.select %le3A_162, %broadcast_in_dim3A_165, %broadcast_in_dim3A_166 : vector<1024x1024xi1>, vector<1024x1024xf32>
    %reduce_min3A_168 = arith.constant dense<0x7F800000> : vector<1024xf32>
    %reduce_min3A_169 = vector.multi_reduction <minimumf>, %select_n3A_167, %reduce_min3A_168 [1] : vector<1024x1024xf32> to vector<1024xf32>
    %jit3A_170 = arith.constant 0x7F800000 : f32
    %broadcast_in_dim3A_171 = vector.broadcast %jit3A_170 : f32 to vector<1024x1024xf32>
    %select_n3A_172 = arith.select %le3A_162, %broadcast_in_dim3A_171, %select_n3A_157 : vector<1024x1024xi1>, vector<1024x1024xf32>
    %reduce_min3A_173 = arith.constant dense<0x7F800000> : vector<1024xf32>
    %reduce_min3A_174 = vector.multi_reduction <minimumf>, %select_n3A_172, %reduce_min3A_173 [1] : vector<1024x1024xf32> to vector<1024xf32>
    %broadcast_in_dim3A_175 = vector.shape_cast %reduce_min3A_174 : vector<1024xf32> to vector<1024x1xf32>
    %le3A_176 = vector.broadcast %broadcast_in_dim3A_175 : vector<1024x1xf32> to vector<1024x1024xf32>
    %le3A_177 = arith.cmpf ole, %select_n3A_172, %le3A_176 : vector<1024x1024xf32>
    %jit3A_178 = arith.constant 2.048000e+03 : f32
    %broadcast_in_dim3A_179 = vector.shape_cast %convert_element_type3A : vector<1x1024xf32> to vector<1x1024xf32>
    %broadcast_in_dim3A_180 = vector.broadcast %broadcast_in_dim3A_179 : vector<1x1024xf32> to vector<1024x1024xf32>
    %broadcast_in_dim3A_181 = vector.broadcast %jit3A_178 : f32 to vector<1024x1024xf32>
    %select_n3A_182 = arith.select %le3A_177, %broadcast_in_dim3A_180, %broadcast_in_dim3A_181 : vector<1024x1024xi1>, vector<1024x1024xf32>
    %reduce_min3A_183 = arith.constant dense<0x7F800000> : vector<1024xf32>
    %reduce_min3A_184 = vector.multi_reduction <minimumf>, %select_n3A_182, %reduce_min3A_183 [1] : vector<1024x1024xf32> to vector<1024xf32>
    %jit3A_185 = arith.constant 0x7F800000 : f32
    %broadcast_in_dim3A_186 = vector.broadcast %jit3A_185 : f32 to vector<1024x1024xf32>
    %select_n3A_187 = arith.select %le3A_177, %broadcast_in_dim3A_186, %select_n3A_172 : vector<1024x1024xi1>, vector<1024x1024xf32>
    %reduce_min3A_188 = arith.constant dense<0x7F800000> : vector<1024xf32>
    %reduce_min3A_189 = vector.multi_reduction <minimumf>, %select_n3A_187, %reduce_min3A_188 [1] : vector<1024x1024xf32> to vector<1024xf32>
    %broadcast_in_dim3A_190 = vector.shape_cast %reduce_min3A_189 : vector<1024xf32> to vector<1024x1xf32>
    %le3A_191 = vector.broadcast %broadcast_in_dim3A_190 : vector<1024x1xf32> to vector<1024x1024xf32>
    %le3A_192 = arith.cmpf ole, %select_n3A_187, %le3A_191 : vector<1024x1024xf32>
    %jit3A_193 = arith.constant 2.048000e+03 : f32
    %broadcast_in_dim3A_194 = vector.shape_cast %convert_element_type3A : vector<1x1024xf32> to vector<1x1024xf32>
    %broadcast_in_dim3A_195 = vector.broadcast %broadcast_in_dim3A_194 : vector<1x1024xf32> to vector<1024x1024xf32>
    %broadcast_in_dim3A_196 = vector.broadcast %jit3A_193 : f32 to vector<1024x1024xf32>
    %select_n3A_197 = arith.select %le3A_192, %broadcast_in_dim3A_195, %broadcast_in_dim3A_196 : vector<1024x1024xi1>, vector<1024x1024xf32>
    %reduce_min3A_198 = arith.constant dense<0x7F800000> : vector<1024xf32>
    %reduce_min3A_199 = vector.multi_reduction <minimumf>, %select_n3A_197, %reduce_min3A_198 [1] : vector<1024x1024xf32> to vector<1024xf32>
    %jit3A_200 = arith.constant 0x7F800000 : f32
    %broadcast_in_dim3A_201 = vector.broadcast %jit3A_200 : f32 to vector<1024x1024xf32>
    %select_n3A_202 = arith.select %le3A_192, %broadcast_in_dim3A_201, %select_n3A_187 : vector<1024x1024xi1>, vector<1024x1024xf32>
    %reduce_min3A_203 = arith.constant dense<0x7F800000> : vector<1024xf32>
    %reduce_min3A_204 = vector.multi_reduction <minimumf>, %select_n3A_202, %reduce_min3A_203 [1] : vector<1024x1024xf32> to vector<1024xf32>
    %broadcast_in_dim3A_205 = vector.shape_cast %reduce_min3A_204 : vector<1024xf32> to vector<1024x1xf32>
    %le3A_206 = vector.broadcast %broadcast_in_dim3A_205 : vector<1024x1xf32> to vector<1024x1024xf32>
    %le3A_207 = arith.cmpf ole, %select_n3A_202, %le3A_206 : vector<1024x1024xf32>
    %jit3A_208 = arith.constant 2.048000e+03 : f32
    %broadcast_in_dim3A_209 = vector.shape_cast %convert_element_type3A : vector<1x1024xf32> to vector<1x1024xf32>
    %broadcast_in_dim3A_210 = vector.broadcast %broadcast_in_dim3A_209 : vector<1x1024xf32> to vector<1024x1024xf32>
    %broadcast_in_dim3A_211 = vector.broadcast %jit3A_208 : f32 to vector<1024x1024xf32>
    %select_n3A_212 = arith.select %le3A_207, %broadcast_in_dim3A_210, %broadcast_in_dim3A_211 : vector<1024x1024xi1>, vector<1024x1024xf32>
    %reduce_min3A_213 = arith.constant dense<0x7F800000> : vector<1024xf32>
    %reduce_min3A_214 = vector.multi_reduction <minimumf>, %select_n3A_212, %reduce_min3A_213 [1] : vector<1024x1024xf32> to vector<1024xf32>
    %jit3A_215 = arith.constant 0x7F800000 : f32
    %broadcast_in_dim3A_216 = vector.broadcast %jit3A_215 : f32 to vector<1024x1024xf32>
    %select_n3A_217 = arith.select %le3A_207, %broadcast_in_dim3A_216, %select_n3A_202 : vector<1024x1024xi1>, vector<1024x1024xf32>
    %reduce_min3A_218 = arith.constant dense<0x7F800000> : vector<1024xf32>
    %reduce_min3A_219 = vector.multi_reduction <minimumf>, %select_n3A_217, %reduce_min3A_218 [1] : vector<1024x1024xf32> to vector<1024xf32>
    %broadcast_in_dim3A_220 = vector.shape_cast %reduce_min3A_219 : vector<1024xf32> to vector<1024x1xf32>
    %le3A_221 = vector.broadcast %broadcast_in_dim3A_220 : vector<1024x1xf32> to vector<1024x1024xf32>
    %le3A_222 = arith.cmpf ole, %select_n3A_217, %le3A_221 : vector<1024x1024xf32>
    %jit3A_223 = arith.constant 2.048000e+03 : f32
    %broadcast_in_dim3A_224 = vector.shape_cast %convert_element_type3A : vector<1x1024xf32> to vector<1x1024xf32>
    %broadcast_in_dim3A_225 = vector.broadcast %broadcast_in_dim3A_224 : vector<1x1024xf32> to vector<1024x1024xf32>
    %broadcast_in_dim3A_226 = vector.broadcast %jit3A_223 : f32 to vector<1024x1024xf32>
    %select_n3A_227 = arith.select %le3A_222, %broadcast_in_dim3A_225, %broadcast_in_dim3A_226 : vector<1024x1024xi1>, vector<1024x1024xf32>
    %reduce_min3A_228 = arith.constant dense<0x7F800000> : vector<1024xf32>
    %reduce_min3A_229 = vector.multi_reduction <minimumf>, %select_n3A_227, %reduce_min3A_228 [1] : vector<1024x1024xf32> to vector<1024xf32>
    %jit3A_230 = arith.constant 0x7F800000 : f32
    %broadcast_in_dim3A_231 = vector.broadcast %jit3A_230 : f32 to vector<1024x1024xf32>
    %select_n3A_232 = arith.select %le3A_222, %broadcast_in_dim3A_231, %select_n3A_217 : vector<1024x1024xi1>, vector<1024x1024xf32>
    %reduce_min3A_233 = arith.constant dense<0x7F800000> : vector<1024xf32>
    %reduce_min3A_234 = vector.multi_reduction <minimumf>, %select_n3A_232, %reduce_min3A_233 [1] : vector<1024x1024xf32> to vector<1024xf32>
    %broadcast_in_dim3A_235 = vector.shape_cast %reduce_min3A_234 : vector<1024xf32> to vector<1024x1xf32>
    %le3A_236 = vector.broadcast %broadcast_in_dim3A_235 : vector<1024x1xf32> to vector<1024x1024xf32>
    %le3A_237 = arith.cmpf ole, %select_n3A_232, %le3A_236 : vector<1024x1024xf32>
    %jit3A_238 = arith.constant 2.048000e+03 : f32
    %broadcast_in_dim3A_239 = vector.shape_cast %convert_element_type3A : vector<1x1024xf32> to vector<1x1024xf32>
    %broadcast_in_dim3A_240 = vector.broadcast %broadcast_in_dim3A_239 : vector<1x1024xf32> to vector<1024x1024xf32>
    %broadcast_in_dim3A_241 = vector.broadcast %jit3A_238 : f32 to vector<1024x1024xf32>
    %select_n3A_242 = arith.select %le3A_237, %broadcast_in_dim3A_240, %broadcast_in_dim3A_241 : vector<1024x1024xi1>, vector<1024x1024xf32>
    %reduce_min3A_243 = arith.constant dense<0x7F800000> : vector<1024xf32>
    %reduce_min3A_244 = vector.multi_reduction <minimumf>, %select_n3A_242, %reduce_min3A_243 [1] : vector<1024x1024xf32> to vector<1024xf32>
    %jit3A_245 = arith.constant 0x7F800000 : f32
    %broadcast_in_dim3A_246 = vector.broadcast %jit3A_245 : f32 to vector<1024x1024xf32>
    %select_n3A_247 = arith.select %le3A_237, %broadcast_in_dim3A_246, %select_n3A_232 : vector<1024x1024xi1>, vector<1024x1024xf32>
    %reduce_min3A_248 = arith.constant dense<0x7F800000> : vector<1024xf32>
    %reduce_min3A_249 = vector.multi_reduction <minimumf>, %select_n3A_247, %reduce_min3A_248 [1] : vector<1024x1024xf32> to vector<1024xf32>
    %broadcast_in_dim3A_250 = vector.shape_cast %reduce_min3A_249 : vector<1024xf32> to vector<1024x1xf32>
    %le3A_251 = vector.broadcast %broadcast_in_dim3A_250 : vector<1024x1xf32> to vector<1024x1024xf32>
    %le3A_252 = arith.cmpf ole, %select_n3A_247, %le3A_251 : vector<1024x1024xf32>
    %jit3A_253 = arith.constant 2.048000e+03 : f32
    %broadcast_in_dim3A_254 = vector.shape_cast %convert_element_type3A : vector<1x1024xf32> to vector<1x1024xf32>
    %broadcast_in_dim3A_255 = vector.broadcast %broadcast_in_dim3A_254 : vector<1x1024xf32> to vector<1024x1024xf32>
    %broadcast_in_dim3A_256 = vector.broadcast %jit3A_253 : f32 to vector<1024x1024xf32>
    %select_n3A_257 = arith.select %le3A_252, %broadcast_in_dim3A_255, %broadcast_in_dim3A_256 : vector<1024x1024xi1>, vector<1024x1024xf32>
    %reduce_min3A_258 = arith.constant dense<0x7F800000> : vector<1024xf32>
    %reduce_min3A_259 = vector.multi_reduction <minimumf>, %select_n3A_257, %reduce_min3A_258 [1] : vector<1024x1024xf32> to vector<1024xf32>
    %jit3A_260 = arith.constant 0x7F800000 : f32
    %broadcast_in_dim3A_261 = vector.broadcast %jit3A_260 : f32 to vector<1024x1024xf32>
    %select_n3A_262 = arith.select %le3A_252, %broadcast_in_dim3A_261, %select_n3A_247 : vector<1024x1024xi1>, vector<1024x1024xf32>
    %reduce_min3A_263 = arith.constant dense<0x7F800000> : vector<1024xf32>
    %reduce_min3A_264 = vector.multi_reduction <minimumf>, %select_n3A_262, %reduce_min3A_263 [1] : vector<1024x1024xf32> to vector<1024xf32>
    %broadcast_in_dim3A_265 = vector.shape_cast %reduce_min3A_264 : vector<1024xf32> to vector<1024x1xf32>
    %le3A_266 = vector.broadcast %broadcast_in_dim3A_265 : vector<1024x1xf32> to vector<1024x1024xf32>
    %le3A_267 = arith.cmpf ole, %select_n3A_262, %le3A_266 : vector<1024x1024xf32>
    %jit3A_268 = arith.constant 2.048000e+03 : f32
    %broadcast_in_dim3A_269 = vector.shape_cast %convert_element_type3A : vector<1x1024xf32> to vector<1x1024xf32>
    %broadcast_in_dim3A_270 = vector.broadcast %broadcast_in_dim3A_269 : vector<1x1024xf32> to vector<1024x1024xf32>
    %broadcast_in_dim3A_271 = vector.broadcast %jit3A_268 : f32 to vector<1024x1024xf32>
    %select_n3A_272 = arith.select %le3A_267, %broadcast_in_dim3A_270, %broadcast_in_dim3A_271 : vector<1024x1024xi1>, vector<1024x1024xf32>
    %reduce_min3A_273 = arith.constant dense<0x7F800000> : vector<1024xf32>
    %reduce_min3A_274 = vector.multi_reduction <minimumf>, %select_n3A_272, %reduce_min3A_273 [1] : vector<1024x1024xf32> to vector<1024xf32>
    %stack3A = vector.shape_cast %reduce_min3A_49 : vector<1024xf32> to vector<1x1024xf32>
    %stack3A_275 = vector.shape_cast %reduce_min3A_64 : vector<1024xf32> to vector<1x1024xf32>
    %stack3A_276 = vector.shape_cast %reduce_min3A_79 : vector<1024xf32> to vector<1x1024xf32>
    %stack3A_277 = vector.shape_cast %reduce_min3A_94 : vector<1024xf32> to vector<1x1024xf32>
    %stack3A_278 = vector.shape_cast %reduce_min3A_109 : vector<1024xf32> to vector<1x1024xf32>
    %stack3A_279 = vector.shape_cast %reduce_min3A_124 : vector<1024xf32> to vector<1x1024xf32>
    %stack3A_280 = vector.shape_cast %reduce_min3A_139 : vector<1024xf32> to vector<1x1024xf32>
    %stack3A_281 = vector.shape_cast %reduce_min3A_154 : vector<1024xf32> to vector<1x1024xf32>
    %stack3A_282 = vector.shape_cast %reduce_min3A_169 : vector<1024xf32> to vector<1x1024xf32>
    %stack3A_283 = vector.shape_cast %reduce_min3A_184 : vector<1024xf32> to vector<1x1024xf32>
    %stack3A_284 = vector.shape_cast %reduce_min3A_199 : vector<1024xf32> to vector<1x1024xf32>
    %stack3A_285 = vector.shape_cast %reduce_min3A_214 : vector<1024xf32> to vector<1x1024xf32>
    %stack3A_286 = vector.shape_cast %reduce_min3A_229 : vector<1024xf32> to vector<1x1024xf32>
    %stack3A_287 = vector.shape_cast %reduce_min3A_244 : vector<1024xf32> to vector<1x1024xf32>
    %stack3A_288 = vector.shape_cast %reduce_min3A_259 : vector<1024xf32> to vector<1x1024xf32>
    %stack3A_289 = vector.shape_cast %reduce_min3A_274 : vector<1024xf32> to vector<1x1024xf32>
    %stack3A_290 = tpu.concatenate %stack3A, %stack3A_275, %stack3A_276, %stack3A_277, %stack3A_278, %stack3A_279, %stack3A_280, %stack3A_281, %stack3A_282, %stack3A_283, %stack3A_284, %stack3A_285, %stack3A_286, %stack3A_287, %stack3A_288, %stack3A_289 in 0 : vector<1x1024xf32>, vector<1x1024xf32>, vector<1x1024xf32>, vector<1x1024xf32>, vector<1x1024xf32>, vector<1x1024xf32>, vector<1x1024xf32>, vector<1x1024xf32>, vector<1x1024xf32>, vector<1x1024xf32>, vector<1x1024xf32>, vector<1x1024xf32>, vector<1x1024xf32>, vector<1x1024xf32>, vector<1x1024xf32>, vector<1x1024xf32> -> vector<16x1024xf32>
    %convert_element_type3A_291 = arith.fptosi %stack3A_290 : vector<16x1024xf32> to vector<16x1024xi32>
    %add3A_292 = vector.broadcast %mul3A_41 : i32 to vector<16x1024xi32>
    %add3A_293 = arith.addi %convert_element_type3A_291, %add3A_292 : vector<16x1024xi32>
    %swap3A_294 = arith.constant 0 : index
    %swap3A_295 = arith.constant 0 : index
    %swap3A_296 = arith.constant 0 : index
    %swap3A_297 = vector.load %arg5[%swap3A_294, %swap3A_295, %swap3A_296] : memref<1x16x1024xi32, #tpu.memory_space<vmem>>, vector<1x16x1024xi32>
    %swap3A_298 = vector.shape_cast %swap3A_297 : vector<1x16x1024xi32> to vector<16x1024xi32>
    %swap3A_299 = vector.shape_cast %add3A_293 : vector<16x1024xi32> to vector<1x16x1024xi32>
    tpu.vector_store %arg5[%swap3A_294, %swap3A_295, %swap3A_296], %swap3A_299 {strides = array<i32>} : memref<1x16x1024xi32, #tpu.memory_space<vmem>>, vector<1x16x1024xi32>,
    return
  }
  func.func @transform_0(%arg0: i32) -> (i32, i32, i32) {
    %c0_i32 = arith.constant 0 : i32
    %c0_i32_0 = arith.constant 0 : i32
    %c0_i32_1 = arith.constant 0 : i32
    return %arg0, %c0_i32, %c0_i32_0 : i32, i32, i32
  }
  func.func @transform_1(%arg0: i32) -> (i32, i32) {
    %c0_i32 = arith.constant 0 : i32
    %c0_i32_0 = arith.constant 0 : i32
    %c0_i32_1 = arith.constant 0 : i32
    return %c0_i32, %c0_i32_0 : i32, i32
  }
  func.func @transform_2(%arg0: i32) -> (i32, i32) {
    %c0_i32 = arith.constant 0 : i32
    %c0_i32_0 = arith.constant 0 : i32
    %c0_i32_1 = arith.constant 0 : i32
    return %c0_i32, %c0_i32_0 : i32, i32
  }
  func.func @transform_3(%arg0: i32) -> (i32, i32) {
    %c0_i32 = arith.constant 0 : i32
    %c0_i32_0 = arith.constant 0 : i32
    %c0_i32_1 = arith.constant 0 : i32
    return %c0_i32, %c0_i32_0 : i32, i32
  }
  func.func @transform_4(%arg0: i32) -> (i32, i32, i32) {
    %c0_i32 = arith.constant 0 : i32
    %c0_i32_0 = arith.constant 0 : i32
    %c0_i32_1 = arith.constant 0 : i32
    return %arg0, %c0_i32, %c0_i32_0 : i32, i32, i32
  }
  func.func @transform_5(%arg0: i32) -> (i32, i32, i32) {
    %c0_i32 = arith.constant 0 : i32
    %c0_i32_0 = arith.constant 0 : i32
    %c0_i32_1 = arith.constant 0 : i32
    return %arg0, %c0_i32, %c0_i32_0 : i32, i32, i32
  }
  func.func @transform_6(%arg0: i32) -> (i32, i32, i32) {
    %c0_i32 = arith.constant 0 : i32
    %c0_i32_0 = arith.constant 0 : i32
    %c0_i32_1 = arith.constant 0 : i32
    return %arg0, %c0_i32, %c0_i32_0 : i32, i32, i32
  }
}

module attributes {stable_mosaic.version = 14 : i64} {
  func.func @_head_body(%arg0: i32, %arg1: memref<1x1024x4xf32, #tpu.memory_space<vmem>>, %arg2: memref<1x1024x64xf32, #tpu.memory_space<vmem>>, %arg3: memref<1x1024x64xf32, #tpu.memory_space<vmem>>, %arg4: memref<4x512xf32, #tpu.memory_space<vmem>>, %arg5: memref<64x512xf32, #tpu.memory_space<vmem>>, %arg6: memref<64x512xf32, #tpu.memory_space<vmem>>, %arg7: memref<1x512xf32, #tpu.memory_space<vmem>>, %arg8: memref<512x256xf32, #tpu.memory_space<vmem>>, %arg9: memref<1x256xf32, #tpu.memory_space<vmem>>, %arg10: memref<256x128xf32, #tpu.memory_space<vmem>>, %arg11: memref<1x128xf32, #tpu.memory_space<vmem>>, %arg12: memref<128x10xf32, #tpu.memory_space<vmem>>, %arg13: memref<1x10xf32, #tpu.memory_space<vmem>>, %arg14: memref<1x1x10xf32, #tpu.memory_space<vmem>>) attributes {dimension_semantics = [#tpu.dimension_semantics<arbitrary>], iteration_bounds = array<i64: 32>, scalar_prefetch = 0 : i64, scratch_operands = 0 : i64, tpu.core_type = #tpu.core_type<tc>, window_params = [{transform_indices = @transform_0, window_bounds = array<i64: 1, 1024, 4>}, {transform_indices = @transform_1, window_bounds = array<i64: 1, 1024, 64>}, {transform_indices = @transform_2, window_bounds = array<i64: 1, 1024, 64>}, {pipeline_mode = #tpu.pipeline_mode<synchronous>, transform_indices = @transform_3, window_bounds = array<i64: 4, 512>}, {pipeline_mode = #tpu.pipeline_mode<synchronous>, transform_indices = @transform_4, window_bounds = array<i64: 64, 512>}, {pipeline_mode = #tpu.pipeline_mode<synchronous>, transform_indices = @transform_5, window_bounds = array<i64: 64, 512>}, {pipeline_mode = #tpu.pipeline_mode<synchronous>, transform_indices = @transform_6, window_bounds = array<i64: 1, 512>}, {pipeline_mode = #tpu.pipeline_mode<synchronous>, transform_indices = @transform_7, window_bounds = array<i64: 512, 256>}, {pipeline_mode = #tpu.pipeline_mode<synchronous>, transform_indices = @transform_8, window_bounds = array<i64: 1, 256>}, {pipeline_mode = #tpu.pipeline_mode<synchronous>, transform_indices = @transform_9, window_bounds = array<i64: 256, 128>}, {pipeline_mode = #tpu.pipeline_mode<synchronous>, transform_indices = @transform_10, window_bounds = array<i64: 1, 128>}, {pipeline_mode = #tpu.pipeline_mode<synchronous>, transform_indices = @transform_11, window_bounds = array<i64: 128, 10>}, {pipeline_mode = #tpu.pipeline_mode<synchronous>, transform_indices = @transform_12, window_bounds = array<i64: 1, 10>}, {transform_indices = @transform_13, window_bounds = array<i64: 1, 1, 10>}]} {
    %get3A = arith.constant 0 : index
    %get3A_0 = arith.constant 0 : index
    %get3A_1 = arith.constant 0 : index
    %get3A_2 = vector.load %arg1[%get3A, %get3A_0, %get3A_1] : memref<1x1024x4xf32, #tpu.memory_space<vmem>>, vector<1x1024x4xf32>
    %get3A_3 = vector.shape_cast %get3A_2 : vector<1x1024x4xf32> to vector<1024x4xf32>
    %get3A_4 = arith.constant 0 : index
    %get3A_5 = arith.constant 0 : index
    %get3A_6 = vector.load %arg4[%get3A_4, %get3A_5] : memref<4x512xf32, #tpu.memory_space<vmem>>, vector<4x512xf32>
    %dot_general3A = arith.constant dense<0.000000e+00> : vector<1024x512xf32>
    %dot_general3A_7 = tpu.matmul %get3A_3, %get3A_6, %dot_general3A {dimension_numbers = #tpu.dot_dimension_numbers<[1], [0], [0], [1], [0, 0, 1, 1], [], []>, transpose_lhs_hint = false} : vector<1024x4xf32>, vector<4x512xf32>, vector<1024x512xf32> -> vector<1024x512xf32>
    %get3A_8 = arith.constant 0 : index
    %get3A_9 = arith.constant 0 : index
    %get3A_10 = arith.constant 0 : index
    %get3A_11 = vector.load %arg2[%get3A_8, %get3A_9, %get3A_10] : memref<1x1024x64xf32, #tpu.memory_space<vmem>>, vector<1x1024x64xf32>
    %get3A_12 = vector.shape_cast %get3A_11 : vector<1x1024x64xf32> to vector<1024x64xf32>
    %get3A_13 = arith.constant 0 : index
    %get3A_14 = arith.constant 0 : index
    %get3A_15 = vector.load %arg5[%get3A_13, %get3A_14] : memref<64x512xf32, #tpu.memory_space<vmem>>, vector<64x512xf32>
    %dot_general3A_16 = arith.constant dense<0.000000e+00> : vector<1024x512xf32>
    %dot_general3A_17 = tpu.matmul %get3A_12, %get3A_15, %dot_general3A_16 {dimension_numbers = #tpu.dot_dimension_numbers<[1], [0], [0], [1], [0, 0, 1, 1], [], []>, transpose_lhs_hint = false} : vector<1024x64xf32>, vector<64x512xf32>, vector<1024x512xf32> -> vector<1024x512xf32>
    %add3A = arith.addf %dot_general3A_7, %dot_general3A_17 : vector<1024x512xf32>
    %get3A_18 = arith.constant 0 : index
    %get3A_19 = arith.constant 0 : index
    %get3A_20 = arith.constant 0 : index
    %get3A_21 = vector.load %arg3[%get3A_18, %get3A_19, %get3A_20] : memref<1x1024x64xf32, #tpu.memory_space<vmem>>, vector<1x1024x64xf32>
    %get3A_22 = vector.shape_cast %get3A_21 : vector<1x1024x64xf32> to vector<1024x64xf32>
    %get3A_23 = arith.constant 0 : index
    %get3A_24 = arith.constant 0 : index
    %get3A_25 = vector.load %arg6[%get3A_23, %get3A_24] : memref<64x512xf32, #tpu.memory_space<vmem>>, vector<64x512xf32>
    %dot_general3A_26 = arith.constant dense<0.000000e+00> : vector<1024x512xf32>
    %dot_general3A_27 = tpu.matmul %get3A_22, %get3A_25, %dot_general3A_26 {dimension_numbers = #tpu.dot_dimension_numbers<[1], [0], [0], [1], [0, 0, 1, 1], [], []>, transpose_lhs_hint = false} : vector<1024x64xf32>, vector<64x512xf32>, vector<1024x512xf32> -> vector<1024x512xf32>
    %add3A_28 = arith.addf %add3A, %dot_general3A_27 : vector<1024x512xf32>
    %get3A_29 = arith.constant 0 : index
    %get3A_30 = arith.constant 0 : index
    %get3A_31 = vector.load %arg7[%get3A_29, %get3A_30] : memref<1x512xf32, #tpu.memory_space<vmem>>, vector<1x512xf32>
    %get3A_32 = vector.shape_cast %get3A_31 : vector<1x512xf32> to vector<512xf32>
    %broadcast_in_dim3A = vector.shape_cast %get3A_32 : vector<512xf32> to vector<1x512xf32>
    %add3A_33 = vector.broadcast %broadcast_in_dim3A : vector<1x512xf32> to vector<1024x512xf32>
    %add3A_34 = arith.addf %add3A_28, %add3A_33 : vector<1024x512xf32>
    %jit3A = arith.constant 0.00999999977 : f32
    %ge3A = arith.constant 0.000000e+00 : f32
    %ge3A_35 = vector.broadcast %ge3A : f32 to vector<1024x512xf32>
    %ge3A_36 = arith.cmpf oge, %add3A_34, %ge3A_35 : vector<1024x512xf32>
    %mul3A = vector.broadcast %jit3A : f32 to vector<1024x512xf32>
    %mul3A_37 = arith.mulf %mul3A, %add3A_34 : vector<1024x512xf32>
    %select_n3A = arith.select %ge3A_36, %add3A_34, %mul3A_37 : vector<1024x512xi1>, vector<1024x512xf32>
    %get3A_38 = arith.constant 0 : index
    %get3A_39 = arith.constant 0 : index
    %get3A_40 = vector.load %arg8[%get3A_38, %get3A_39] : memref<512x256xf32, #tpu.memory_space<vmem>>, vector<512x256xf32>
    %dot_general3A_41 = arith.constant dense<0.000000e+00> : vector<1024x256xf32>
    %dot_general3A_42 = tpu.matmul %select_n3A, %get3A_40, %dot_general3A_41 {dimension_numbers = #tpu.dot_dimension_numbers<[1], [0], [0], [1], [0, 0, 1, 1], [], []>, transpose_lhs_hint = false} : vector<1024x512xf32>, vector<512x256xf32>, vector<1024x256xf32> -> vector<1024x256xf32>
    %get3A_43 = arith.constant 0 : index
    %get3A_44 = arith.constant 0 : index
    %get3A_45 = vector.load %arg9[%get3A_43, %get3A_44] : memref<1x256xf32, #tpu.memory_space<vmem>>, vector<1x256xf32>
    %get3A_46 = vector.shape_cast %get3A_45 : vector<1x256xf32> to vector<256xf32>
    %broadcast_in_dim3A_47 = vector.shape_cast %get3A_46 : vector<256xf32> to vector<1x256xf32>
    %add3A_48 = vector.broadcast %broadcast_in_dim3A_47 : vector<1x256xf32> to vector<1024x256xf32>
    %add3A_49 = arith.addf %dot_general3A_42, %add3A_48 : vector<1024x256xf32>
    %reduce_max3A = arith.constant dense<0xFF800000> : vector<256xf32>
    %reduce_max3A_50 = vector.multi_reduction <maximumf>, %add3A_49, %reduce_max3A [0] : vector<1024x256xf32> to vector<256xf32>
    %broadcast_in_dim3A_51 = vector.shape_cast %reduce_max3A_50 : vector<256xf32> to vector<1x256xf32>
    %jit3A_52 = arith.constant 0.00999999977 : f32
    %ge3A_53 = arith.constant 0.000000e+00 : f32
    %ge3A_54 = vector.broadcast %ge3A_53 : f32 to vector<1x256xf32>
    %ge3A_55 = arith.cmpf oge, %broadcast_in_dim3A_51, %ge3A_54 : vector<1x256xf32>
    %mul3A_56 = vector.broadcast %jit3A_52 : f32 to vector<1x256xf32>
    %mul3A_57 = arith.mulf %mul3A_56, %broadcast_in_dim3A_51 : vector<1x256xf32>
    %select_n3A_58 = arith.select %ge3A_55, %broadcast_in_dim3A_51, %mul3A_57 : vector<1x256xi1>, vector<1x256xf32>
    %get3A_59 = arith.constant 0 : index
    %get3A_60 = arith.constant 0 : index
    %get3A_61 = vector.load %arg10[%get3A_59, %get3A_60] : memref<256x128xf32, #tpu.memory_space<vmem>>, vector<256x128xf32>
    %dot_general3A_62 = arith.constant dense<0.000000e+00> : vector<1x128xf32>
    %dot_general3A_63 = tpu.matmul %select_n3A_58, %get3A_61, %dot_general3A_62 {dimension_numbers = #tpu.dot_dimension_numbers<[1], [0], [0], [1], [0, 0, 1, 1], [], []>, transpose_lhs_hint = false} : vector<1x256xf32>, vector<256x128xf32>, vector<1x128xf32> -> vector<1x128xf32>
    %get3A_64 = arith.constant 0 : index
    %get3A_65 = arith.constant 0 : index
    %get3A_66 = vector.load %arg11[%get3A_64, %get3A_65] : memref<1x128xf32, #tpu.memory_space<vmem>>, vector<1x128xf32>
    %get3A_67 = vector.shape_cast %get3A_66 : vector<1x128xf32> to vector<128xf32>
    %broadcast_in_dim3A_68 = vector.shape_cast %get3A_67 : vector<128xf32> to vector<1x128xf32>
    %add3A_69 = arith.addf %dot_general3A_63, %broadcast_in_dim3A_68 : vector<1x128xf32>
    %jit3A_70 = arith.constant 0.00999999977 : f32
    %ge3A_71 = arith.constant 0.000000e+00 : f32
    %ge3A_72 = vector.broadcast %ge3A_71 : f32 to vector<1x128xf32>
    %ge3A_73 = arith.cmpf oge, %add3A_69, %ge3A_72 : vector<1x128xf32>
    %mul3A_74 = vector.broadcast %jit3A_70 : f32 to vector<1x128xf32>
    %mul3A_75 = arith.mulf %mul3A_74, %add3A_69 : vector<1x128xf32>
    %select_n3A_76 = arith.select %ge3A_73, %add3A_69, %mul3A_75 : vector<1x128xi1>, vector<1x128xf32>
    %get3A_77 = arith.constant 0 : index
    %get3A_78 = arith.constant 0 : index
    %get3A_79 = vector.load %arg12[%get3A_77, %get3A_78] : memref<128x10xf32, #tpu.memory_space<vmem>>, vector<128x10xf32>
    %dot_general3A_80 = arith.constant dense<0.000000e+00> : vector<1x10xf32>
    %dot_general3A_81 = tpu.matmul %select_n3A_76, %get3A_79, %dot_general3A_80 {dimension_numbers = #tpu.dot_dimension_numbers<[1], [0], [0], [1], [0, 0, 1, 1], [], []>, transpose_lhs_hint = false} : vector<1x128xf32>, vector<128x10xf32>, vector<1x10xf32> -> vector<1x10xf32>
    %get3A_82 = arith.constant 0 : index
    %get3A_83 = arith.constant 0 : index
    %get3A_84 = vector.load %arg13[%get3A_82, %get3A_83] : memref<1x10xf32, #tpu.memory_space<vmem>>, vector<1x10xf32>
    %get3A_85 = vector.shape_cast %get3A_84 : vector<1x10xf32> to vector<10xf32>
    %broadcast_in_dim3A_86 = vector.shape_cast %get3A_85 : vector<10xf32> to vector<1x10xf32>
    %add3A_87 = arith.addf %dot_general3A_81, %broadcast_in_dim3A_86 : vector<1x10xf32>
    %swap3A = arith.constant 0 : index
    %swap3A_88 = arith.constant 0 : index
    %swap3A_89 = arith.constant 0 : index
    %swap3A_90 = vector.load %arg14[%swap3A, %swap3A_88, %swap3A_89] : memref<1x1x10xf32, #tpu.memory_space<vmem>>, vector<1x1x10xf32>
    %swap3A_91 = vector.shape_cast %swap3A_90 : vector<1x1x10xf32> to vector<1x10xf32>
    %swap3A_92 = vector.shape_cast %add3A_87 : vector<1x10xf32> to vector<1x1x10xf32>
    tpu.vector_store %arg14[%swap3A, %swap3A_88, %swap3A_89], %swap3A_92 {strides = array<i32>} : memref<1x1x10xf32, #tpu.memory_space<vmem>>, vector<1x1x10xf32>,
    return
  }
  func.func @transform_0(%arg0: i32) -> (i32, i32, i32) {
    %c0_i32 = arith.constant 0 : i32
    %c0_i32_0 = arith.constant 0 : i32
    %c0_i32_1 = arith.constant 0 : i32
    return %arg0, %c0_i32, %c0_i32_0 : i32, i32, i32
  }
  func.func @transform_1(%arg0: i32) -> (i32, i32, i32) {
    %c0_i32 = arith.constant 0 : i32
    %c0_i32_0 = arith.constant 0 : i32
    %c0_i32_1 = arith.constant 0 : i32
    return %arg0, %c0_i32, %c0_i32_0 : i32, i32, i32
  }
  func.func @transform_2(%arg0: i32) -> (i32, i32, i32) {
    %c0_i32 = arith.constant 0 : i32
    %c0_i32_0 = arith.constant 0 : i32
    %c0_i32_1 = arith.constant 0 : i32
    return %arg0, %c0_i32, %c0_i32_0 : i32, i32, i32
  }
  func.func @transform_3(%arg0: i32) -> (i32, i32) {
    %c0_i32 = arith.constant 0 : i32
    %c0_i32_0 = arith.constant 0 : i32
    %c0_i32_1 = arith.constant 0 : i32
    return %c0_i32, %c0_i32_0 : i32, i32
  }
  func.func @transform_4(%arg0: i32) -> (i32, i32) {
    %c0_i32 = arith.constant 0 : i32
    %c0_i32_0 = arith.constant 0 : i32
    %c0_i32_1 = arith.constant 0 : i32
    return %c0_i32, %c0_i32_0 : i32, i32
  }
  func.func @transform_5(%arg0: i32) -> (i32, i32) {
    %c0_i32 = arith.constant 0 : i32
    %c0_i32_0 = arith.constant 0 : i32
    %c0_i32_1 = arith.constant 0 : i32
    return %c0_i32, %c0_i32_0 : i32, i32
  }
  func.func @transform_6(%arg0: i32) -> (i32, i32) {
    %c0_i32 = arith.constant 0 : i32
    %c0_i32_0 = arith.constant 0 : i32
    %c0_i32_1 = arith.constant 0 : i32
    return %c0_i32, %c0_i32_0 : i32, i32
  }
  func.func @transform_7(%arg0: i32) -> (i32, i32) {
    %c0_i32 = arith.constant 0 : i32
    %c0_i32_0 = arith.constant 0 : i32
    %c0_i32_1 = arith.constant 0 : i32
    return %c0_i32, %c0_i32_0 : i32, i32
  }
  func.func @transform_8(%arg0: i32) -> (i32, i32) {
    %c0_i32 = arith.constant 0 : i32
    %c0_i32_0 = arith.constant 0 : i32
    %c0_i32_1 = arith.constant 0 : i32
    return %c0_i32, %c0_i32_0 : i32, i32
  }
  func.func @transform_9(%arg0: i32) -> (i32, i32) {
    %c0_i32 = arith.constant 0 : i32
    %c0_i32_0 = arith.constant 0 : i32
    %c0_i32_1 = arith.constant 0 : i32
    return %c0_i32, %c0_i32_0 : i32, i32
  }
  func.func @transform_10(%arg0: i32) -> (i32, i32) {
    %c0_i32 = arith.constant 0 : i32
    %c0_i32_0 = arith.constant 0 : i32
    %c0_i32_1 = arith.constant 0 : i32
    return %c0_i32, %c0_i32_0 : i32, i32
  }
  func.func @transform_11(%arg0: i32) -> (i32, i32) {
    %c0_i32 = arith.constant 0 : i32
    %c0_i32_0 = arith.constant 0 : i32
    %c0_i32_1 = arith.constant 0 : i32
    return %c0_i32, %c0_i32_0 : i32, i32
  }
  func.func @transform_12(%arg0: i32) -> (i32, i32) {
    %c0_i32 = arith.constant 0 : i32
    %c0_i32_0 = arith.constant 0 : i32
    %c0_i32_1 = arith.constant 0 : i32
    return %c0_i32, %c0_i32_0 : i32, i32
  }
  func.func @transform_13(%arg0: i32) -> (i32, i32, i32) {
    %c0_i32 = arith.constant 0 : i32
    %c0_i32_0 = arith.constant 0 : i32
    %c0_i32_1 = arith.constant 0 : i32
    return %arg0, %c0_i32, %c0_i32_0 : i32, i32, i32
  }
}

</mosaic_0001>

<sc_bundles>
// kernel: kernel.15.cloned.1.call-start
scs
__scs_entry_jumppad:
0x0: {  	(pc) =	sbr.rel $0x88, $3  }
0x1: {  	(tag) =	ssettag $0x0;
	lr =	simm.s32 $0x1  }
0x2: {  	[smem:$0x3F8F] =	sst lr;
	_ =	strace $0xD0000000  }
0x3: {  	_ = 	snop  }
0x4: {  	_ = 	snop  }
0x5: {  	_ = 	snop  }
0x6: {  	_ = 	snop  }
0x7: {  	_ = 	snop  }
__scs_overlays_trampoline_lowered:
0x8: {  	[smem:$0x3F9E] =	sst s0  }
0x9: {  	[smem:$0x3F9F] =	sst s1  }
0xa: {  	[smem:$0x3FA0] =	sst s2  }
0xb: {  	[smem:$0x3FA1] =	sst s3  }
0xc: {  	[smem:$0x3FA2] =	sst s4  }
0xd: {  	[smem:$0x3FA3] =	sst s5  }
0xe: {  	[smem:$0x3FA4] =	sst s6  }
0xf: {  	[smem:$0x3FA5] =	sst s7  }
0x10: {  	[smem:$0x3FA6] =	sst s8  }
0x11: {  	[smem:$0x3FA7] =	sst s9;
	s0 =	simm.s32 @!p0 $0x0  }
0x12: {  	s1 =	sld [smem:$0x3F8D];
	s0 =	simm.s32 @p0 $0x1  }
0x13: {  	[smem:$0x3FA8] =	sst s0;
	s0 =	simm.s32 @!p1 $0x0  }
0x14: {  	s2 =	sld [smem:$0x3F8C];
	s0 =	simm.s32 @p1 $0x1  }
0x15: {  	[smem:$0x3FA9] =	sst s0;
	s0 =	simm.s32 @!p2 $0x0  }
0x16: {  	s3 =	sld [smem:$0x3FDB];
	s0 =	simm.s32 @p2 $0x1  }
0x17: {  	s4 =	simm.s32 $0x1BF5;
	[smem:$0x3FAB] =	sst s0  }
0x18: {  	s0 =	sld [smem:$0x3F8E];
	_ =	swait.ge [sflag:s4], $0x0  }
0x19: {  	s7 =	sld [smem:$0x3F8F]  }
0x1a: {  	s8 =	sadd.s32 $0xFFFFE003, lr  }
0x1b: {  	s9 =	sadd.s32 $0xFFFFFEF7, lr;
	s5 =	simm.s32 $0xFFFFFFFF;
	p2 =	slt.u32 s8, $0xFFFFF086  }
0x1c: {  	p1 =	slt.u32 s9, $0xF7A;
	s5 =	simm.s32 @!p2 $0x0  }
0x1d: {  	s5 =	simm.s32 @p1 $0x1;
	p0 =	seq.s32 s7, s2  }
0x1e: {  	s7 =	smul.u32 @!p0 $0xF7A, s2;
	p2 =	seq.s32 @!p0 s5, $0x0  }
0x1f: {  	s9 =	smul.u32 $0xF7A, s1;
	s8 =	simm.s32 @!p0 $0x1BF5;
	p2 =	por !p2, p0  }
0x20: {  	[sflag:s8] =	ssyncset.s32 @!p0 $0xFFFFF086;
	s6 =	sadd.s32 @!p0 s3, s7;
	s7 =	simm.s32 @!p0 $0x108  }
0x21: {  	s3 =	sadd.s32 s3, s9;
	s6 =	sadd.s32 @!p0 $0x88, s6;
	s7 =	simm.s32 @p2 $0x1082  }
0x22: {  	[simem:s7], [sflag:s8] =	dma.local @!p0 [hbm:s6], $0xF7A  }
0x23: {  	s9 =	sor.u32 $0xD0000000, s2;
	s6 =	simm.s32 $0x108;
	_ =	swait.ge @!p0 [sflag:s8], $0x0  }
0x24: {  	s3 =	sadd.s32 $0x88, s3;
	s6 =	simm.s32 @!p1 $0x1082;
	[sflag:s4] =	ssyncset.s32 $0xFFFFF086  }
0x25: {  	[simem:s6], [sflag:s4] =	dma.local [hbm:s3], $0xF7A  }
0x26: {  	[smem:$0x3F8F] =	sst s1;
	(tag) =	ssettag s2;
	_ =	strace s9  }
0x27: {  	s1 =	sld [smem:$0x3F9F]  }
0x28: {  	s2 =	sld [smem:$0x3FA0]  }
0x29: {  	s4 =	sld [smem:$0x3FA2]  }
0x2a: {  	p0 =	seq.s32 s5, $0x0;
	s5 =	sld [smem:$0x3FA3]  }
0x2b: {  	s6 =	sld [smem:$0x3FA4]  }
0x2c: {  	s7 =	sld [smem:$0x3FA5]  }
0x2d: {  	s3 =	simm.s32 $0x108;
	s8 =	sld [smem:$0x3FA6]  }
0x2e: {  	s3 =	simm.s32 @!p0 $0x1082;
	s9 =	sld [smem:$0x3FA7]  }
0x2f: {  	lr =	sadd.s32 s0, s3;
	s0 =	sld [smem:$0x3F9E]  }
0x30: {  	s3 =	sld [smem:$0x3FA1]  }
0x31: {  	[smem:$0x3FAA] =	sst s10  }
0x32: {  	s10 =	sld [smem:$0x3FA8];
	_ =	sdelay $0x3  }
0x33: {  	p0 =	seq.s32 s10, $0x1;
	s10 =	sld [smem:$0x3FAA];
	_ =	sdelay $0x3  }
0x34: {  	[smem:$0x3FAA] =	sst s10  }
0x35: {  	s10 =	sld [smem:$0x3FA9];
	_ =	sdelay $0x3  }
0x36: {  	p1 =	seq.s32 s10, $0x1;
	s10 =	sld [smem:$0x3FAA];
	_ =	sdelay $0x3  }
0x37: {  	[smem:$0x3FAA] =	sst s10  }
0x38: {  	s10 =	sld [smem:$0x3FAB]  }
0x39: {  	_ = 	snop;
	(pc) =	sbr.ind lr, $3  }
0x3a: {  	_ = 	snop  }
0x3b: {  	_ = 	snop  }
0x3c: {  	p2 =	seq.s32 s10, $0x1;
	s10 =	sld [smem:$0x3FAA]  }
0x3d: {  	_ =	shalt  }
0x3e: {  	_ =	shalt  }
0x3f: {  	_ =	shalt  }
0x40: {  	_ =	shalt  }
0x41: {  	_ =	shalt  }
0x42: {  	_ =	shalt  }
0x43: {  	_ =	shalt  }
0x44: {  	_ =	shalt  }
0x45: {  	_ =	shalt  }
0x46: {  	_ =	shalt  }
0x47: {  	_ =	shalt  }
0x48: {  	_ =	shalt  }
0x49: {  	_ =	shalt  }
0x4a: {  	_ =	shalt  }
0x4b: {  	_ =	shalt  }
0x4c: {  	_ =	shalt  }
0x4d: {  	_ =	shalt  }
0x4e: {  	_ =	shalt  }
0x4f: {  	_ =	shalt  }
0x50: {  	_ =	shalt  }
0x51: {  	_ =	shalt  }
0x52: {  	_ =	shalt  }
0x53: {  	_ =	shalt  }
0x54: {  	_ =	shalt  }
0x55: {  	_ =	shalt  }
0x56: {  	_ =	shalt  }
0x57: {  	_ =	shalt  }
0x58: {  	_ =	shalt  }
0x59: {  	_ =	shalt  }
0x5a: {  	_ =	shalt  }
0x5b: {  	_ =	shalt  }
0x5c: {  	_ =	shalt  }
0x5d: {  	_ =	shalt  }
0x5e: {  	_ =	shalt  }
0x5f: {  	_ =	shalt  }
0x60: {  	_ =	shalt  }
0x61: {  	_ =	shalt  }
0x62: {  	_ =	shalt  }
0x63: {  	_ =	shalt  }
0x64: {  	_ =	shalt  }
0x65: {  	_ =	shalt  }
0x66: {  	_ =	shalt  }
0x67: {  	_ =	shalt  }
0x68: {  	_ =	shalt  }
0x69: {  	_ =	shalt  }
0x6a: {  	_ =	shalt  }
0x6b: {  	_ =	shalt  }
0x6c: {  	_ =	shalt  }
0x6d: {  	_ =	shalt  }
0x6e: {  	_ =	shalt  }
0x6f: {  	_ =	shalt  }
0x70: {  	_ =	shalt  }
0x71: {  	_ =	shalt  }
0x72: {  	_ =	shalt  }
0x73: {  	_ =	shalt  }
0x74: {  	_ =	shalt  }
0x75: {  	_ =	shalt  }
0x76: {  	_ =	shalt  }
0x77: {  	_ =	shalt  }
0x78: {  	_ =	shalt  }
0x79: {  	_ =	shalt  }
0x7a: {  	_ =	shalt  }
0x7b: {  	_ =	shalt  }
0x7c: {  	_ =	shalt  }
0x7d: {  	_ =	shalt  }
0x7e: {  	_ =	shalt  }
0x7f: {  	_ =	shalt  }
0x80: {  	_ =	shalt  }
0x81: {  	_ =	shalt  }
0x82: {  	_ =	shalt  }
0x83: {  	_ =	shalt  }
0x84: {  	_ =	shalt  }
0x85: {  	_ =	shalt  }
0x86: {  	_ =	shalt  }
0x87: {  	_ =	shalt  }
.Lfunc_end0:
.L_simem_size_0:
called_computation_lowered:
.L_overlay_start_0:
0x88: {  	s2 =	sld [smem:$0x3FD9]  }
0x89: {  	s3 =	sld [smem:$0x3FFE];
	_ =	sdelay $0x1  }
0x8a: {  	s1 =	srdreg.scid  }
0x8b: {  	s0 =	sand.u32 $0x1, s1  }
0x8c: {  	s17 =	sshll.u32 s0, $0xA;
	s2 =	sadd.s32 s3, s2  }
0x8d: {  	s2 =	sadd.s32 s2, s17  }
0x8e: {  	[smem:$0x3FB6] =	sst s2  }
0x8f: {  	_ = 	snop  }
0x90: {  	(tm) =	ssettm $0x1  }
0x91: {  	s18 =	sld [smem:$0x3FFB];
	_ =	sdelay $0x3  }
0x92: {  	_ =	strace s18  }
0x93: {  	s2 =	sld [smem:$0x3FFC];
	_ =	sdelay $0x3  }
0x94: {  	_ =	strace s2  }
0x95: {  	s2 =	sld [smem:$0x3FFD];
	_ =	sdelay $0x3  }
0x96: {  	_ =	strace s2  }
0x97: {  	_ =	strace $0x8FFFFFFF  }
0x98: {  	s19 =	sld [smem:$0x3FDB];
	_ =	sdelay $0x1  }
0x99: {  	s20 =	simm.s32 $_scs_section_size  }
0x9a: {  	s4 =	simm.s32 $_size__tile_overlayer_lowered;
	s5 =	simm.s32 $_tile_overlayer_lowered  }
0x9b: {  	s6 =	simm.s32 $0x1BFF;
	s21 =	sshll.u32 s5, $0x1;
	s3 =	sadd.s32 s20, s19  }
0x9c: {  	s22 =	simm.s32 $0x0;
	s4 =	sshll.u32 s4, $0x1;
	s5 =	sadd.s32 s21, s3  }
0x9d: {  	[timem:s22], [sflag:s6] =	dma.local [hbm:s5], s4  }
0x9e: {  	_ =	swait.ge [sflag:s6], s4  }
0x9f: {  	s4 =	ssub.s32 $0x0, s4;
	[sflag:s6] =	ssyncset.done $0x0  }
0xa0: {  	[sflag:s6] =	ssyncadd.s32 s4;
	_ =	sdelay $0x1  }
0xa1: {  	s23 =	simm.s32 $0x1B8B  }
0xa2: {  	_ =	swait.ge [sflag:s23], $0x1  }
0xa3: {  	[sflag:s23] =	ssyncset.done $0x0  }
0xa4: {  	[sflag:s23] =	ssyncadd.s32 $0xFFFFFFFF  }
0xa5: {  	s4 =	sld [smem:$0x0]  }
0xa6: {  	s5 =	sand.u32 $0xFFFFFFFE, s1  }
0xa7: {  	p0 =	sne.s32 s1, s5  }
0xa8: {  	s5 =	sshll.u32 @p0 s5, $0xE  }
0xa9: {  	s5 =	sadd.s32 @p0 $0x11B8D, s5;
	s6 =	sshll.u32 @p0 s4, $0x11  }
0xaa: {  	s5 =	sor.u32 @p0 s6, s5  }
0xab: {  	[sflag:s5] =	ssyncadd.remote.s32 @p0 $0x1;
	_ =	sdelay $0x1  }
0xac: {  	s5 =	simm.s32 @p0 $0x1B8D  }
0xad: {  	_ =	swait.eq @p0 [sflag:s5], $0x1  }
0xae: {  	[sflag:s5] =	ssyncadd.s32 @p0 $0xFFFFFFFF  }
0xaf: {  	s6 =	sshll.u32 @!p0 s1, $0xE  }
0xb0: {  	s6 =	sor.u32 @!p0 $0x4000, s6;
	s5 =	simm.s32 @!p0 $0x1B8D  }
0xb1: {  	s4 =	sshll.u32 @!p0 s4, $0x11;
	s6 =	sadd.s32 @!p0 $0x11B8D, s6;
	_ =	swait.eq @!p0 [sflag:s5], $0x1  }
0xb2: {  	s4 =	sor.u32 @!p0 s4, s6;
	[sflag:s5] =	ssyncadd.s32 @!p0 $0xFFFFFFFF  }
0xb3: {  	s25 =	simm.s32 $0x1B8E;
	s24 =	sld [smem:$0x3FFE];
	[sflag:s4] =	ssyncadd.remote.s32 @!p0 $0x1  }
0xb4: {  	s26 =	simm.s32 $execute0_lowered;
	[smem:$0x3FD2] =	sst s25  }
0xb5: {  	s5 =	sshll.u32 s26, $0x1;
	_ =	strace $0x80000049;
	[dreg:$0x1] =	wrdreg $0xFFFFFFFF  }
0xb6: {  	s28 =	simm.s32 $_size_execute0_lowered;
	s3 =	sadd.s32 s3, s5;
	[dreg:$0x0] =	wrdreg $0x0  }
0xb7: {  	s5 =	sshll.u32 s28, $0x1;
	[dreg:$0x2] =	wrdreg s3  }
0xb8: {  	[dreg:$0x3] =	wrdreg s5  }
0xb9: {  	[dreg:$0x4] =	wrdreg $0xC0  }
0xba: {  	_ =	task [dreg:s22], $0x5FFFF  }
0xbb: {  	[dreg:$0x1] =	wrdreg $0xFFFFFFFF  }
0xbc: {  	[dreg:$0x0] =	wrdreg $0x60  }
0xbd: {  	[dreg:$0x2] =	wrdreg s24  }
0xbe: {  	[dreg:$0x3] =	wrdreg $0x9  }
0xbf: {  	_ =	task.clear_ibuf [dreg:s22], $0x4FFFF;
	_ =	strace $0x90000049  }
0xc0: {  	s29 =	simm.s32 $0x9;
	_ =	strace $0x8000004B  }
0xc1: {  	_ =	swait.ge [sflag:s29], $0x1  }
0xc2: {  	[sflag:s29] =	ssyncadd.s32 $0xFFFFFFFF  }
0xc3: {  	_ =	strace $0x9000004B  }
0xc4: {  	_ =	sfence  }
0xc5: {  	s30 =	sld [smem:$0x0];
	_ =	sdelay $0x2  }
0xc6: {  	s31 =	sshll.u32 s1, $0xD;
	s1 =	sshrl.u32 s1, $0x2  }
0xc7: {  	s4 =	sand.u32 $0x4000, s31;
	s1 =	sadd.s32 s1, s30  }
0xc8: {  	s0 =	sor.u32 s4, s0;
	s1 =	sshll.u32 s1, $0x11  }
0xc9: {  	s0 =	sor.u32 s1, s0  }
0xca: {  	s0 =	sadd.s32 $0x8F2B, s0  }
0xcb: {  	[sflag:s0] =	ssyncadd.remote.s32 $0x1  }
0xcc: {  	_ =	sfence.sel $0xFFFF  }
0xcd: {  	[dreg:$0x0] =	wrdreg $0xFFFFFFFF;
	(pc) =	sbr.abs _section_cstart, $3  }
0xce: {  	[dreg:$0x1] =	wrdreg $0xFFFFFFFF  }
0xcf: {  	_ =	task.clear_ibuf [dreg:s22], $0x2FFFF;
	_ =	strace $0x9FFFFFFF  }
0xd0: {  	(tm) =	ssettm $0x7FFFFFFF  }
0xd1: {  	_ =	shalt  }
tec
execute0_lowered:
.L_overlay_start_1:
0x0: {  	(tag) =	ssettag $0x1  }
0x1: {  	s4 =	rddreg [dreg:$0x0]  }
0x2: {  	s0 =	rddreg [dreg:$0x1]  }
0x3: {  	s2 =	simm.s32 $0x0;
	s3 =	srdreg.scid;
	s1 =	stileid.u32  }
0x4: {  	s10 =	simm.s32 $0x6000;
	s11 =	simm.s32 $0xA000;
	s12 =	simm.s32 $0xE000  }
0x5: {  	s13 =	simm.s32 $0x1;
	s14 =	simm.s32 $0x2;
	s15 =	simm.s32 $0x0  }
0x6: {  	[smem:$0x7FF] =	sst s2;
	s5 =	sand.u32 $0x1, s3;
	s3 =	sadd.s32 $0x510A00, s4  }
0x7: {  	s6 =	sshll.u32 s1, $0xB;
	s30 =	sshll.u32 s1, $0x12;
	_ =	strace $0x8000004A  }
0x8: {  	s7 =	sshll.u32 s5, $0xA;
	s8 =	ssub.s32 $0x2, s5;
	s5 =	sshll.u32 s5, $0x11  }
0x9: {  	s6 =	sor.u32 s7, s6;
	s7 =	sadd.s32 s30, s4;
	s9 =	sshrl.u32 s8, $0x1  }
0xa: {  	s4 =	sadd.s32 s6, s4;
	s31 =	ssub.s32 s8, s9;
	s7 =	sadd.s32 s5, s7  }
0xb: {  	s8 =	simm.s32 $0x80;
	s9 =	simm.s32 $0x2000;
	s4 =	sadd.s32 $0x590A00, s4  }
0xc: {  	s5 =	smax.u32 s31, $0x1;
	s6 =	sadd.s32 $0x59A200, s7;
	s7 =	simm.s32 $0x3  }
.LBB2_1:
0xd: {  	[tilespmem:s2], [sflag:$0x3] =	stream.linear.gather [hbm4b:s4+s2], $0x2000, $0x38;
	[tilespmem:$0x12000] =	vst v63  }
0xe: {  	_ =	swait.ge [sflag:s7], $0x2000  }
0xf: {  	[sflag:s7] =	ssyncset.done $0x0  }
0x10: {  	s16 =	simm.s32 $0x0;
	[sflag:s7] =	ssyncadd.s32 $0xFFFFE000  }
0x11: {  	[tilespmem:s9], [sflag:$0x1] =	stream.indirect.gather [hbm4b:s3+s8], $0x80, s16, s8, $0xb8;
	[tilespmem:$0x12000] =	vst v63  }
0x12: {  	s25 =	simm.s32 $0x80  }
0x13: {  	[tilespmem:s10], [sflag:$0x1] =	stream.indirect.gather [hbm4b:s3+s8], $0x80, s25, s8, $0xb8;
	[tilespmem:$0x12000] =	vst v63  }
0x14: {  	s26 =	simm.s32 $0x100  }
0x15: {  	[tilespmem:s11], [sflag:$0x1] =	stream.indirect.gather [hbm4b:s3+s8], $0x80, s26, s8, $0xb8;
	[tilespmem:$0x12000] =	vst v63  }
0x16: {  	s28 =	simm.s32 $0x180  }
0x17: {  	[tilespmem:s12], [sflag:$0x1] =	stream.indirect.gather [hbm4b:s3+s8], $0x80, s28, s8, $0xb8;
	[tilespmem:$0x12000] =	vst v63  }
0x18: {  	_ =	swait.ge [sflag:s13], $0x4000  }
0x19: {  	[sflag:s13] =	ssyncset.done $0x0  }
0x1a: {  	[sflag:s13] =	ssyncadd.s32 $0xFFFFC000  }
0x1b: {  	_ =	swait.ge [sflag:s13], $0x4000  }
0x1c: {  	[sflag:s13] =	ssyncset.done $0x0  }
0x1d: {  	[sflag:s13] =	ssyncadd.s32 $0xFFFFC000  }
0x1e: {  	_ =	swait.ge [sflag:s13], $0x4000  }
0x1f: {  	[sflag:s13] =	ssyncset.done $0x0  }
0x20: {  	[sflag:s13] =	ssyncadd.s32 $0xFFFFC000  }
0x21: {  	_ =	swait.ge [sflag:s13], $0x4000  }
0x22: {  	[sflag:s13] =	ssyncset.done $0x0  }
0x23: {  	s29 =	sadd.s32 $0xFFFFE800, s6;
	[sflag:s13] =	ssyncadd.s32 $0xFFFFC000  }
0x24: {  	[hbm4b:s29+s2] =	stream.linear.scatter [tilespmem:s9], [sflag:$0x2], $0x4000, $0x38;
	[tilespmem:$0x12000] =	vst v63  }
0x25: {  	s30 =	sadd.s32 $0xFFFFF000, s6  }
0x26: {  	[hbm4b:s30+s2] =	stream.linear.scatter [tilespmem:s10], [sflag:$0x2], $0x4000, $0x38;
	[tilespmem:$0x12000] =	vst v63  }
0x27: {  	s31 =	sadd.s32 $0xFFFFF800, s6  }
0x28: {  	[hbm4b:s31+s2] =	stream.linear.scatter [tilespmem:s11], [sflag:$0x2], $0x4000, $0x38;
	[tilespmem:$0x12000] =	vst v63  }
0x29: {  	_ = 	snop  }
0x2a: {  	[hbm4b:s6+s2] =	stream.linear.scatter [tilespmem:s12], [sflag:$0x2], $0x4000, $0x38;
	[tilespmem:$0x12000] =	vst v63  }
0x2b: {  	_ =	swait.ge [sflag:s14], $0x4000  }
0x2c: {  	[sflag:s14] =	ssyncset.done $0x0  }
0x2d: {  	[sflag:s14] =	ssyncadd.s32 $0xFFFFC000  }
0x2e: {  	_ =	swait.ge [sflag:s14], $0x4000  }
0x2f: {  	[sflag:s14] =	ssyncset.done $0x0  }
0x30: {  	[sflag:s14] =	ssyncadd.s32 $0xFFFFC000  }
0x31: {  	_ =	swait.ge [sflag:s14], $0x4000  }
0x32: {  	[sflag:s14] =	ssyncset.done $0x0  }
0x33: {  	[sflag:s14] =	ssyncadd.s32 $0xFFFFC000  }
0x34: {  	s17 =	simm.s32 $0x800;
	_ =	swait.ge [sflag:s14], $0x4000  }
0x35: {  	s19 =	simm.s32 $0x1000;
	s16 =	sadd.s32 $0x2000, s6;
	[sflag:s14] =	ssyncset.done $0x0  }
.LBB2_2:
0x36: {  	s20 =	sshra.s32 s17, $0x2  }
0x37: {  	[sflag:s14] =	ssyncadd.s32 $0xFFFFC000;
	s17 =	smov.u32 s19;
	s18 =	sadd.s32 $0x800, s19  }
0x38: {  	[tilespmem:s9], [sflag:$0x1] =	stream.indirect.gather [hbm4b:s3+s8], $0x80, s20, s8, $0xb8;
	[tilespmem:$0x12000] =	vst v63  }
0x39: {  	p0 =	sne.s32 s19, $0x7800;
	s19 =	sadd.s32 $0x80, s20  }
0x3a: {  	[tilespmem:s10], [sflag:$0x1] =	stream.indirect.gather [hbm4b:s3+s8], $0x80, s19, s8, $0xb8;
	[tilespmem:$0x12000] =	vst v63  }
0x3b: {  	s19 =	sadd.s32 $0x100, s20  }
0x3c: {  	[tilespmem:s11], [sflag:$0x1] =	stream.indirect.gather [hbm4b:s3+s8], $0x80, s19, s8, $0xb8;
	[tilespmem:$0x12000] =	vst v63  }
0x3d: {  	s19 =	sadd.s32 $0x180, s20  }
0x3e: {  	[tilespmem:s12], [sflag:$0x1] =	stream.indirect.gather [hbm4b:s3+s8], $0x80, s19, s8, $0xb8;
	[tilespmem:$0x12000] =	vst v63  }
0x3f: {  	_ =	swait.ge [sflag:s13], $0x4000  }
0x40: {  	[sflag:s13] =	ssyncset.done $0x0  }
0x41: {  	[sflag:s13] =	ssyncadd.s32 $0xFFFFC000  }
0x42: {  	_ =	swait.ge [sflag:s13], $0x4000  }
0x43: {  	[sflag:s13] =	ssyncset.done $0x0  }
0x44: {  	[sflag:s13] =	ssyncadd.s32 $0xFFFFC000  }
0x45: {  	_ =	swait.ge [sflag:s13], $0x4000  }
0x46: {  	[sflag:s13] =	ssyncset.done $0x0  }
0x47: {  	[sflag:s13] =	ssyncadd.s32 $0xFFFFC000  }
0x48: {  	_ =	swait.ge [sflag:s13], $0x4000  }
0x49: {  	[sflag:s13] =	ssyncset.done $0x0  }
0x4a: {  	s19 =	sadd.s32 $0xFFFFE800, s16;
	[sflag:s13] =	ssyncadd.s32 $0xFFFFC000  }
0x4b: {  	[hbm4b:s19+s2] =	stream.linear.scatter [tilespmem:s9], [sflag:$0x2], $0x4000, $0x38;
	[tilespmem:$0x12000] =	vst v63  }
0x4c: {  	s19 =	sadd.s32 $0xFFFFF000, s16  }
0x4d: {  	[hbm4b:s19+s2] =	stream.linear.scatter [tilespmem:s10], [sflag:$0x2], $0x4000, $0x38;
	[tilespmem:$0x12000] =	vst v63  }
0x4e: {  	s19 =	sadd.s32 $0xFFFFF800, s16  }
0x4f: {  	[hbm4b:s19+s2] =	stream.linear.scatter [tilespmem:s11], [sflag:$0x2], $0x4000, $0x38;
	[tilespmem:$0x12000] =	vst v63  }
0x50: {  	_ = 	snop  }
0x51: {  	[hbm4b:s16+s2] =	stream.linear.scatter [tilespmem:s12], [sflag:$0x2], $0x4000, $0x38;
	[tilespmem:$0x12000] =	vst v63  }
0x52: {  	_ =	swait.ge [sflag:s14], $0x4000  }
0x53: {  	[sflag:s14] =	ssyncset.done $0x0  }
0x54: {  	[sflag:s14] =	ssyncadd.s32 $0xFFFFC000  }
0x55: {  	_ =	swait.ge [sflag:s14], $0x4000  }
0x56: {  	[sflag:s14] =	ssyncset.done $0x0  }
0x57: {  	[sflag:s14] =	ssyncadd.s32 $0xFFFFC000  }
.Ltmp0:
0x58: {  	_ =	swait.ge [sflag:s14], $0x4000;
	(pc) =	sbr.rel @p0 .LBB2_2-.Ltmp0, $4  }
0x59: {  	[sflag:s14] =	ssyncset.done $0x0  }
0x5a: {  	[sflag:s14] =	ssyncadd.s32 $0xFFFFC000  }
0x5b: {  	_ =	swait.ge [sflag:s14], $0x4000  }
0x5c: {  	s19 =	smov.u32 s18;
	s16 =	sadd.s32 $0x2000, s16;
	[sflag:s14] =	ssyncset.done $0x0  }
0x5d: {  	s17 =	sshra.s32 s17, $0x2;
	[sflag:s14] =	ssyncadd.s32 $0xFFFFC000  }
0x5e: {  	[tilespmem:s9], [sflag:$0x1] =	stream.indirect.gather [hbm4b:s3+s8], $0x80, s17, s8, $0xb8;
	[tilespmem:$0x12000] =	vst v63  }
0x5f: {  	s18 =	sadd.s32 $0x80, s17  }
0x60: {  	[tilespmem:s10], [sflag:$0x1] =	stream.indirect.gather [hbm4b:s3+s8], $0x80, s18, s8, $0xb8;
	[tilespmem:$0x12000] =	vst v63  }
0x61: {  	s28 =	sadd.s32 $0x100, s17  }
0x62: {  	[tilespmem:s11], [sflag:$0x1] =	stream.indirect.gather [hbm4b:s3+s8], $0x80, s28, s8, $0xb8;
	[tilespmem:$0x12000] =	vst v63  }
0x63: {  	s17 =	sadd.s32 $0x180, s17  }
0x64: {  	[tilespmem:s12], [sflag:$0x1] =	stream.indirect.gather [hbm4b:s3+s8], $0x80, s17, s8, $0xb8;
	[tilespmem:$0x12000] =	vst v63  }
0x65: {  	_ =	swait.ge [sflag:s13], $0x4000  }
0x66: {  	[sflag:s13] =	ssyncset.done $0x0  }
0x67: {  	[sflag:s13] =	ssyncadd.s32 $0xFFFFC000  }
0x68: {  	_ =	swait.ge [sflag:s13], $0x4000  }
0x69: {  	[sflag:s13] =	ssyncset.done $0x0  }
0x6a: {  	[sflag:s13] =	ssyncadd.s32 $0xFFFFC000  }
0x6b: {  	_ =	swait.ge [sflag:s13], $0x4000  }
0x6c: {  	[sflag:s13] =	ssyncset.done $0x0  }
0x6d: {  	[sflag:s13] =	ssyncadd.s32 $0xFFFFC000  }
0x6e: {  	_ =	swait.ge [sflag:s13], $0x4000  }
0x6f: {  	[sflag:s13] =	ssyncset.done $0x0  }
0x70: {  	s29 =	sadd.s32 $0xFFFFE800, s16;
	[sflag:s13] =	ssyncadd.s32 $0xFFFFC000  }
0x71: {  	[hbm4b:s29+s2] =	stream.linear.scatter [tilespmem:s9], [sflag:$0x2], $0x4000, $0x38;
	[tilespmem:$0x12000] =	vst v63  }
0x72: {  	s30 =	sadd.s32 $0xFFFFF000, s16  }
0x73: {  	[hbm4b:s30+s2] =	stream.linear.scatter [tilespmem:s10], [sflag:$0x2], $0x4000, $0x38;
	[tilespmem:$0x12000] =	vst v63  }
0x74: {  	s31 =	sadd.s32 $0xFFFFF800, s16  }
0x75: {  	[hbm4b:s31+s2] =	stream.linear.scatter [tilespmem:s11], [sflag:$0x2], $0x4000, $0x38;
	[tilespmem:$0x12000] =	vst v63  }
0x76: {  	_ = 	snop  }
0x77: {  	[hbm4b:s16+s2] =	stream.linear.scatter [tilespmem:s12], [sflag:$0x2], $0x4000, $0x38;
	[tilespmem:$0x12000] =	vst v63  }
0x78: {  	_ =	swait.ge [sflag:s14], $0x4000  }
0x79: {  	[sflag:s14] =	ssyncset.done $0x0  }
0x7a: {  	[sflag:s14] =	ssyncadd.s32 $0xFFFFC000  }
0x7b: {  	_ =	swait.ge [sflag:s14], $0x4000  }
0x7c: {  	[sflag:s14] =	ssyncset.done $0x0  }
0x7d: {  	s15 =	sadd.s32 $0x1, s15;
	[sflag:s14] =	ssyncadd.s32 $0xFFFFC000  }
0x7e: {  	p0 =	sne.s32 s15, s5;
	_ =	swait.ge [sflag:s14], $0x4000  }
.Ltmp1:
0x7f: {  	[sflag:s14] =	ssyncset.done $0x0;
	(pc) =	sbr.rel @p0 .LBB2_1-.Ltmp1, $4  }
0x80: {  	[sflag:s14] =	ssyncadd.s32 $0xFFFFC000  }
0x81: {  	_ =	swait.ge [sflag:s14], $0x4000  }
0x82: {  	[sflag:s14] =	ssyncset.done $0x0  }
0x83: {  	[sflag:s14] =	ssyncadd.s32 $0xFFFFC000  }
0x84: {  	_ =	sfence.sel $0x180000  }
0x85: {  	[bflag:$0x0] =	sbarrier.arrive $0xFFFF  }
0x86: {  	p0 =	sne.s32 s1, $0x0;
	_ =	strace $0x9000004A  }
0x87: {  	s0 =	sadd.s32 @!p0 $0x100000, s0;
	[bflag:$0x2] =	sbarrier.arrive $0xFFFF  }
0x88: {  	[sflag:s0] =	ssyncadd.tile.s32 @!p0 $0x1;
	_ =	shalt  }
.Lfunc_end2:
_tile_overlayer_lowered:
.L_overlay_start_2:
0x89: {  	(tag) =	ssettag $0x2  }
0x8a: {  	s0 =	rddreg [dreg:$0x0];
	s2 =	stileid.u32  }
0x8b: {  	s1 =	rddreg [dreg:$0x1];
	p0 =	sne.s32 s2, $0x0  }
0x8c: {  	s3 =	rddreg [dreg:$0x2];
	[bflag:$0x3] =	sbarrier.arrive $0xFFFF;
	s2 =	simm.s32 @!p0 $0x1C03  }
0x8d: {  	[timem:s3], [sflag:s2] =	dma.local @!p0 [hbm:s0], s1  }
0x8e: {  	s0 =	simm.s32 @!p0 $0x3  }
0x8f: {  	_ =	swait.ge @!p0 [sflag:s0], s1  }
0x90: {  	s1 =	ssub.s32 @!p0 $0x0, s1;
	[sflag:s0] =	ssyncset.done @!p0 $0x0  }
0x91: {  	[sflag:s0] =	ssyncadd.s32 @!p0 s1  }
0x92: {  	[bflag:$0x3] =	sbarrier.arrive $0xFFFF  }
0x93: {  	_ =	shalt  }

// kernel: kernel.18.cloned.1.call-start
scs
__scs_entry_jumppad:
0x0: {  	(pc) =	sbr.rel $0x88, $3  }
0x1: {  	(tag) =	ssettag $0x0;
	lr =	simm.s32 $0x1  }
0x2: {  	[smem:$0x3F8F] =	sst lr;
	_ =	strace $0xD0000000  }
0x3: {  	_ = 	snop  }
0x4: {  	_ = 	snop  }
0x5: {  	_ = 	snop  }
0x6: {  	_ = 	snop  }
0x7: {  	_ = 	snop  }
__scs_overlays_trampoline_lowered:
0x8: {  	[smem:$0x3F9E] =	sst s0  }
0x9: {  	[smem:$0x3F9F] =	sst s1  }
0xa: {  	[smem:$0x3FA0] =	sst s2  }
0xb: {  	[smem:$0x3FA1] =	sst s3  }
0xc: {  	[smem:$0x3FA2] =	sst s4  }
0xd: {  	[smem:$0x3FA3] =	sst s5  }
0xe: {  	[smem:$0x3FA4] =	sst s6  }
0xf: {  	[smem:$0x3FA5] =	sst s7  }
0x10: {  	[smem:$0x3FA6] =	sst s8  }
0x11: {  	[smem:$0x3FA7] =	sst s9;
	s0 =	simm.s32 @!p0 $0x0  }
0x12: {  	s1 =	sld [smem:$0x3F8D];
	s0 =	simm.s32 @p0 $0x1  }
0x13: {  	[smem:$0x3FA8] =	sst s0;
	s0 =	simm.s32 @!p1 $0x0  }
0x14: {  	s2 =	sld [smem:$0x3F8C];
	s0 =	simm.s32 @p1 $0x1  }
0x15: {  	[smem:$0x3FA9] =	sst s0;
	s0 =	simm.s32 @!p2 $0x0  }
0x16: {  	s3 =	sld [smem:$0x3FDB];
	s0 =	simm.s32 @p2 $0x1  }
0x17: {  	s4 =	simm.s32 $0x1BF5;
	[smem:$0x3FAB] =	sst s0  }
0x18: {  	s0 =	sld [smem:$0x3F8E];
	_ =	swait.ge [sflag:s4], $0x0  }
0x19: {  	s7 =	sld [smem:$0x3F8F]  }
0x1a: {  	s8 =	sadd.s32 $0xFFFFE003, lr  }
0x1b: {  	s9 =	sadd.s32 $0xFFFFFEF7, lr;
	s5 =	simm.s32 $0xFFFFFFFF;
	p2 =	slt.u32 s8, $0xFFFFF086  }
0x1c: {  	p1 =	slt.u32 s9, $0xF7A;
	s5 =	simm.s32 @!p2 $0x0  }
0x1d: {  	s5 =	simm.s32 @p1 $0x1;
	p0 =	seq.s32 s7, s2  }
0x1e: {  	s7 =	smul.u32 @!p0 $0xF7A, s2;
	p2 =	seq.s32 @!p0 s5, $0x0  }
0x1f: {  	s9 =	smul.u32 $0xF7A, s1;
	s8 =	simm.s32 @!p0 $0x1BF5;
	p2 =	por !p2, p0  }
0x20: {  	[sflag:s8] =	ssyncset.s32 @!p0 $0xFFFFF086;
	s6 =	sadd.s32 @!p0 s3, s7;
	s7 =	simm.s32 @!p0 $0x108  }
0x21: {  	s3 =	sadd.s32 s3, s9;
	s6 =	sadd.s32 @!p0 $0x88, s6;
	s7 =	simm.s32 @p2 $0x1082  }
0x22: {  	[simem:s7], [sflag:s8] =	dma.local @!p0 [hbm:s6], $0xF7A  }
0x23: {  	s9 =	sor.u32 $0xD0000000, s2;
	s6 =	simm.s32 $0x108;
	_ =	swait.ge @!p0 [sflag:s8], $0x0  }
0x24: {  	s3 =	sadd.s32 $0x88, s3;
	s6 =	simm.s32 @!p1 $0x1082;
	[sflag:s4] =	ssyncset.s32 $0xFFFFF086  }
0x25: {  	[simem:s6], [sflag:s4] =	dma.local [hbm:s3], $0xF7A  }
0x26: {  	[smem:$0x3F8F] =	sst s1;
	(tag) =	ssettag s2;
	_ =	strace s9  }
0x27: {  	s1 =	sld [smem:$0x3F9F]  }
0x28: {  	s2 =	sld [smem:$0x3FA0]  }
0x29: {  	s4 =	sld [smem:$0x3FA2]  }
0x2a: {  	p0 =	seq.s32 s5, $0x0;
	s5 =	sld [smem:$0x3FA3]  }
0x2b: {  	s6 =	sld [smem:$0x3FA4]  }
0x2c: {  	s7 =	sld [smem:$0x3FA5]  }
0x2d: {  	s3 =	simm.s32 $0x108;
	s8 =	sld [smem:$0x3FA6]  }
0x2e: {  	s3 =	simm.s32 @!p0 $0x1082;
	s9 =	sld [smem:$0x3FA7]  }
0x2f: {  	lr =	sadd.s32 s0, s3;
	s0 =	sld [smem:$0x3F9E]  }
0x30: {  	s3 =	sld [smem:$0x3FA1]  }
0x31: {  	[smem:$0x3FAA] =	sst s10  }
0x32: {  	s10 =	sld [smem:$0x3FA8];
	_ =	sdelay $0x3  }
0x33: {  	p0 =	seq.s32 s10, $0x1;
	s10 =	sld [smem:$0x3FAA];
	_ =	sdelay $0x3  }
0x34: {  	[smem:$0x3FAA] =	sst s10  }
0x35: {  	s10 =	sld [smem:$0x3FA9];
	_ =	sdelay $0x3  }
0x36: {  	p1 =	seq.s32 s10, $0x1;
	s10 =	sld [smem:$0x3FAA];
	_ =	sdelay $0x3  }
0x37: {  	[smem:$0x3FAA] =	sst s10  }
0x38: {  	s10 =	sld [smem:$0x3FAB]  }
0x39: {  	_ = 	snop;
	(pc) =	sbr.ind lr, $3  }
0x3a: {  	_ = 	snop  }
0x3b: {  	_ = 	snop  }
0x3c: {  	p2 =	seq.s32 s10, $0x1;
	s10 =	sld [smem:$0x3FAA]  }
0x3d: {  	_ =	shalt  }
0x3e: {  	_ =	shalt  }
0x3f: {  	_ =	shalt  }
0x40: {  	_ =	shalt  }
0x41: {  	_ =	shalt  }
0x42: {  	_ =	shalt  }
0x43: {  	_ =	shalt  }
0x44: {  	_ =	shalt  }
0x45: {  	_ =	shalt  }
0x46: {  	_ =	shalt  }
0x47: {  	_ =	shalt  }
0x48: {  	_ =	shalt  }
0x49: {  	_ =	shalt  }
0x4a: {  	_ =	shalt  }
0x4b: {  	_ =	shalt  }
0x4c: {  	_ =	shalt  }
0x4d: {  	_ =	shalt  }
0x4e: {  	_ =	shalt  }
0x4f: {  	_ =	shalt  }
0x50: {  	_ =	shalt  }
0x51: {  	_ =	shalt  }
0x52: {  	_ =	shalt  }
0x53: {  	_ =	shalt  }
0x54: {  	_ =	shalt  }
0x55: {  	_ =	shalt  }
0x56: {  	_ =	shalt  }
0x57: {  	_ =	shalt  }
0x58: {  	_ =	shalt  }
0x59: {  	_ =	shalt  }
0x5a: {  	_ =	shalt  }
0x5b: {  	_ =	shalt  }
0x5c: {  	_ =	shalt  }
0x5d: {  	_ =	shalt  }
0x5e: {  	_ =	shalt  }
0x5f: {  	_ =	shalt  }
0x60: {  	_ =	shalt  }
0x61: {  	_ =	shalt  }
0x62: {  	_ =	shalt  }
0x63: {  	_ =	shalt  }
0x64: {  	_ =	shalt  }
0x65: {  	_ =	shalt  }
0x66: {  	_ =	shalt  }
0x67: {  	_ =	shalt  }
0x68: {  	_ =	shalt  }
0x69: {  	_ =	shalt  }
0x6a: {  	_ =	shalt  }
0x6b: {  	_ =	shalt  }
0x6c: {  	_ =	shalt  }
0x6d: {  	_ =	shalt  }
0x6e: {  	_ =	shalt  }
0x6f: {  	_ =	shalt  }
0x70: {  	_ =	shalt  }
0x71: {  	_ =	shalt  }
0x72: {  	_ =	shalt  }
0x73: {  	_ =	shalt  }
0x74: {  	_ =	shalt  }
0x75: {  	_ =	shalt  }
0x76: {  	_ =	shalt  }
0x77: {  	_ =	shalt  }
0x78: {  	_ =	shalt  }
0x79: {  	_ =	shalt  }
0x7a: {  	_ =	shalt  }
0x7b: {  	_ =	shalt  }
0x7c: {  	_ =	shalt  }
0x7d: {  	_ =	shalt  }
0x7e: {  	_ =	shalt  }
0x7f: {  	_ =	shalt  }
0x80: {  	_ =	shalt  }
0x81: {  	_ =	shalt  }
0x82: {  	_ =	shalt  }
0x83: {  	_ =	shalt  }
0x84: {  	_ =	shalt  }
0x85: {  	_ =	shalt  }
0x86: {  	_ =	shalt  }
0x87: {  	_ =	shalt  }
.Lfunc_end0:
.L_simem_size_0:
called_computation.1_lowered:
.L_overlay_start_0:
0x88: {  	s2 =	sld [smem:$0x3FD9]  }
0x89: {  	s3 =	sld [smem:$0x3FFE];
	_ =	sdelay $0x1  }
0x8a: {  	s1 =	srdreg.scid  }
0x8b: {  	s0 =	sand.u32 $0x1, s1  }
0x8c: {  	s16 =	sshll.u32 s0, $0xA;
	s2 =	sadd.s32 s3, s2  }
0x8d: {  	s2 =	sadd.s32 s2, s16  }
0x8e: {  	[smem:$0x3FB6] =	sst s2  }
0x8f: {  	_ = 	snop  }
0x90: {  	(tm) =	ssettm $0x1  }
0x91: {  	s17 =	sld [smem:$0x3FFB];
	_ =	sdelay $0x3  }
0x92: {  	_ =	strace s17  }
0x93: {  	s2 =	sld [smem:$0x3FFC];
	_ =	sdelay $0x3  }
0x94: {  	_ =	strace s2  }
0x95: {  	s2 =	sld [smem:$0x3FFD];
	_ =	sdelay $0x3  }
0x96: {  	_ =	strace s2  }
0x97: {  	_ =	strace $0x8FFFFFFF  }
0x98: {  	s18 =	sld [smem:$0x3FDB];
	_ =	sdelay $0x1  }
0x99: {  	s19 =	simm.s32 $_scs_section_size  }
0x9a: {  	s4 =	simm.s32 $_size__tile_overlayer_lowered;
	s5 =	simm.s32 $_tile_overlayer_lowered  }
0x9b: {  	s22 =	simm.s32 $0x1BFF;
	s21 =	sshll.u32 s5, $0x1;
	s2 =	sadd.s32 s19, s18  }
0x9c: {  	s6 =	simm.s32 $0x0;
	s20 =	sshll.u32 s4, $0x1;
	s4 =	sadd.s32 s21, s2  }
0x9d: {  	[timem:s6], [sflag:s22] =	dma.local [hbm:s4], s20  }
0x9e: {  	_ =	swait.ge [sflag:s22], s20  }
0x9f: {  	s3 =	ssub.s32 $0x0, s20;
	[sflag:s22] =	ssyncset.done $0x0  }
0xa0: {  	[sflag:s22] =	ssyncadd.s32 s3;
	_ =	sdelay $0x1  }
0xa1: {  	s23 =	simm.s32 $0x1B8B  }
0xa2: {  	_ =	swait.ge [sflag:s23], $0x1  }
0xa3: {  	[sflag:s23] =	ssyncset.done $0x0  }
0xa4: {  	s25 =	simm.s32 $0x1B8E;
	s24 =	sld [smem:$0x3FFE];
	[sflag:s23] =	ssyncadd.s32 $0xFFFFFFFF  }
0xa5: {  	s26 =	simm.s32 $execute0_lowered;
	[smem:$0x3FD2] =	sst s25  }
0xa6: {  	s4 =	sshll.u32 s26, $0x1;
	_ =	strace $0x80000046;
	[dreg:$0x1] =	wrdreg $0xFFFFFFFF  }
0xa7: {  	s28 =	simm.s32 $_size_execute0_lowered;
	s2 =	sadd.s32 s2, s4;
	[dreg:$0x0] =	wrdreg $0x0  }
0xa8: {  	s4 =	sshll.u32 s28, $0x1;
	[dreg:$0x2] =	wrdreg s2  }
0xa9: {  	[dreg:$0x3] =	wrdreg s4  }
0xaa: {  	[dreg:$0x4] =	wrdreg $0xC0  }
0xab: {  	_ =	task [dreg:s6], $0x5FFFF  }
0xac: {  	[dreg:$0x1] =	wrdreg $0xFFFFFFFF  }
0xad: {  	[dreg:$0x0] =	wrdreg $0x60  }
0xae: {  	[dreg:$0x2] =	wrdreg s24  }
0xaf: {  	[dreg:$0x3] =	wrdreg $0xA  }
0xb0: {  	_ =	task.clear_ibuf [dreg:s6], $0x4FFFF;
	_ =	strace $0x90000046  }
0xb1: {  	s29 =	simm.s32 $0xA;
	_ =	strace $0x80000048  }
0xb2: {  	_ =	swait.ge [sflag:s29], $0x1  }
0xb3: {  	[sflag:s29] =	ssyncadd.s32 $0xFFFFFFFF  }
0xb4: {  	_ =	strace $0x90000048  }
0xb5: {  	_ =	sfence  }
0xb6: {  	s30 =	sld [smem:$0x0];
	_ =	sdelay $0x2  }
0xb7: {  	s31 =	sshll.u32 s1, $0xD;
	s1 =	sshrl.u32 s1, $0x2  }
0xb8: {  	s3 =	sand.u32 $0x4000, s31;
	s1 =	sadd.s32 s1, s30  }
0xb9: {  	s0 =	sor.u32 s3, s0;
	s1 =	sshll.u32 s1, $0x11  }
0xba: {  	s0 =	sor.u32 s1, s0  }
0xbb: {  	s0 =	sadd.s32 $0x8F2B, s0  }
0xbc: {  	[sflag:s0] =	ssyncadd.remote.s32 $0x1  }
0xbd: {  	_ =	sfence.sel $0xFFFF  }
0xbe: {  	[dreg:$0x0] =	wrdreg $0xFFFFFFFF;
	(pc) =	sbr.abs _section_cstart, $3  }
0xbf: {  	[dreg:$0x1] =	wrdreg $0xFFFFFFFF  }
0xc0: {  	_ =	task.clear_ibuf [dreg:s6], $0x2FFFF;
	_ =	strace $0x9FFFFFFF  }
0xc1: {  	(tm) =	ssettm $0x7FFFFFFF  }
tec
execute0_lowered:
.L_overlay_start_1:
0x0: {  	(tag) =	ssettag $0x1  }
0x1: {  	s4 =	rddreg [dreg:$0x0]  }
0x2: {  	s0 =	rddreg [dreg:$0x1]  }
0x3: {  	s2 =	simm.s32 $0x0;
	s3 =	srdreg.scid;
	s1 =	stileid.u32  }
0x4: {  	s10 =	simm.s32 $0x6000;
	s11 =	simm.s32 $0xA000;
	s12 =	simm.s32 $0xE000  }
0x5: {  	s13 =	simm.s32 $0x1;
	s14 =	simm.s32 $0x2;
	s15 =	simm.s32 $0x0  }
0x6: {  	[smem:$0x7FF] =	sst s2;
	s5 =	sand.u32 $0x1, s3;
	s3 =	sadd.s32 $0x88800, s4  }
0x7: {  	s6 =	sshll.u32 s1, $0xB;
	s30 =	sshll.u32 s1, $0x12;
	_ =	strace $0x80000047  }
0x8: {  	s7 =	sshll.u32 s5, $0xA;
	s8 =	ssub.s32 $0x2, s5;
	s5 =	sshll.u32 s5, $0x11  }
0x9: {  	s6 =	sor.u32 s7, s6;
	s7 =	sadd.s32 s30, s4;
	s9 =	sshrl.u32 s8, $0x1  }
0xa: {  	s4 =	sadd.s32 s6, s4;
	s31 =	ssub.s32 s8, s9;
	s7 =	sadd.s32 s5, s7  }
0xb: {  	s8 =	simm.s32 $0x80;
	s9 =	simm.s32 $0x2000;
	s4 =	sadd.s32 $0x108A00, s4  }
0xc: {  	s5 =	smax.u32 s31, $0x1;
	s6 =	sadd.s32 $0x112200, s7;
	s7 =	simm.s32 $0x3  }
.LBB2_1:
0xd: {  	[tilespmem:s2], [sflag:$0x3] =	stream.linear.gather [hbm4b:s4+s2], $0x2000, $0x38;
	[tilespmem:$0x12000] =	vst v63  }
0xe: {  	_ =	swait.ge [sflag:s7], $0x2000  }
0xf: {  	[sflag:s7] =	ssyncset.done $0x0  }
0x10: {  	s16 =	simm.s32 $0x0;
	[sflag:s7] =	ssyncadd.s32 $0xFFFFE000  }
0x11: {  	[tilespmem:s9], [sflag:$0x1] =	stream.indirect.gather [hbm4b:s3+s8], $0x80, s16, s8, $0xb8;
	[tilespmem:$0x12000] =	vst v63  }
0x12: {  	s25 =	simm.s32 $0x80  }
0x13: {  	[tilespmem:s10], [sflag:$0x1] =	stream.indirect.gather [hbm4b:s3+s8], $0x80, s25, s8, $0xb8;
	[tilespmem:$0x12000] =	vst v63  }
0x14: {  	s26 =	simm.s32 $0x100  }
0x15: {  	[tilespmem:s11], [sflag:$0x1] =	stream.indirect.gather [hbm4b:s3+s8], $0x80, s26, s8, $0xb8;
	[tilespmem:$0x12000] =	vst v63  }
0x16: {  	s28 =	simm.s32 $0x180  }
0x17: {  	[tilespmem:s12], [sflag:$0x1] =	stream.indirect.gather [hbm4b:s3+s8], $0x80, s28, s8, $0xb8;
	[tilespmem:$0x12000] =	vst v63  }
0x18: {  	_ =	swait.ge [sflag:s13], $0x4000  }
0x19: {  	[sflag:s13] =	ssyncset.done $0x0  }
0x1a: {  	[sflag:s13] =	ssyncadd.s32 $0xFFFFC000  }
0x1b: {  	_ =	swait.ge [sflag:s13], $0x4000  }
0x1c: {  	[sflag:s13] =	ssyncset.done $0x0  }
0x1d: {  	[sflag:s13] =	ssyncadd.s32 $0xFFFFC000  }
0x1e: {  	_ =	swait.ge [sflag:s13], $0x4000  }
0x1f: {  	[sflag:s13] =	ssyncset.done $0x0  }
0x20: {  	[sflag:s13] =	ssyncadd.s32 $0xFFFFC000  }
0x21: {  	_ =	swait.ge [sflag:s13], $0x4000  }
0x22: {  	[sflag:s13] =	ssyncset.done $0x0  }
0x23: {  	s29 =	sadd.s32 $0xFFFFE800, s6;
	[sflag:s13] =	ssyncadd.s32 $0xFFFFC000  }
0x24: {  	[hbm4b:s29+s2] =	stream.linear.scatter [tilespmem:s9], [sflag:$0x2], $0x4000, $0x38;
	[tilespmem:$0x12000] =	vst v63  }
0x25: {  	s30 =	sadd.s32 $0xFFFFF000, s6  }
0x26: {  	[hbm4b:s30+s2] =	stream.linear.scatter [tilespmem:s10], [sflag:$0x2], $0x4000, $0x38;
	[tilespmem:$0x12000] =	vst v63  }
0x27: {  	s31 =	sadd.s32 $0xFFFFF800, s6  }
0x28: {  	[hbm4b:s31+s2] =	stream.linear.scatter [tilespmem:s11], [sflag:$0x2], $0x4000, $0x38;
	[tilespmem:$0x12000] =	vst v63  }
0x29: {  	_ = 	snop  }
0x2a: {  	[hbm4b:s6+s2] =	stream.linear.scatter [tilespmem:s12], [sflag:$0x2], $0x4000, $0x38;
	[tilespmem:$0x12000] =	vst v63  }
0x2b: {  	_ =	swait.ge [sflag:s14], $0x4000  }
0x2c: {  	[sflag:s14] =	ssyncset.done $0x0  }
0x2d: {  	[sflag:s14] =	ssyncadd.s32 $0xFFFFC000  }
0x2e: {  	_ =	swait.ge [sflag:s14], $0x4000  }
0x2f: {  	[sflag:s14] =	ssyncset.done $0x0  }
0x30: {  	[sflag:s14] =	ssyncadd.s32 $0xFFFFC000  }
0x31: {  	_ =	swait.ge [sflag:s14], $0x4000  }
0x32: {  	[sflag:s14] =	ssyncset.done $0x0  }
0x33: {  	[sflag:s14] =	ssyncadd.s32 $0xFFFFC000  }
0x34: {  	s17 =	simm.s32 $0x800;
	_ =	swait.ge [sflag:s14], $0x4000  }
0x35: {  	s19 =	simm.s32 $0x1000;
	s16 =	sadd.s32 $0x2000, s6;
	[sflag:s14] =	ssyncset.done $0x0  }
.LBB2_2:
0x36: {  	s20 =	sshra.s32 s17, $0x2  }
0x37: {  	[sflag:s14] =	ssyncadd.s32 $0xFFFFC000;
	s17 =	smov.u32 s19;
	s18 =	sadd.s32 $0x800, s19  }
0x38: {  	[tilespmem:s9], [sflag:$0x1] =	stream.indirect.gather [hbm4b:s3+s8], $0x80, s20, s8, $0xb8;
	[tilespmem:$0x12000] =	vst v63  }
0x39: {  	p0 =	sne.s32 s19, $0x7800;
	s19 =	sadd.s32 $0x80, s20  }
0x3a: {  	[tilespmem:s10], [sflag:$0x1] =	stream.indirect.gather [hbm4b:s3+s8], $0x80, s19, s8, $0xb8;
	[tilespmem:$0x12000] =	vst v63  }
0x3b: {  	s19 =	sadd.s32 $0x100, s20  }
0x3c: {  	[tilespmem:s11], [sflag:$0x1] =	stream.indirect.gather [hbm4b:s3+s8], $0x80, s19, s8, $0xb8;
	[tilespmem:$0x12000] =	vst v63  }
0x3d: {  	s19 =	sadd.s32 $0x180, s20  }
0x3e: {  	[tilespmem:s12], [sflag:$0x1] =	stream.indirect.gather [hbm4b:s3+s8], $0x80, s19, s8, $0xb8;
	[tilespmem:$0x12000] =	vst v63  }
0x3f: {  	_ =	swait.ge [sflag:s13], $0x4000  }
0x40: {  	[sflag:s13] =	ssyncset.done $0x0  }
0x41: {  	[sflag:s13] =	ssyncadd.s32 $0xFFFFC000  }
0x42: {  	_ =	swait.ge [sflag:s13], $0x4000  }
0x43: {  	[sflag:s13] =	ssyncset.done $0x0  }
0x44: {  	[sflag:s13] =	ssyncadd.s32 $0xFFFFC000  }
0x45: {  	_ =	swait.ge [sflag:s13], $0x4000  }
0x46: {  	[sflag:s13] =	ssyncset.done $0x0  }
0x47: {  	[sflag:s13] =	ssyncadd.s32 $0xFFFFC000  }
0x48: {  	_ =	swait.ge [sflag:s13], $0x4000  }
0x49: {  	[sflag:s13] =	ssyncset.done $0x0  }
0x4a: {  	s19 =	sadd.s32 $0xFFFFE800, s16;
	[sflag:s13] =	ssyncadd.s32 $0xFFFFC000  }
0x4b: {  	[hbm4b:s19+s2] =	stream.linear.scatter [tilespmem:s9], [sflag:$0x2], $0x4000, $0x38;
	[tilespmem:$0x12000] =	vst v63  }
0x4c: {  	s19 =	sadd.s32 $0xFFFFF000, s16  }
0x4d: {  	[hbm4b:s19+s2] =	stream.linear.scatter [tilespmem:s10], [sflag:$0x2], $0x4000, $0x38;
	[tilespmem:$0x12000] =	vst v63  }
0x4e: {  	s19 =	sadd.s32 $0xFFFFF800, s16  }
0x4f: {  	[hbm4b:s19+s2] =	stream.linear.scatter [tilespmem:s11], [sflag:$0x2], $0x4000, $0x38;
	[tilespmem:$0x12000] =	vst v63  }
0x50: {  	_ = 	snop  }
0x51: {  	[hbm4b:s16+s2] =	stream.linear.scatter [tilespmem:s12], [sflag:$0x2], $0x4000, $0x38;
	[tilespmem:$0x12000] =	vst v63  }
0x52: {  	_ =	swait.ge [sflag:s14], $0x4000  }
0x53: {  	[sflag:s14] =	ssyncset.done $0x0  }
0x54: {  	[sflag:s14] =	ssyncadd.s32 $0xFFFFC000  }
0x55: {  	_ =	swait.ge [sflag:s14], $0x4000  }
0x56: {  	[sflag:s14] =	ssyncset.done $0x0  }
0x57: {  	[sflag:s14] =	ssyncadd.s32 $0xFFFFC000  }
.Ltmp0:
0x58: {  	_ =	swait.ge [sflag:s14], $0x4000;
	(pc) =	sbr.rel @p0 .LBB2_2-.Ltmp0, $4  }
0x59: {  	[sflag:s14] =	ssyncset.done $0x0  }
0x5a: {  	[sflag:s14] =	ssyncadd.s32 $0xFFFFC000  }
0x5b: {  	_ =	swait.ge [sflag:s14], $0x4000  }
0x5c: {  	s19 =	smov.u32 s18;
	s16 =	sadd.s32 $0x2000, s16;
	[sflag:s14] =	ssyncset.done $0x0  }
0x5d: {  	s17 =	sshra.s32 s17, $0x2;
	[sflag:s14] =	ssyncadd.s32 $0xFFFFC000  }
0x5e: {  	[tilespmem:s9], [sflag:$0x1] =	stream.indirect.gather [hbm4b:s3+s8], $0x80, s17, s8, $0xb8;
	[tilespmem:$0x12000] =	vst v63  }
0x5f: {  	s18 =	sadd.s32 $0x80, s17  }
0x60: {  	[tilespmem:s10], [sflag:$0x1] =	stream.indirect.gather [hbm4b:s3+s8], $0x80, s18, s8, $0xb8;
	[tilespmem:$0x12000] =	vst v63  }
0x61: {  	s28 =	sadd.s32 $0x100, s17  }
0x62: {  	[tilespmem:s11], [sflag:$0x1] =	stream.indirect.gather [hbm4b:s3+s8], $0x80, s28, s8, $0xb8;
	[tilespmem:$0x12000] =	vst v63  }
0x63: {  	s17 =	sadd.s32 $0x180, s17  }
0x64: {  	[tilespmem:s12], [sflag:$0x1] =	stream.indirect.gather [hbm4b:s3+s8], $0x80, s17, s8, $0xb8;
	[tilespmem:$0x12000] =	vst v63  }
0x65: {  	_ =	swait.ge [sflag:s13], $0x4000  }
0x66: {  	[sflag:s13] =	ssyncset.done $0x0  }
0x67: {  	[sflag:s13] =	ssyncadd.s32 $0xFFFFC000  }
0x68: {  	_ =	swait.ge [sflag:s13], $0x4000  }
0x69: {  	[sflag:s13] =	ssyncset.done $0x0  }
0x6a: {  	[sflag:s13] =	ssyncadd.s32 $0xFFFFC000  }
0x6b: {  	_ =	swait.ge [sflag:s13], $0x4000  }
0x6c: {  	[sflag:s13] =	ssyncset.done $0x0  }
0x6d: {  	[sflag:s13] =	ssyncadd.s32 $0xFFFFC000  }
0x6e: {  	_ =	swait.ge [sflag:s13], $0x4000  }
0x6f: {  	[sflag:s13] =	ssyncset.done $0x0  }
0x70: {  	s29 =	sadd.s32 $0xFFFFE800, s16;
	[sflag:s13] =	ssyncadd.s32 $0xFFFFC000  }
0x71: {  	[hbm4b:s29+s2] =	stream.linear.scatter [tilespmem:s9], [sflag:$0x2], $0x4000, $0x38;
	[tilespmem:$0x12000] =	vst v63  }
0x72: {  	s30 =	sadd.s32 $0xFFFFF000, s16  }
0x73: {  	[hbm4b:s30+s2] =	stream.linear.scatter [tilespmem:s10], [sflag:$0x2], $0x4000, $0x38;
	[tilespmem:$0x12000] =	vst v63  }
0x74: {  	s31 =	sadd.s32 $0xFFFFF800, s16  }
0x75: {  	[hbm4b:s31+s2] =	stream.linear.scatter [tilespmem:s11], [sflag:$0x2], $0x4000, $0x38;
	[tilespmem:$0x12000] =	vst v63  }
0x76: {  	_ = 	snop  }
0x77: {  	[hbm4b:s16+s2] =	stream.linear.scatter [tilespmem:s12], [sflag:$0x2], $0x4000, $0x38;
	[tilespmem:$0x12000] =	vst v63  }
0x78: {  	_ =	swait.ge [sflag:s14], $0x4000  }
0x79: {  	[sflag:s14] =	ssyncset.done $0x0  }
0x7a: {  	[sflag:s14] =	ssyncadd.s32 $0xFFFFC000  }
0x7b: {  	_ =	swait.ge [sflag:s14], $0x4000  }
0x7c: {  	[sflag:s14] =	ssyncset.done $0x0  }
0x7d: {  	s15 =	sadd.s32 $0x1, s15;
	[sflag:s14] =	ssyncadd.s32 $0xFFFFC000  }
0x7e: {  	p0 =	sne.s32 s15, s5;
	_ =	swait.ge [sflag:s14], $0x4000  }
.Ltmp1:
0x7f: {  	[sflag:s14] =	ssyncset.done $0x0;
	(pc) =	sbr.rel @p0 .LBB2_1-.Ltmp1, $4  }
0x80: {  	[sflag:s14] =	ssyncadd.s32 $0xFFFFC000  }
0x81: {  	_ =	swait.ge [sflag:s14], $0x4000  }
0x82: {  	[sflag:s14] =	ssyncset.done $0x0  }
0x83: {  	[sflag:s14] =	ssyncadd.s32 $0xFFFFC000  }
0x84: {  	_ =	sfence.sel $0x180000  }
0x85: {  	[bflag:$0x0] =	sbarrier.arrive $0xFFFF  }
0x86: {  	p0 =	sne.s32 s1, $0x0;
	_ =	strace $0x90000047  }
0x87: {  	s0 =	sadd.s32 @!p0 $0x100000, s0;
	[bflag:$0x2] =	sbarrier.arrive $0xFFFF  }
0x88: {  	[sflag:s0] =	ssyncadd.tile.s32 @!p0 $0x1;
	_ =	shalt  }
.Lfunc_end2:
_tile_overlayer_lowered:
.L_overlay_start_2:
0x89: {  	(tag) =	ssettag $0x2  }
0x8a: {  	s0 =	rddreg [dreg:$0x0];
	s2 =	stileid.u32  }
0x8b: {  	s1 =	rddreg [dreg:$0x1];
	p0 =	sne.s32 s2, $0x0  }
0x8c: {  	s3 =	rddreg [dreg:$0x2];
	[bflag:$0x3] =	sbarrier.arrive $0xFFFF;
	s2 =	simm.s32 @!p0 $0x1C03  }
0x8d: {  	[timem:s3], [sflag:s2] =	dma.local @!p0 [hbm:s0], s1  }
0x8e: {  	s0 =	simm.s32 @!p0 $0x3  }
0x8f: {  	_ =	swait.ge @!p0 [sflag:s0], s1  }
0x90: {  	s1 =	ssub.s32 @!p0 $0x0, s1;
	[sflag:s0] =	ssyncset.done @!p0 $0x0  }
0x91: {  	[sflag:s0] =	ssyncadd.s32 @!p0 s1  }
0x92: {  	[bflag:$0x3] =	sbarrier.arrive $0xFFFF  }
0x93: {  	_ =	shalt  }

// kernel: kernel.21.cloned.1.call-start
scs
__scs_entry_jumppad:
0x0: {  	(pc) =	sbr.rel $0x88, $3  }
0x1: {  	(tag) =	ssettag $0x0;
	lr =	simm.s32 $0x1  }
0x2: {  	[smem:$0x3F8F] =	sst lr;
	_ =	strace $0xD0000000  }
0x3: {  	_ = 	snop  }
0x4: {  	_ = 	snop  }
0x5: {  	_ = 	snop  }
0x6: {  	_ = 	snop  }
0x7: {  	_ = 	snop  }
__scs_overlays_trampoline_lowered:
0x8: {  	[smem:$0x3F9E] =	sst s0  }
0x9: {  	[smem:$0x3F9F] =	sst s1  }
0xa: {  	[smem:$0x3FA0] =	sst s2  }
0xb: {  	[smem:$0x3FA1] =	sst s3  }
0xc: {  	[smem:$0x3FA2] =	sst s4  }
0xd: {  	[smem:$0x3FA3] =	sst s5  }
0xe: {  	[smem:$0x3FA4] =	sst s6  }
0xf: {  	[smem:$0x3FA5] =	sst s7  }
0x10: {  	[smem:$0x3FA6] =	sst s8  }
0x11: {  	[smem:$0x3FA7] =	sst s9;
	s0 =	simm.s32 @!p0 $0x0  }
0x12: {  	s1 =	sld [smem:$0x3F8D];
	s0 =	simm.s32 @p0 $0x1  }
0x13: {  	[smem:$0x3FA8] =	sst s0;
	s0 =	simm.s32 @!p1 $0x0  }
0x14: {  	s2 =	sld [smem:$0x3F8C];
	s0 =	simm.s32 @p1 $0x1  }
0x15: {  	[smem:$0x3FA9] =	sst s0;
	s0 =	simm.s32 @!p2 $0x0  }
0x16: {  	s3 =	sld [smem:$0x3FDB];
	s0 =	simm.s32 @p2 $0x1  }
0x17: {  	s4 =	simm.s32 $0x1BF5;
	[smem:$0x3FAB] =	sst s0  }
0x18: {  	s0 =	sld [smem:$0x3F8E];
	_ =	swait.ge [sflag:s4], $0x0  }
0x19: {  	s7 =	sld [smem:$0x3F8F]  }
0x1a: {  	s8 =	sadd.s32 $0xFFFFE003, lr  }
0x1b: {  	s9 =	sadd.s32 $0xFFFFFEF7, lr;
	s5 =	simm.s32 $0xFFFFFFFF;
	p2 =	slt.u32 s8, $0xFFFFF086  }
0x1c: {  	p1 =	slt.u32 s9, $0xF7A;
	s5 =	simm.s32 @!p2 $0x0  }
0x1d: {  	s5 =	simm.s32 @p1 $0x1;
	p0 =	seq.s32 s7, s2  }
0x1e: {  	s7 =	smul.u32 @!p0 $0xF7A, s2;
	p2 =	seq.s32 @!p0 s5, $0x0  }
0x1f: {  	s9 =	smul.u32 $0xF7A, s1;
	s8 =	simm.s32 @!p0 $0x1BF5;
	p2 =	por !p2, p0  }
0x20: {  	[sflag:s8] =	ssyncset.s32 @!p0 $0xFFFFF086;
	s6 =	sadd.s32 @!p0 s3, s7;
	s7 =	simm.s32 @!p0 $0x108  }
0x21: {  	s3 =	sadd.s32 s3, s9;
	s6 =	sadd.s32 @!p0 $0x88, s6;
	s7 =	simm.s32 @p2 $0x1082  }
0x22: {  	[simem:s7], [sflag:s8] =	dma.local @!p0 [hbm:s6], $0xF7A  }
0x23: {  	s9 =	sor.u32 $0xD0000000, s2;
	s6 =	simm.s32 $0x108;
	_ =	swait.ge @!p0 [sflag:s8], $0x0  }
0x24: {  	s3 =	sadd.s32 $0x88, s3;
	s6 =	simm.s32 @!p1 $0x1082;
	[sflag:s4] =	ssyncset.s32 $0xFFFFF086  }
0x25: {  	[simem:s6], [sflag:s4] =	dma.local [hbm:s3], $0xF7A  }
0x26: {  	[smem:$0x3F8F] =	sst s1;
	(tag) =	ssettag s2;
	_ =	strace s9  }
0x27: {  	s1 =	sld [smem:$0x3F9F]  }
0x28: {  	s2 =	sld [smem:$0x3FA0]  }
0x29: {  	s4 =	sld [smem:$0x3FA2]  }
0x2a: {  	p0 =	seq.s32 s5, $0x0;
	s5 =	sld [smem:$0x3FA3]  }
0x2b: {  	s6 =	sld [smem:$0x3FA4]  }
0x2c: {  	s7 =	sld [smem:$0x3FA5]  }
0x2d: {  	s3 =	simm.s32 $0x108;
	s8 =	sld [smem:$0x3FA6]  }
0x2e: {  	s3 =	simm.s32 @!p0 $0x1082;
	s9 =	sld [smem:$0x3FA7]  }
0x2f: {  	lr =	sadd.s32 s0, s3;
	s0 =	sld [smem:$0x3F9E]  }
0x30: {  	s3 =	sld [smem:$0x3FA1]  }
0x31: {  	[smem:$0x3FAA] =	sst s10  }
0x32: {  	s10 =	sld [smem:$0x3FA8];
	_ =	sdelay $0x3  }
0x33: {  	p0 =	seq.s32 s10, $0x1;
	s10 =	sld [smem:$0x3FAA];
	_ =	sdelay $0x3  }
0x34: {  	[smem:$0x3FAA] =	sst s10  }
0x35: {  	s10 =	sld [smem:$0x3FA9];
	_ =	sdelay $0x3  }
0x36: {  	p1 =	seq.s32 s10, $0x1;
	s10 =	sld [smem:$0x3FAA];
	_ =	sdelay $0x3  }
0x37: {  	[smem:$0x3FAA] =	sst s10  }
0x38: {  	s10 =	sld [smem:$0x3FAB]  }
0x39: {  	_ = 	snop;
	(pc) =	sbr.ind lr, $3  }
0x3a: {  	_ = 	snop  }
0x3b: {  	_ = 	snop  }
0x3c: {  	p2 =	seq.s32 s10, $0x1;
	s10 =	sld [smem:$0x3FAA]  }
0x3d: {  	_ =	shalt  }
0x3e: {  	_ =	shalt  }
0x3f: {  	_ =	shalt  }
0x40: {  	_ =	shalt  }
0x41: {  	_ =	shalt  }
0x42: {  	_ =	shalt  }
0x43: {  	_ =	shalt  }
0x44: {  	_ =	shalt  }
0x45: {  	_ =	shalt  }
0x46: {  	_ =	shalt  }
0x47: {  	_ =	shalt  }
0x48: {  	_ =	shalt  }
0x49: {  	_ =	shalt  }
0x4a: {  	_ =	shalt  }
0x4b: {  	_ =	shalt  }
0x4c: {  	_ =	shalt  }
0x4d: {  	_ =	shalt  }
0x4e: {  	_ =	shalt  }
0x4f: {  	_ =	shalt  }
0x50: {  	_ =	shalt  }
0x51: {  	_ =	shalt  }
0x52: {  	_ =	shalt  }
0x53: {  	_ =	shalt  }
0x54: {  	_ =	shalt  }
0x55: {  	_ =	shalt  }
0x56: {  	_ =	shalt  }
0x57: {  	_ =	shalt  }
0x58: {  	_ =	shalt  }
0x59: {  	_ =	shalt  }
0x5a: {  	_ =	shalt  }
0x5b: {  	_ =	shalt  }
0x5c: {  	_ =	shalt  }
0x5d: {  	_ =	shalt  }
0x5e: {  	_ =	shalt  }
0x5f: {  	_ =	shalt  }
0x60: {  	_ =	shalt  }
0x61: {  	_ =	shalt  }
0x62: {  	_ =	shalt  }
0x63: {  	_ =	shalt  }
0x64: {  	_ =	shalt  }
0x65: {  	_ =	shalt  }
0x66: {  	_ =	shalt  }
0x67: {  	_ =	shalt  }
0x68: {  	_ =	shalt  }
0x69: {  	_ =	shalt  }
0x6a: {  	_ =	shalt  }
0x6b: {  	_ =	shalt  }
0x6c: {  	_ =	shalt  }
0x6d: {  	_ =	shalt  }
0x6e: {  	_ =	shalt  }
0x6f: {  	_ =	shalt  }
0x70: {  	_ =	shalt  }
0x71: {  	_ =	shalt  }
0x72: {  	_ =	shalt  }
0x73: {  	_ =	shalt  }
0x74: {  	_ =	shalt  }
0x75: {  	_ =	shalt  }
0x76: {  	_ =	shalt  }
0x77: {  	_ =	shalt  }
0x78: {  	_ =	shalt  }
0x79: {  	_ =	shalt  }
0x7a: {  	_ =	shalt  }
0x7b: {  	_ =	shalt  }
0x7c: {  	_ =	shalt  }
0x7d: {  	_ =	shalt  }
0x7e: {  	_ =	shalt  }
0x7f: {  	_ =	shalt  }
0x80: {  	_ =	shalt  }
0x81: {  	_ =	shalt  }
0x82: {  	_ =	shalt  }
0x83: {  	_ =	shalt  }
0x84: {  	_ =	shalt  }
0x85: {  	_ =	shalt  }
0x86: {  	_ =	shalt  }
0x87: {  	_ =	shalt  }
.Lfunc_end0:
.L_simem_size_0:
called_computation.2_lowered:
.L_overlay_start_0:
0x88: {  	s2 =	sld [smem:$0x3FD9]  }
0x89: {  	s3 =	sld [smem:$0x3FFE];
	_ =	sdelay $0x1  }
0x8a: {  	s1 =	srdreg.scid  }
0x8b: {  	s0 =	sand.u32 $0x1, s1  }
0x8c: {  	s17 =	sshll.u32 s0, $0xA;
	s2 =	sadd.s32 s3, s2  }
0x8d: {  	s2 =	sadd.s32 s2, s17  }
0x8e: {  	[smem:$0x3FB6] =	sst s2  }
0x8f: {  	_ = 	snop  }
0x90: {  	(tm) =	ssettm $0x1  }
0x91: {  	s18 =	sld [smem:$0x3FFB];
	_ =	sdelay $0x3  }
0x92: {  	_ =	strace s18  }
0x93: {  	s2 =	sld [smem:$0x3FFC];
	_ =	sdelay $0x3  }
0x94: {  	_ =	strace s2  }
0x95: {  	s2 =	sld [smem:$0x3FFD];
	_ =	sdelay $0x3  }
0x96: {  	_ =	strace s2  }
0x97: {  	_ =	strace $0x8FFFFFFF  }
0x98: {  	s19 =	sld [smem:$0x3FDB];
	_ =	sdelay $0x1  }
0x99: {  	s20 =	simm.s32 $_scs_section_size  }
0x9a: {  	s4 =	simm.s32 $_size__tile_overlayer_lowered;
	s5 =	simm.s32 $_tile_overlayer_lowered  }
0x9b: {  	s6 =	simm.s32 $0x1BFF;
	s21 =	sshll.u32 s5, $0x1;
	s3 =	sadd.s32 s20, s19  }
0x9c: {  	s22 =	simm.s32 $0x0;
	s4 =	sshll.u32 s4, $0x1;
	s5 =	sadd.s32 s21, s3  }
0x9d: {  	[timem:s22], [sflag:s6] =	dma.local [hbm:s5], s4  }
0x9e: {  	_ =	swait.ge [sflag:s6], s4  }
0x9f: {  	s4 =	ssub.s32 $0x0, s4;
	[sflag:s6] =	ssyncset.done $0x0  }
0xa0: {  	[sflag:s6] =	ssyncadd.s32 s4;
	_ =	sdelay $0x1  }
0xa1: {  	s23 =	simm.s32 $0x1B8B  }
0xa2: {  	_ =	swait.ge [sflag:s23], $0x1  }
0xa3: {  	[sflag:s23] =	ssyncset.done $0x0  }
0xa4: {  	[sflag:s23] =	ssyncadd.s32 $0xFFFFFFFF  }
0xa5: {  	s4 =	sld [smem:$0x0]  }
0xa6: {  	s5 =	sand.u32 $0xFFFFFFFE, s1  }
0xa7: {  	p0 =	sne.s32 s1, s5  }
0xa8: {  	s5 =	sshll.u32 @p0 s5, $0xE  }
0xa9: {  	s5 =	sadd.s32 @p0 $0x11B8D, s5;
	s6 =	sshll.u32 @p0 s4, $0x11  }
0xaa: {  	s5 =	sor.u32 @p0 s6, s5  }
0xab: {  	[sflag:s5] =	ssyncadd.remote.s32 @p0 $0x1;
	_ =	sdelay $0x1  }
0xac: {  	s5 =	simm.s32 @p0 $0x1B8D  }
0xad: {  	_ =	swait.eq @p0 [sflag:s5], $0x1  }
0xae: {  	[sflag:s5] =	ssyncadd.s32 @p0 $0xFFFFFFFF  }
0xaf: {  	s6 =	sshll.u32 @!p0 s1, $0xE  }
0xb0: {  	s6 =	sor.u32 @!p0 $0x4000, s6;
	s5 =	simm.s32 @!p0 $0x1B8D  }
0xb1: {  	s4 =	sshll.u32 @!p0 s4, $0x11;
	s6 =	sadd.s32 @!p0 $0x11B8D, s6;
	_ =	swait.eq @!p0 [sflag:s5], $0x1  }
0xb2: {  	s4 =	sor.u32 @!p0 s4, s6;
	[sflag:s5] =	ssyncadd.s32 @!p0 $0xFFFFFFFF  }
0xb3: {  	s25 =	simm.s32 $0x1B8E;
	s24 =	sld [smem:$0x3FFE];
	[sflag:s4] =	ssyncadd.remote.s32 @!p0 $0x1  }
0xb4: {  	s26 =	simm.s32 $execute0_lowered;
	[smem:$0x3FD2] =	sst s25  }
0xb5: {  	s5 =	sshll.u32 s26, $0x1;
	_ =	strace $0x8000004F;
	[dreg:$0x1] =	wrdreg $0xFFFFFFFF  }
0xb6: {  	s28 =	simm.s32 $_size_execute0_lowered;
	s3 =	sadd.s32 s3, s5;
	[dreg:$0x0] =	wrdreg $0x0  }
0xb7: {  	s5 =	sshll.u32 s28, $0x1;
	[dreg:$0x2] =	wrdreg s3  }
0xb8: {  	[dreg:$0x3] =	wrdreg s5  }
0xb9: {  	[dreg:$0x4] =	wrdreg $0xC0  }
0xba: {  	_ =	task [dreg:s22], $0x5FFFF  }
0xbb: {  	[dreg:$0x1] =	wrdreg $0xFFFFFFFF  }
0xbc: {  	[dreg:$0x0] =	wrdreg $0x60  }
0xbd: {  	[dreg:$0x2] =	wrdreg s24  }
0xbe: {  	[dreg:$0x3] =	wrdreg $0x9  }
0xbf: {  	_ =	task.clear_ibuf [dreg:s22], $0x4FFFF;
	_ =	strace $0x9000004F  }
0xc0: {  	s29 =	simm.s32 $0x9;
	_ =	strace $0x80000051  }
0xc1: {  	_ =	swait.ge [sflag:s29], $0x1  }
0xc2: {  	[sflag:s29] =	ssyncadd.s32 $0xFFFFFFFF  }
0xc3: {  	_ =	strace $0x90000051  }
0xc4: {  	_ =	sfence  }
0xc5: {  	s30 =	sld [smem:$0x0];
	_ =	sdelay $0x2  }
0xc6: {  	s31 =	sshll.u32 s1, $0xD;
	s1 =	sshrl.u32 s1, $0x2  }
0xc7: {  	s4 =	sand.u32 $0x4000, s31;
	s1 =	sadd.s32 s1, s30  }
0xc8: {  	s0 =	sor.u32 s4, s0;
	s1 =	sshll.u32 s1, $0x11  }
0xc9: {  	s0 =	sor.u32 s1, s0  }
0xca: {  	s0 =	sadd.s32 $0x8F2B, s0  }
0xcb: {  	[sflag:s0] =	ssyncadd.remote.s32 $0x1  }
0xcc: {  	_ =	sfence.sel $0xFFFF  }
0xcd: {  	[dreg:$0x0] =	wrdreg $0xFFFFFFFF;
	(pc) =	sbr.abs _section_cstart, $3  }
0xce: {  	[dreg:$0x1] =	wrdreg $0xFFFFFFFF  }
0xcf: {  	_ =	task.clear_ibuf [dreg:s22], $0x2FFFF;
	_ =	strace $0x9FFFFFFF  }
0xd0: {  	(tm) =	ssettm $0x7FFFFFFF  }
0xd1: {  	_ =	shalt  }
tec
execute0_lowered:
.L_overlay_start_1:
0x0: {  	(tag) =	ssettag $0x1  }
0x1: {  	s4 =	rddreg [dreg:$0x0]  }
0x2: {  	s0 =	rddreg [dreg:$0x1]  }
0x3: {  	s2 =	simm.s32 $0x0;
	s3 =	srdreg.scid;
	s1 =	stileid.u32  }
0x4: {  	s10 =	simm.s32 $0x6000;
	s11 =	simm.s32 $0xA000;
	s12 =	simm.s32 $0xE000  }
0x5: {  	s13 =	simm.s32 $0x1;
	s14 =	simm.s32 $0x2;
	s15 =	simm.s32 $0x0  }
0x6: {  	[smem:$0x7FF] =	sst s2;
	s5 =	sand.u32 $0x1, s3;
	s3 =	sadd.s32 $0x190800, s4  }
0x7: {  	s6 =	sshll.u32 s1, $0xB;
	s30 =	sshll.u32 s1, $0x12;
	_ =	strace $0x80000050  }
0x8: {  	s7 =	sshll.u32 s5, $0xA;
	s8 =	ssub.s32 $0x2, s5;
	s5 =	sshll.u32 s5, $0x11  }
0x9: {  	s6 =	sor.u32 s7, s6;
	s7 =	sadd.s32 s30, s4;
	s9 =	sshrl.u32 s8, $0x1  }
0xa: {  	s4 =	sadd.s32 s6, s4;
	s31 =	ssub.s32 s8, s9;
	s7 =	sadd.s32 s5, s7  }
0xb: {  	s8 =	simm.s32 $0x80;
	s9 =	simm.s32 $0x2000;
	s4 =	sadd.s32 $0x210800, s4  }
0xc: {  	s5 =	smax.u32 s31, $0x1;
	s6 =	sadd.s32 $0x21A000, s7;
	s7 =	simm.s32 $0x3  }
.LBB2_1:
0xd: {  	[tilespmem:s2], [sflag:$0x3] =	stream.linear.gather [hbm4b:s4+s2], $0x2000, $0x38;
	[tilespmem:$0x12000] =	vst v63  }
0xe: {  	_ =	swait.ge [sflag:s7], $0x2000  }
0xf: {  	[sflag:s7] =	ssyncset.done $0x0  }
0x10: {  	s16 =	simm.s32 $0x0;
	[sflag:s7] =	ssyncadd.s32 $0xFFFFE000  }
0x11: {  	[tilespmem:s9], [sflag:$0x1] =	stream.indirect.gather [hbm4b:s3+s8], $0x80, s16, s8, $0xb8;
	[tilespmem:$0x12000] =	vst v63  }
0x12: {  	s25 =	simm.s32 $0x80  }
0x13: {  	[tilespmem:s10], [sflag:$0x1] =	stream.indirect.gather [hbm4b:s3+s8], $0x80, s25, s8, $0xb8;
	[tilespmem:$0x12000] =	vst v63  }
0x14: {  	s26 =	simm.s32 $0x100  }
0x15: {  	[tilespmem:s11], [sflag:$0x1] =	stream.indirect.gather [hbm4b:s3+s8], $0x80, s26, s8, $0xb8;
	[tilespmem:$0x12000] =	vst v63  }
0x16: {  	s28 =	simm.s32 $0x180  }
0x17: {  	[tilespmem:s12], [sflag:$0x1] =	stream.indirect.gather [hbm4b:s3+s8], $0x80, s28, s8, $0xb8;
	[tilespmem:$0x12000] =	vst v63  }
0x18: {  	_ =	swait.ge [sflag:s13], $0x4000  }
0x19: {  	[sflag:s13] =	ssyncset.done $0x0  }
0x1a: {  	[sflag:s13] =	ssyncadd.s32 $0xFFFFC000  }
0x1b: {  	_ =	swait.ge [sflag:s13], $0x4000  }
0x1c: {  	[sflag:s13] =	ssyncset.done $0x0  }
0x1d: {  	[sflag:s13] =	ssyncadd.s32 $0xFFFFC000  }
0x1e: {  	_ =	swait.ge [sflag:s13], $0x4000  }
0x1f: {  	[sflag:s13] =	ssyncset.done $0x0  }
0x20: {  	[sflag:s13] =	ssyncadd.s32 $0xFFFFC000  }
0x21: {  	_ =	swait.ge [sflag:s13], $0x4000  }
0x22: {  	[sflag:s13] =	ssyncset.done $0x0  }
0x23: {  	s29 =	sadd.s32 $0xFFFFE800, s6;
	[sflag:s13] =	ssyncadd.s32 $0xFFFFC000  }
0x24: {  	[hbm4b:s29+s2] =	stream.linear.scatter [tilespmem:s9], [sflag:$0x2], $0x4000, $0x38;
	[tilespmem:$0x12000] =	vst v63  }
0x25: {  	s30 =	sadd.s32 $0xFFFFF000, s6  }
0x26: {  	[hbm4b:s30+s2] =	stream.linear.scatter [tilespmem:s10], [sflag:$0x2], $0x4000, $0x38;
	[tilespmem:$0x12000] =	vst v63  }
0x27: {  	s31 =	sadd.s32 $0xFFFFF800, s6  }
0x28: {  	[hbm4b:s31+s2] =	stream.linear.scatter [tilespmem:s11], [sflag:$0x2], $0x4000, $0x38;
	[tilespmem:$0x12000] =	vst v63  }
0x29: {  	_ = 	snop  }
0x2a: {  	[hbm4b:s6+s2] =	stream.linear.scatter [tilespmem:s12], [sflag:$0x2], $0x4000, $0x38;
	[tilespmem:$0x12000] =	vst v63  }
0x2b: {  	_ =	swait.ge [sflag:s14], $0x4000  }
0x2c: {  	[sflag:s14] =	ssyncset.done $0x0  }
0x2d: {  	[sflag:s14] =	ssyncadd.s32 $0xFFFFC000  }
0x2e: {  	_ =	swait.ge [sflag:s14], $0x4000  }
0x2f: {  	[sflag:s14] =	ssyncset.done $0x0  }
0x30: {  	[sflag:s14] =	ssyncadd.s32 $0xFFFFC000  }
0x31: {  	_ =	swait.ge [sflag:s14], $0x4000  }
0x32: {  	[sflag:s14] =	ssyncset.done $0x0  }
0x33: {  	[sflag:s14] =	ssyncadd.s32 $0xFFFFC000  }
0x34: {  	s17 =	simm.s32 $0x800;
	_ =	swait.ge [sflag:s14], $0x4000  }
0x35: {  	s19 =	simm.s32 $0x1000;
	s16 =	sadd.s32 $0x2000, s6;
	[sflag:s14] =	ssyncset.done $0x0  }
.LBB2_2:
0x36: {  	s20 =	sshra.s32 s17, $0x2  }
0x37: {  	[sflag:s14] =	ssyncadd.s32 $0xFFFFC000;
	s17 =	smov.u32 s19;
	s18 =	sadd.s32 $0x800, s19  }
0x38: {  	[tilespmem:s9], [sflag:$0x1] =	stream.indirect.gather [hbm4b:s3+s8], $0x80, s20, s8, $0xb8;
	[tilespmem:$0x12000] =	vst v63  }
0x39: {  	p0 =	sne.s32 s19, $0x7800;
	s19 =	sadd.s32 $0x80, s20  }
0x3a: {  	[tilespmem:s10], [sflag:$0x1] =	stream.indirect.gather [hbm4b:s3+s8], $0x80, s19, s8, $0xb8;
	[tilespmem:$0x12000] =	vst v63  }
0x3b: {  	s19 =	sadd.s32 $0x100, s20  }
0x3c: {  	[tilespmem:s11], [sflag:$0x1] =	stream.indirect.gather [hbm4b:s3+s8], $0x80, s19, s8, $0xb8;
	[tilespmem:$0x12000] =	vst v63  }
0x3d: {  	s19 =	sadd.s32 $0x180, s20  }
0x3e: {  	[tilespmem:s12], [sflag:$0x1] =	stream.indirect.gather [hbm4b:s3+s8], $0x80, s19, s8, $0xb8;
	[tilespmem:$0x12000] =	vst v63  }
0x3f: {  	_ =	swait.ge [sflag:s13], $0x4000  }
0x40: {  	[sflag:s13] =	ssyncset.done $0x0  }
0x41: {  	[sflag:s13] =	ssyncadd.s32 $0xFFFFC000  }
0x42: {  	_ =	swait.ge [sflag:s13], $0x4000  }
0x43: {  	[sflag:s13] =	ssyncset.done $0x0  }
0x44: {  	[sflag:s13] =	ssyncadd.s32 $0xFFFFC000  }
0x45: {  	_ =	swait.ge [sflag:s13], $0x4000  }
0x46: {  	[sflag:s13] =	ssyncset.done $0x0  }
0x47: {  	[sflag:s13] =	ssyncadd.s32 $0xFFFFC000  }
0x48: {  	_ =	swait.ge [sflag:s13], $0x4000  }
0x49: {  	[sflag:s13] =	ssyncset.done $0x0  }
0x4a: {  	s19 =	sadd.s32 $0xFFFFE800, s16;
	[sflag:s13] =	ssyncadd.s32 $0xFFFFC000  }
0x4b: {  	[hbm4b:s19+s2] =	stream.linear.scatter [tilespmem:s9], [sflag:$0x2], $0x4000, $0x38;
	[tilespmem:$0x12000] =	vst v63  }
0x4c: {  	s19 =	sadd.s32 $0xFFFFF000, s16  }
0x4d: {  	[hbm4b:s19+s2] =	stream.linear.scatter [tilespmem:s10], [sflag:$0x2], $0x4000, $0x38;
	[tilespmem:$0x12000] =	vst v63  }
0x4e: {  	s19 =	sadd.s32 $0xFFFFF800, s16  }
0x4f: {  	[hbm4b:s19+s2] =	stream.linear.scatter [tilespmem:s11], [sflag:$0x2], $0x4000, $0x38;
	[tilespmem:$0x12000] =	vst v63  }
0x50: {  	_ = 	snop  }
0x51: {  	[hbm4b:s16+s2] =	stream.linear.scatter [tilespmem:s12], [sflag:$0x2], $0x4000, $0x38;
	[tilespmem:$0x12000] =	vst v63  }
0x52: {  	_ =	swait.ge [sflag:s14], $0x4000  }
0x53: {  	[sflag:s14] =	ssyncset.done $0x0  }
0x54: {  	[sflag:s14] =	ssyncadd.s32 $0xFFFFC000  }
0x55: {  	_ =	swait.ge [sflag:s14], $0x4000  }
0x56: {  	[sflag:s14] =	ssyncset.done $0x0  }
0x57: {  	[sflag:s14] =	ssyncadd.s32 $0xFFFFC000  }
.Ltmp0:
0x58: {  	_ =	swait.ge [sflag:s14], $0x4000;
	(pc) =	sbr.rel @p0 .LBB2_2-.Ltmp0, $4  }
0x59: {  	[sflag:s14] =	ssyncset.done $0x0  }
0x5a: {  	[sflag:s14] =	ssyncadd.s32 $0xFFFFC000  }
0x5b: {  	_ =	swait.ge [sflag:s14], $0x4000  }
0x5c: {  	s19 =	smov.u32 s18;
	s16 =	sadd.s32 $0x2000, s16;
	[sflag:s14] =	ssyncset.done $0x0  }
0x5d: {  	s17 =	sshra.s32 s17, $0x2;
	[sflag:s14] =	ssyncadd.s32 $0xFFFFC000  }
0x5e: {  	[tilespmem:s9], [sflag:$0x1] =	stream.indirect.gather [hbm4b:s3+s8], $0x80, s17, s8, $0xb8;
	[tilespmem:$0x12000] =	vst v63  }
0x5f: {  	s18 =	sadd.s32 $0x80, s17  }
0x60: {  	[tilespmem:s10], [sflag:$0x1] =	stream.indirect.gather [hbm4b:s3+s8], $0x80, s18, s8, $0xb8;
	[tilespmem:$0x12000] =	vst v63  }
0x61: {  	s28 =	sadd.s32 $0x100, s17  }
0x62: {  	[tilespmem:s11], [sflag:$0x1] =	stream.indirect.gather [hbm4b:s3+s8], $0x80, s28, s8, $0xb8;
	[tilespmem:$0x12000] =	vst v63  }
0x63: {  	s17 =	sadd.s32 $0x180, s17  }
0x64: {  	[tilespmem:s12], [sflag:$0x1] =	stream.indirect.gather [hbm4b:s3+s8], $0x80, s17, s8, $0xb8;
	[tilespmem:$0x12000] =	vst v63  }
0x65: {  	_ =	swait.ge [sflag:s13], $0x4000  }
0x66: {  	[sflag:s13] =	ssyncset.done $0x0  }
0x67: {  	[sflag:s13] =	ssyncadd.s32 $0xFFFFC000  }
0x68: {  	_ =	swait.ge [sflag:s13], $0x4000  }
0x69: {  	[sflag:s13] =	ssyncset.done $0x0  }
0x6a: {  	[sflag:s13] =	ssyncadd.s32 $0xFFFFC000  }
0x6b: {  	_ =	swait.ge [sflag:s13], $0x4000  }
0x6c: {  	[sflag:s13] =	ssyncset.done $0x0  }
0x6d: {  	[sflag:s13] =	ssyncadd.s32 $0xFFFFC000  }
0x6e: {  	_ =	swait.ge [sflag:s13], $0x4000  }
0x6f: {  	[sflag:s13] =	ssyncset.done $0x0  }
0x70: {  	s29 =	sadd.s32 $0xFFFFE800, s16;
	[sflag:s13] =	ssyncadd.s32 $0xFFFFC000  }
0x71: {  	[hbm4b:s29+s2] =	stream.linear.scatter [tilespmem:s9], [sflag:$0x2], $0x4000, $0x38;
	[tilespmem:$0x12000] =	vst v63  }
0x72: {  	s30 =	sadd.s32 $0xFFFFF000, s16  }
0x73: {  	[hbm4b:s30+s2] =	stream.linear.scatter [tilespmem:s10], [sflag:$0x2], $0x4000, $0x38;
	[tilespmem:$0x12000] =	vst v63  }
0x74: {  	s31 =	sadd.s32 $0xFFFFF800, s16  }
0x75: {  	[hbm4b:s31+s2] =	stream.linear.scatter [tilespmem:s11], [sflag:$0x2], $0x4000, $0x38;
	[tilespmem:$0x12000] =	vst v63  }
0x76: {  	_ = 	snop  }
0x77: {  	[hbm4b:s16+s2] =	stream.linear.scatter [tilespmem:s12], [sflag:$0x2], $0x4000, $0x38;
	[tilespmem:$0x12000] =	vst v63  }
0x78: {  	_ =	swait.ge [sflag:s14], $0x4000  }
0x79: {  	[sflag:s14] =	ssyncset.done $0x0  }
0x7a: {  	[sflag:s14] =	ssyncadd.s32 $0xFFFFC000  }
0x7b: {  	_ =	swait.ge [sflag:s14], $0x4000  }
0x7c: {  	[sflag:s14] =	ssyncset.done $0x0  }
0x7d: {  	s15 =	sadd.s32 $0x1, s15;
	[sflag:s14] =	ssyncadd.s32 $0xFFFFC000  }
0x7e: {  	p0 =	sne.s32 s15, s5;
	_ =	swait.ge [sflag:s14], $0x4000  }
.Ltmp1:
0x7f: {  	[sflag:s14] =	ssyncset.done $0x0;
	(pc) =	sbr.rel @p0 .LBB2_1-.Ltmp1, $4  }
0x80: {  	[sflag:s14] =	ssyncadd.s32 $0xFFFFC000  }
0x81: {  	_ =	swait.ge [sflag:s14], $0x4000  }
0x82: {  	[sflag:s14] =	ssyncset.done $0x0  }
0x83: {  	[sflag:s14] =	ssyncadd.s32 $0xFFFFC000  }
0x84: {  	_ =	sfence.sel $0x180000  }
0x85: {  	[bflag:$0x0] =	sbarrier.arrive $0xFFFF  }
0x86: {  	p0 =	sne.s32 s1, $0x0;
	_ =	strace $0x90000050  }
0x87: {  	s0 =	sadd.s32 @!p0 $0x100000, s0;
	[bflag:$0x2] =	sbarrier.arrive $0xFFFF  }
0x88: {  	[sflag:s0] =	ssyncadd.tile.s32 @!p0 $0x1;
	_ =	shalt  }
.Lfunc_end2:
_tile_overlayer_lowered:
.L_overlay_start_2:
0x89: {  	(tag) =	ssettag $0x2  }
0x8a: {  	s0 =	rddreg [dreg:$0x0];
	s2 =	stileid.u32  }
0x8b: {  	s1 =	rddreg [dreg:$0x1];
	p0 =	sne.s32 s2, $0x0  }
0x8c: {  	s3 =	rddreg [dreg:$0x2];
	[bflag:$0x3] =	sbarrier.arrive $0xFFFF;
	s2 =	simm.s32 @!p0 $0x1C03  }
0x8d: {  	[timem:s3], [sflag:s2] =	dma.local @!p0 [hbm:s0], s1  }
0x8e: {  	s0 =	simm.s32 @!p0 $0x3  }
0x8f: {  	_ =	swait.ge @!p0 [sflag:s0], s1  }
0x90: {  	s1 =	ssub.s32 @!p0 $0x0, s1;
	[sflag:s0] =	ssyncset.done @!p0 $0x0  }
0x91: {  	[sflag:s0] =	ssyncadd.s32 @!p0 s1  }
0x92: {  	[bflag:$0x3] =	sbarrier.arrive $0xFFFF  }
0x93: {  	_ =	shalt  }

// kernel: kernel.24.cloned.1.call-start
scs
__scs_entry_jumppad:
0x0: {  	(pc) =	sbr.rel $0x88, $3  }
0x1: {  	(tag) =	ssettag $0x0;
	lr =	simm.s32 $0x1  }
0x2: {  	[smem:$0x3F8F] =	sst lr;
	_ =	strace $0xD0000000  }
0x3: {  	_ = 	snop  }
0x4: {  	_ = 	snop  }
0x5: {  	_ = 	snop  }
0x6: {  	_ = 	snop  }
0x7: {  	_ = 	snop  }
__scs_overlays_trampoline_lowered:
0x8: {  	[smem:$0x3F9E] =	sst s0  }
0x9: {  	[smem:$0x3F9F] =	sst s1  }
0xa: {  	[smem:$0x3FA0] =	sst s2  }
0xb: {  	[smem:$0x3FA1] =	sst s3  }
0xc: {  	[smem:$0x3FA2] =	sst s4  }
0xd: {  	[smem:$0x3FA3] =	sst s5  }
0xe: {  	[smem:$0x3FA4] =	sst s6  }
0xf: {  	[smem:$0x3FA5] =	sst s7  }
0x10: {  	[smem:$0x3FA6] =	sst s8  }
0x11: {  	[smem:$0x3FA7] =	sst s9;
	s0 =	simm.s32 @!p0 $0x0  }
0x12: {  	s1 =	sld [smem:$0x3F8D];
	s0 =	simm.s32 @p0 $0x1  }
0x13: {  	[smem:$0x3FA8] =	sst s0;
	s0 =	simm.s32 @!p1 $0x0  }
0x14: {  	s2 =	sld [smem:$0x3F8C];
	s0 =	simm.s32 @p1 $0x1  }
0x15: {  	[smem:$0x3FA9] =	sst s0;
	s0 =	simm.s32 @!p2 $0x0  }
0x16: {  	s3 =	sld [smem:$0x3FDB];
	s0 =	simm.s32 @p2 $0x1  }
0x17: {  	s4 =	simm.s32 $0x1BF5;
	[smem:$0x3FAB] =	sst s0  }
0x18: {  	s0 =	sld [smem:$0x3F8E];
	_ =	swait.ge [sflag:s4], $0x0  }
0x19: {  	s7 =	sld [smem:$0x3F8F]  }
0x1a: {  	s8 =	sadd.s32 $0xFFFFE003, lr  }
0x1b: {  	s9 =	sadd.s32 $0xFFFFFEF7, lr;
	s5 =	simm.s32 $0xFFFFFFFF;
	p2 =	slt.u32 s8, $0xFFFFF086  }
0x1c: {  	p1 =	slt.u32 s9, $0xF7A;
	s5 =	simm.s32 @!p2 $0x0  }
0x1d: {  	s5 =	simm.s32 @p1 $0x1;
	p0 =	seq.s32 s7, s2  }
0x1e: {  	s7 =	smul.u32 @!p0 $0xF7A, s2;
	p2 =	seq.s32 @!p0 s5, $0x0  }
0x1f: {  	s9 =	smul.u32 $0xF7A, s1;
	s8 =	simm.s32 @!p0 $0x1BF5;
	p2 =	por !p2, p0  }
0x20: {  	[sflag:s8] =	ssyncset.s32 @!p0 $0xFFFFF086;
	s6 =	sadd.s32 @!p0 s3, s7;
	s7 =	simm.s32 @!p0 $0x108  }
0x21: {  	s3 =	sadd.s32 s3, s9;
	s6 =	sadd.s32 @!p0 $0x88, s6;
	s7 =	simm.s32 @p2 $0x1082  }
0x22: {  	[simem:s7], [sflag:s8] =	dma.local @!p0 [hbm:s6], $0xF7A  }
0x23: {  	s9 =	sor.u32 $0xD0000000, s2;
	s6 =	simm.s32 $0x108;
	_ =	swait.ge @!p0 [sflag:s8], $0x0  }
0x24: {  	s3 =	sadd.s32 $0x88, s3;
	s6 =	simm.s32 @!p1 $0x1082;
	[sflag:s4] =	ssyncset.s32 $0xFFFFF086  }
0x25: {  	[simem:s6], [sflag:s4] =	dma.local [hbm:s3], $0xF7A  }
0x26: {  	[smem:$0x3F8F] =	sst s1;
	(tag) =	ssettag s2;
	_ =	strace s9  }
0x27: {  	s1 =	sld [smem:$0x3F9F]  }
0x28: {  	s2 =	sld [smem:$0x3FA0]  }
0x29: {  	s4 =	sld [smem:$0x3FA2]  }
0x2a: {  	p0 =	seq.s32 s5, $0x0;
	s5 =	sld [smem:$0x3FA3]  }
0x2b: {  	s6 =	sld [smem:$0x3FA4]  }
0x2c: {  	s7 =	sld [smem:$0x3FA5]  }
0x2d: {  	s3 =	simm.s32 $0x108;
	s8 =	sld [smem:$0x3FA6]  }
0x2e: {  	s3 =	simm.s32 @!p0 $0x1082;
	s9 =	sld [smem:$0x3FA7]  }
0x2f: {  	lr =	sadd.s32 s0, s3;
	s0 =	sld [smem:$0x3F9E]  }
0x30: {  	s3 =	sld [smem:$0x3FA1]  }
0x31: {  	[smem:$0x3FAA] =	sst s10  }
0x32: {  	s10 =	sld [smem:$0x3FA8];
	_ =	sdelay $0x3  }
0x33: {  	p0 =	seq.s32 s10, $0x1;
	s10 =	sld [smem:$0x3FAA];
	_ =	sdelay $0x3  }
0x34: {  	[smem:$0x3FAA] =	sst s10  }
0x35: {  	s10 =	sld [smem:$0x3FA9];
	_ =	sdelay $0x3  }
0x36: {  	p1 =	seq.s32 s10, $0x1;
	s10 =	sld [smem:$0x3FAA];
	_ =	sdelay $0x3  }
0x37: {  	[smem:$0x3FAA] =	sst s10  }
0x38: {  	s10 =	sld [smem:$0x3FAB]  }
0x39: {  	_ = 	snop;
	(pc) =	sbr.ind lr, $3  }
0x3a: {  	_ = 	snop  }
0x3b: {  	_ = 	snop  }
0x3c: {  	p2 =	seq.s32 s10, $0x1;
	s10 =	sld [smem:$0x3FAA]  }
0x3d: {  	_ =	shalt  }
0x3e: {  	_ =	shalt  }
0x3f: {  	_ =	shalt  }
0x40: {  	_ =	shalt  }
0x41: {  	_ =	shalt  }
0x42: {  	_ =	shalt  }
0x43: {  	_ =	shalt  }
0x44: {  	_ =	shalt  }
0x45: {  	_ =	shalt  }
0x46: {  	_ =	shalt  }
0x47: {  	_ =	shalt  }
0x48: {  	_ =	shalt  }
0x49: {  	_ =	shalt  }
0x4a: {  	_ =	shalt  }
0x4b: {  	_ =	shalt  }
0x4c: {  	_ =	shalt  }
0x4d: {  	_ =	shalt  }
0x4e: {  	_ =	shalt  }
0x4f: {  	_ =	shalt  }
0x50: {  	_ =	shalt  }
0x51: {  	_ =	shalt  }
0x52: {  	_ =	shalt  }
0x53: {  	_ =	shalt  }
0x54: {  	_ =	shalt  }
0x55: {  	_ =	shalt  }
0x56: {  	_ =	shalt  }
0x57: {  	_ =	shalt  }
0x58: {  	_ =	shalt  }
0x59: {  	_ =	shalt  }
0x5a: {  	_ =	shalt  }
0x5b: {  	_ =	shalt  }
0x5c: {  	_ =	shalt  }
0x5d: {  	_ =	shalt  }
0x5e: {  	_ =	shalt  }
0x5f: {  	_ =	shalt  }
0x60: {  	_ =	shalt  }
0x61: {  	_ =	shalt  }
0x62: {  	_ =	shalt  }
0x63: {  	_ =	shalt  }
0x64: {  	_ =	shalt  }
0x65: {  	_ =	shalt  }
0x66: {  	_ =	shalt  }
0x67: {  	_ =	shalt  }
0x68: {  	_ =	shalt  }
0x69: {  	_ =	shalt  }
0x6a: {  	_ =	shalt  }
0x6b: {  	_ =	shalt  }
0x6c: {  	_ =	shalt  }
0x6d: {  	_ =	shalt  }
0x6e: {  	_ =	shalt  }
0x6f: {  	_ =	shalt  }
0x70: {  	_ =	shalt  }
0x71: {  	_ =	shalt  }
0x72: {  	_ =	shalt  }
0x73: {  	_ =	shalt  }
0x74: {  	_ =	shalt  }
0x75: {  	_ =	shalt  }
0x76: {  	_ =	shalt  }
0x77: {  	_ =	shalt  }
0x78: {  	_ =	shalt  }
0x79: {  	_ =	shalt  }
0x7a: {  	_ =	shalt  }
0x7b: {  	_ =	shalt  }
0x7c: {  	_ =	shalt  }
0x7d: {  	_ =	shalt  }
0x7e: {  	_ =	shalt  }
0x7f: {  	_ =	shalt  }
0x80: {  	_ =	shalt  }
0x81: {  	_ =	shalt  }
0x82: {  	_ =	shalt  }
0x83: {  	_ =	shalt  }
0x84: {  	_ =	shalt  }
0x85: {  	_ =	shalt  }
0x86: {  	_ =	shalt  }
0x87: {  	_ =	shalt  }
.Lfunc_end0:
.L_simem_size_0:
called_computation.3_lowered:
.L_overlay_start_0:
0x88: {  	s2 =	sld [smem:$0x3FD9]  }
0x89: {  	s3 =	sld [smem:$0x3FFE];
	_ =	sdelay $0x1  }
0x8a: {  	s1 =	srdreg.scid  }
0x8b: {  	s0 =	sand.u32 $0x1, s1  }
0x8c: {  	s17 =	sshll.u32 s0, $0xA;
	s2 =	sadd.s32 s3, s2  }
0x8d: {  	s2 =	sadd.s32 s2, s17  }
0x8e: {  	[smem:$0x3FB6] =	sst s2  }
0x8f: {  	_ = 	snop  }
0x90: {  	(tm) =	ssettm $0x1  }
0x91: {  	s18 =	sld [smem:$0x3FFB];
	_ =	sdelay $0x3  }
0x92: {  	_ =	strace s18  }
0x93: {  	s2 =	sld [smem:$0x3FFC];
	_ =	sdelay $0x3  }
0x94: {  	_ =	strace s2  }
0x95: {  	s2 =	sld [smem:$0x3FFD];
	_ =	sdelay $0x3  }
0x96: {  	_ =	strace s2  }
0x97: {  	_ =	strace $0x8FFFFFFF  }
0x98: {  	s19 =	sld [smem:$0x3FDB];
	_ =	sdelay $0x1  }
0x99: {  	s20 =	simm.s32 $_scs_section_size  }
0x9a: {  	s4 =	simm.s32 $_size__tile_overlayer_lowered;
	s5 =	simm.s32 $_tile_overlayer_lowered  }
0x9b: {  	s6 =	simm.s32 $0x1BFF;
	s21 =	sshll.u32 s5, $0x1;
	s3 =	sadd.s32 s20, s19  }
0x9c: {  	s22 =	simm.s32 $0x0;
	s4 =	sshll.u32 s4, $0x1;
	s5 =	sadd.s32 s21, s3  }
0x9d: {  	[timem:s22], [sflag:s6] =	dma.local [hbm:s5], s4  }
0x9e: {  	_ =	swait.ge [sflag:s6], s4  }
0x9f: {  	s4 =	ssub.s32 $0x0, s4;
	[sflag:s6] =	ssyncset.done $0x0  }
0xa0: {  	[sflag:s6] =	ssyncadd.s32 s4;
	_ =	sdelay $0x1  }
0xa1: {  	s23 =	simm.s32 $0x1B8B  }
0xa2: {  	_ =	swait.ge [sflag:s23], $0x1  }
0xa3: {  	[sflag:s23] =	ssyncset.done $0x0  }
0xa4: {  	[sflag:s23] =	ssyncadd.s32 $0xFFFFFFFF  }
0xa5: {  	s4 =	sld [smem:$0x0]  }
0xa6: {  	s5 =	sand.u32 $0xFFFFFFFE, s1  }
0xa7: {  	p0 =	sne.s32 s1, s5  }
0xa8: {  	s5 =	sshll.u32 @p0 s5, $0xE  }
0xa9: {  	s5 =	sadd.s32 @p0 $0x11B8D, s5;
	s6 =	sshll.u32 @p0 s4, $0x11  }
0xaa: {  	s5 =	sor.u32 @p0 s6, s5  }
0xab: {  	[sflag:s5] =	ssyncadd.remote.s32 @p0 $0x1;
	_ =	sdelay $0x1  }
0xac: {  	s5 =	simm.s32 @p0 $0x1B8D  }
0xad: {  	_ =	swait.eq @p0 [sflag:s5], $0x1  }
0xae: {  	[sflag:s5] =	ssyncadd.s32 @p0 $0xFFFFFFFF  }
0xaf: {  	s6 =	sshll.u32 @!p0 s1, $0xE  }
0xb0: {  	s6 =	sor.u32 @!p0 $0x4000, s6;
	s5 =	simm.s32 @!p0 $0x1B8D  }
0xb1: {  	s4 =	sshll.u32 @!p0 s4, $0x11;
	s6 =	sadd.s32 @!p0 $0x11B8D, s6;
	_ =	swait.eq @!p0 [sflag:s5], $0x1  }
0xb2: {  	s4 =	sor.u32 @!p0 s4, s6;
	[sflag:s5] =	ssyncadd.s32 @!p0 $0xFFFFFFFF  }
0xb3: {  	s25 =	simm.s32 $0x1B8E;
	s24 =	sld [smem:$0x3FFE];
	[sflag:s4] =	ssyncadd.remote.s32 @!p0 $0x1  }
0xb4: {  	s26 =	simm.s32 $execute0_lowered;
	[smem:$0x3FD2] =	sst s25  }
0xb5: {  	s5 =	sshll.u32 s26, $0x1;
	_ =	strace $0x8000004C;
	[dreg:$0x1] =	wrdreg $0xFFFFFFFF  }
0xb6: {  	s28 =	simm.s32 $_size_execute0_lowered;
	s3 =	sadd.s32 s3, s5;
	[dreg:$0x0] =	wrdreg $0x0  }
0xb7: {  	s5 =	sshll.u32 s28, $0x1;
	[dreg:$0x2] =	wrdreg s3  }
0xb8: {  	[dreg:$0x3] =	wrdreg s5  }
0xb9: {  	[dreg:$0x4] =	wrdreg $0xC0  }
0xba: {  	_ =	task [dreg:s22], $0x5FFFF  }
0xbb: {  	[dreg:$0x1] =	wrdreg $0xFFFFFFFF  }
0xbc: {  	[dreg:$0x0] =	wrdreg $0x60  }
0xbd: {  	[dreg:$0x2] =	wrdreg s24  }
0xbe: {  	[dreg:$0x3] =	wrdreg $0xA  }
0xbf: {  	_ =	task.clear_ibuf [dreg:s22], $0x4FFFF;
	_ =	strace $0x9000004C  }
0xc0: {  	s29 =	simm.s32 $0xA;
	_ =	strace $0x8000004E  }
0xc1: {  	_ =	swait.ge [sflag:s29], $0x1  }
0xc2: {  	[sflag:s29] =	ssyncadd.s32 $0xFFFFFFFF  }
0xc3: {  	_ =	strace $0x9000004E  }
0xc4: {  	_ =	sfence  }
0xc5: {  	s30 =	sld [smem:$0x0];
	_ =	sdelay $0x2  }
0xc6: {  	s31 =	sshll.u32 s1, $0xD;
	s1 =	sshrl.u32 s1, $0x2  }
0xc7: {  	s4 =	sand.u32 $0x4000, s31;
	s1 =	sadd.s32 s1, s30  }
0xc8: {  	s0 =	sor.u32 s4, s0;
	s1 =	sshll.u32 s1, $0x11  }
0xc9: {  	s0 =	sor.u32 s1, s0  }
0xca: {  	s0 =	sadd.s32 $0x8F2B, s0  }
0xcb: {  	[sflag:s0] =	ssyncadd.remote.s32 $0x1  }
0xcc: {  	_ =	sfence.sel $0xFFFF  }
0xcd: {  	[dreg:$0x0] =	wrdreg $0xFFFFFFFF;
	(pc) =	sbr.abs _section_cstart, $3  }
0xce: {  	[dreg:$0x1] =	wrdreg $0xFFFFFFFF  }
0xcf: {  	_ =	task.clear_ibuf [dreg:s22], $0x2FFFF;
	_ =	strace $0x9FFFFFFF  }
0xd0: {  	(tm) =	ssettm $0x7FFFFFFF  }
0xd1: {  	_ =	shalt  }
tec
execute0_lowered:
.L_overlay_start_1:
0x0: {  	(tag) =	ssettag $0x1  }
0x1: {  	s4 =	rddreg [dreg:$0x0]  }
0x2: {  	s0 =	rddreg [dreg:$0x1]  }
0x3: {  	s2 =	simm.s32 $0x0;
	s3 =	srdreg.scid;
	s1 =	stileid.u32  }
0x4: {  	s10 =	simm.s32 $0x6000;
	s11 =	simm.s32 $0xA000;
	s12 =	simm.s32 $0xE000  }
0x5: {  	s13 =	simm.s32 $0x1;
	s14 =	simm.s32 $0x2;
	s15 =	simm.s32 $0x0  }
0x6: {  	[smem:$0x7FF] =	sst s2;
	s5 =	sand.u32 $0x1, s3;
	s3 =	sadd.s32 $0xC8800, s4  }
0x7: {  	s6 =	sshll.u32 s1, $0xB;
	s30 =	sshll.u32 s1, $0x12;
	_ =	strace $0x8000004D  }
0x8: {  	s7 =	sshll.u32 s5, $0xA;
	s8 =	ssub.s32 $0x2, s5;
	s5 =	sshll.u32 s5, $0x11  }
0x9: {  	s6 =	sor.u32 s7, s6;
	s7 =	sadd.s32 s30, s4;
	s9 =	sshrl.u32 s8, $0x1  }
0xa: {  	s4 =	sadd.s32 s6, s4;
	s31 =	ssub.s32 s8, s9;
	s7 =	sadd.s32 s5, s7  }
0xb: {  	s8 =	simm.s32 $0x80;
	s9 =	simm.s32 $0x2000;
	s4 =	sadd.s32 $0x148800, s4  }
0xc: {  	s5 =	smax.u32 s31, $0x1;
	s6 =	sadd.s32 $0x99B200, s7;
	s7 =	simm.s32 $0x3  }
.LBB2_1:
0xd: {  	[tilespmem:s2], [sflag:$0x3] =	stream.linear.gather [hbm4b:s4+s2], $0x2000, $0x38;
	[tilespmem:$0x12000] =	vst v63  }
0xe: {  	_ =	swait.ge [sflag:s7], $0x2000  }
0xf: {  	[sflag:s7] =	ssyncset.done $0x0  }
0x10: {  	s16 =	simm.s32 $0x0;
	[sflag:s7] =	ssyncadd.s32 $0xFFFFE000  }
0x11: {  	[tilespmem:s9], [sflag:$0x1] =	stream.indirect.gather [hbm4b:s3+s8], $0x80, s16, s8, $0xb8;
	[tilespmem:$0x12000] =	vst v63  }
0x12: {  	s25 =	simm.s32 $0x80  }
0x13: {  	[tilespmem:s10], [sflag:$0x1] =	stream.indirect.gather [hbm4b:s3+s8], $0x80, s25, s8, $0xb8;
	[tilespmem:$0x12000] =	vst v63  }
0x14: {  	s26 =	simm.s32 $0x100  }
0x15: {  	[tilespmem:s11], [sflag:$0x1] =	stream.indirect.gather [hbm4b:s3+s8], $0x80, s26, s8, $0xb8;
	[tilespmem:$0x12000] =	vst v63  }
0x16: {  	s28 =	simm.s32 $0x180  }
0x17: {  	[tilespmem:s12], [sflag:$0x1] =	stream.indirect.gather [hbm4b:s3+s8], $0x80, s28, s8, $0xb8;
	[tilespmem:$0x12000] =	vst v63  }
0x18: {  	_ =	swait.ge [sflag:s13], $0x4000  }
0x19: {  	[sflag:s13] =	ssyncset.done $0x0  }
0x1a: {  	[sflag:s13] =	ssyncadd.s32 $0xFFFFC000  }
0x1b: {  	_ =	swait.ge [sflag:s13], $0x4000  }
0x1c: {  	[sflag:s13] =	ssyncset.done $0x0  }
0x1d: {  	[sflag:s13] =	ssyncadd.s32 $0xFFFFC000  }
0x1e: {  	_ =	swait.ge [sflag:s13], $0x4000  }
0x1f: {  	[sflag:s13] =	ssyncset.done $0x0  }
0x20: {  	[sflag:s13] =	ssyncadd.s32 $0xFFFFC000  }
0x21: {  	_ =	swait.ge [sflag:s13], $0x4000  }
0x22: {  	[sflag:s13] =	ssyncset.done $0x0  }
0x23: {  	s29 =	sadd.s32 $0xFFFFE800, s6;
	[sflag:s13] =	ssyncadd.s32 $0xFFFFC000  }
0x24: {  	[hbm4b:s29+s2] =	stream.linear.scatter [tilespmem:s9], [sflag:$0x2], $0x4000, $0x38;
	[tilespmem:$0x12000] =	vst v63  }
0x25: {  	s30 =	sadd.s32 $0xFFFFF000, s6  }
0x26: {  	[hbm4b:s30+s2] =	stream.linear.scatter [tilespmem:s10], [sflag:$0x2], $0x4000, $0x38;
	[tilespmem:$0x12000] =	vst v63  }
0x27: {  	s31 =	sadd.s32 $0xFFFFF800, s6  }
0x28: {  	[hbm4b:s31+s2] =	stream.linear.scatter [tilespmem:s11], [sflag:$0x2], $0x4000, $0x38;
	[tilespmem:$0x12000] =	vst v63  }
0x29: {  	_ = 	snop  }
0x2a: {  	[hbm4b:s6+s2] =	stream.linear.scatter [tilespmem:s12], [sflag:$0x2], $0x4000, $0x38;
	[tilespmem:$0x12000] =	vst v63  }
0x2b: {  	_ =	swait.ge [sflag:s14], $0x4000  }
0x2c: {  	[sflag:s14] =	ssyncset.done $0x0  }
0x2d: {  	[sflag:s14] =	ssyncadd.s32 $0xFFFFC000  }
0x2e: {  	_ =	swait.ge [sflag:s14], $0x4000  }
0x2f: {  	[sflag:s14] =	ssyncset.done $0x0  }
0x30: {  	[sflag:s14] =	ssyncadd.s32 $0xFFFFC000  }
0x31: {  	_ =	swait.ge [sflag:s14], $0x4000  }
0x32: {  	[sflag:s14] =	ssyncset.done $0x0  }
0x33: {  	[sflag:s14] =	ssyncadd.s32 $0xFFFFC000  }
0x34: {  	s17 =	simm.s32 $0x800;
	_ =	swait.ge [sflag:s14], $0x4000  }
0x35: {  	s19 =	simm.s32 $0x1000;
	s16 =	sadd.s32 $0x2000, s6;
	[sflag:s14] =	ssyncset.done $0x0  }
.LBB2_2:
0x36: {  	s20 =	sshra.s32 s17, $0x2  }
0x37: {  	[sflag:s14] =	ssyncadd.s32 $0xFFFFC000;
	s17 =	smov.u32 s19;
	s18 =	sadd.s32 $0x800, s19  }
0x38: {  	[tilespmem:s9], [sflag:$0x1] =	stream.indirect.gather [hbm4b:s3+s8], $0x80, s20, s8, $0xb8;
	[tilespmem:$0x12000] =	vst v63  }
0x39: {  	p0 =	sne.s32 s19, $0x7800;
	s19 =	sadd.s32 $0x80, s20  }
0x3a: {  	[tilespmem:s10], [sflag:$0x1] =	stream.indirect.gather [hbm4b:s3+s8], $0x80, s19, s8, $0xb8;
	[tilespmem:$0x12000] =	vst v63  }
0x3b: {  	s19 =	sadd.s32 $0x100, s20  }
0x3c: {  	[tilespmem:s11], [sflag:$0x1] =	stream.indirect.gather [hbm4b:s3+s8], $0x80, s19, s8, $0xb8;
	[tilespmem:$0x12000] =	vst v63  }
0x3d: {  	s19 =	sadd.s32 $0x180, s20  }
0x3e: {  	[tilespmem:s12], [sflag:$0x1] =	stream.indirect.gather [hbm4b:s3+s8], $0x80, s19, s8, $0xb8;
	[tilespmem:$0x12000] =	vst v63  }
0x3f: {  	_ =	swait.ge [sflag:s13], $0x4000  }
0x40: {  	[sflag:s13] =	ssyncset.done $0x0  }
0x41: {  	[sflag:s13] =	ssyncadd.s32 $0xFFFFC000  }
0x42: {  	_ =	swait.ge [sflag:s13], $0x4000  }
0x43: {  	[sflag:s13] =	ssyncset.done $0x0  }
0x44: {  	[sflag:s13] =	ssyncadd.s32 $0xFFFFC000  }
0x45: {  	_ =	swait.ge [sflag:s13], $0x4000  }
0x46: {  	[sflag:s13] =	ssyncset.done $0x0  }
0x47: {  	[sflag:s13] =	ssyncadd.s32 $0xFFFFC000  }
0x48: {  	_ =	swait.ge [sflag:s13], $0x4000  }
0x49: {  	[sflag:s13] =	ssyncset.done $0x0  }
0x4a: {  	s19 =	sadd.s32 $0xFFFFE800, s16;
	[sflag:s13] =	ssyncadd.s32 $0xFFFFC000  }
0x4b: {  	[hbm4b:s19+s2] =	stream.linear.scatter [tilespmem:s9], [sflag:$0x2], $0x4000, $0x38;
	[tilespmem:$0x12000] =	vst v63  }
0x4c: {  	s19 =	sadd.s32 $0xFFFFF000, s16  }
0x4d: {  	[hbm4b:s19+s2] =	stream.linear.scatter [tilespmem:s10], [sflag:$0x2], $0x4000, $0x38;
	[tilespmem:$0x12000] =	vst v63  }
0x4e: {  	s19 =	sadd.s32 $0xFFFFF800, s16  }
0x4f: {  	[hbm4b:s19+s2] =	stream.linear.scatter [tilespmem:s11], [sflag:$0x2], $0x4000, $0x38;
	[tilespmem:$0x12000] =	vst v63  }
0x50: {  	_ = 	snop  }
0x51: {  	[hbm4b:s16+s2] =	stream.linear.scatter [tilespmem:s12], [sflag:$0x2], $0x4000, $0x38;
	[tilespmem:$0x12000] =	vst v63  }
0x52: {  	_ =	swait.ge [sflag:s14], $0x4000  }
0x53: {  	[sflag:s14] =	ssyncset.done $0x0  }
0x54: {  	[sflag:s14] =	ssyncadd.s32 $0xFFFFC000  }
0x55: {  	_ =	swait.ge [sflag:s14], $0x4000  }
0x56: {  	[sflag:s14] =	ssyncset.done $0x0  }
0x57: {  	[sflag:s14] =	ssyncadd.s32 $0xFFFFC000  }
.Ltmp0:
0x58: {  	_ =	swait.ge [sflag:s14], $0x4000;
	(pc) =	sbr.rel @p0 .LBB2_2-.Ltmp0, $4  }
0x59: {  	[sflag:s14] =	ssyncset.done $0x0  }
0x5a: {  	[sflag:s14] =	ssyncadd.s32 $0xFFFFC000  }
0x5b: {  	_ =	swait.ge [sflag:s14], $0x4000  }
0x5c: {  	s19 =	smov.u32 s18;
	s16 =	sadd.s32 $0x2000, s16;
	[sflag:s14] =	ssyncset.done $0x0  }
0x5d: {  	s17 =	sshra.s32 s17, $0x2;
	[sflag:s14] =	ssyncadd.s32 $0xFFFFC000  }
0x5e: {  	[tilespmem:s9], [sflag:$0x1] =	stream.indirect.gather [hbm4b:s3+s8], $0x80, s17, s8, $0xb8;
	[tilespmem:$0x12000] =	vst v63  }
0x5f: {  	s18 =	sadd.s32 $0x80, s17  }
0x60: {  	[tilespmem:s10], [sflag:$0x1] =	stream.indirect.gather [hbm4b:s3+s8], $0x80, s18, s8, $0xb8;
	[tilespmem:$0x12000] =	vst v63  }
0x61: {  	s28 =	sadd.s32 $0x100, s17  }
0x62: {  	[tilespmem:s11], [sflag:$0x1] =	stream.indirect.gather [hbm4b:s3+s8], $0x80, s28, s8, $0xb8;
	[tilespmem:$0x12000] =	vst v63  }
0x63: {  	s17 =	sadd.s32 $0x180, s17  }
0x64: {  	[tilespmem:s12], [sflag:$0x1] =	stream.indirect.gather [hbm4b:s3+s8], $0x80, s17, s8, $0xb8;
	[tilespmem:$0x12000] =	vst v63  }
0x65: {  	_ =	swait.ge [sflag:s13], $0x4000  }
0x66: {  	[sflag:s13] =	ssyncset.done $0x0  }
0x67: {  	[sflag:s13] =	ssyncadd.s32 $0xFFFFC000  }
0x68: {  	_ =	swait.ge [sflag:s13], $0x4000  }
0x69: {  	[sflag:s13] =	ssyncset.done $0x0  }
0x6a: {  	[sflag:s13] =	ssyncadd.s32 $0xFFFFC000  }
0x6b: {  	_ =	swait.ge [sflag:s13], $0x4000  }
0x6c: {  	[sflag:s13] =	ssyncset.done $0x0  }
0x6d: {  	[sflag:s13] =	ssyncadd.s32 $0xFFFFC000  }
0x6e: {  	_ =	swait.ge [sflag:s13], $0x4000  }
0x6f: {  	[sflag:s13] =	ssyncset.done $0x0  }
0x70: {  	s29 =	sadd.s32 $0xFFFFE800, s16;
	[sflag:s13] =	ssyncadd.s32 $0xFFFFC000  }
0x71: {  	[hbm4b:s29+s2] =	stream.linear.scatter [tilespmem:s9], [sflag:$0x2], $0x4000, $0x38;
	[tilespmem:$0x12000] =	vst v63  }
0x72: {  	s30 =	sadd.s32 $0xFFFFF000, s16  }
0x73: {  	[hbm4b:s30+s2] =	stream.linear.scatter [tilespmem:s10], [sflag:$0x2], $0x4000, $0x38;
	[tilespmem:$0x12000] =	vst v63  }
0x74: {  	s31 =	sadd.s32 $0xFFFFF800, s16  }
0x75: {  	[hbm4b:s31+s2] =	stream.linear.scatter [tilespmem:s11], [sflag:$0x2], $0x4000, $0x38;
	[tilespmem:$0x12000] =	vst v63  }
0x76: {  	_ = 	snop  }
0x77: {  	[hbm4b:s16+s2] =	stream.linear.scatter [tilespmem:s12], [sflag:$0x2], $0x4000, $0x38;
	[tilespmem:$0x12000] =	vst v63  }
0x78: {  	_ =	swait.ge [sflag:s14], $0x4000  }
0x79: {  	[sflag:s14] =	ssyncset.done $0x0  }
0x7a: {  	[sflag:s14] =	ssyncadd.s32 $0xFFFFC000  }
0x7b: {  	_ =	swait.ge [sflag:s14], $0x4000  }
0x7c: {  	[sflag:s14] =	ssyncset.done $0x0  }
0x7d: {  	s15 =	sadd.s32 $0x1, s15;
	[sflag:s14] =	ssyncadd.s32 $0xFFFFC000  }
0x7e: {  	p0 =	sne.s32 s15, s5;
	_ =	swait.ge [sflag:s14], $0x4000  }
.Ltmp1:
0x7f: {  	[sflag:s14] =	ssyncset.done $0x0;
	(pc) =	sbr.rel @p0 .LBB2_1-.Ltmp1, $4  }
0x80: {  	[sflag:s14] =	ssyncadd.s32 $0xFFFFC000  }
0x81: {  	_ =	swait.ge [sflag:s14], $0x4000  }
0x82: {  	[sflag:s14] =	ssyncset.done $0x0  }
0x83: {  	[sflag:s14] =	ssyncadd.s32 $0xFFFFC000  }
0x84: {  	_ =	sfence.sel $0x180000  }
0x85: {  	[bflag:$0x0] =	sbarrier.arrive $0xFFFF  }
0x86: {  	p0 =	sne.s32 s1, $0x0;
	_ =	strace $0x9000004D  }
0x87: {  	s0 =	sadd.s32 @!p0 $0x100000, s0;
	[bflag:$0x2] =	sbarrier.arrive $0xFFFF  }
0x88: {  	[sflag:s0] =	ssyncadd.tile.s32 @!p0 $0x1;
	_ =	shalt  }
.Lfunc_end2:
_tile_overlayer_lowered:
.L_overlay_start_2:
0x89: {  	(tag) =	ssettag $0x2  }
0x8a: {  	s0 =	rddreg [dreg:$0x0];
	s2 =	stileid.u32  }
0x8b: {  	s1 =	rddreg [dreg:$0x1];
	p0 =	sne.s32 s2, $0x0  }
0x8c: {  	s3 =	rddreg [dreg:$0x2];
	[bflag:$0x3] =	sbarrier.arrive $0xFFFF;
	s2 =	simm.s32 @!p0 $0x1C03  }
0x8d: {  	[timem:s3], [sflag:s2] =	dma.local @!p0 [hbm:s0], s1  }
0x8e: {  	s0 =	simm.s32 @!p0 $0x3  }
0x8f: {  	_ =	swait.ge @!p0 [sflag:s0], s1  }
0x90: {  	s1 =	ssub.s32 @!p0 $0x0, s1;
	[sflag:s0] =	ssyncset.done @!p0 $0x0  }
0x91: {  	[sflag:s0] =	ssyncadd.s32 @!p0 s1  }
0x92: {  	[bflag:$0x3] =	sbarrier.arrive $0xFFFF  }
0x93: {  	_ =	shalt  }

</sc_bundles>
